<compile_context>
chip_gen: v7x
topology: tpu7x:2x2x1
jax: 0.10.2.dev20260603
libtpu: 0.0.44.dev20260713+nightly
codegen_flags: <defaults>
</compile_context>

<pallas_src>
import functools

import jax
import jax.numpy as jnp
from jax import lax
from jax.experimental import pallas as pl
from jax.experimental.pallas import tpu as pltpu
from jax.experimental.pallas import tpu_sc as plsc

AXES_LIMIT = 40.0
RESOLUTION = 0.25
WL = int(AXES_LIMIT * 2 / RESOLUTION)

B = 2
C = 128
N = 20000
NPAD = 20480
HW = WL * WL

P = 256
CPBF = N // P
TAIL = N - CPBF * P
NCHF = B * CPBF
NTILES = 32
MAXC = (NCHF + NTILES - 1) // NTILES


def _prep_kernel(locT_ref, idx_ref, msk_ref):
    x = locT_ref[0, 0]
    y = locT_ref[0, 1]
    m = (x > -1.0) & (x < 1.0) & (y > -1.0) & (y < 1.0)
    xs = jnp.clip(x, -0.999, 0.999) * AXES_LIMIT
    ys = jnp.clip(y, -0.999, 0.999) * AXES_LIMIT
    row = ((AXES_LIMIT - ys) / RESOLUTION).astype(jnp.int32)
    col = ((AXES_LIMIT + xs) / RESOLUTION).astype(jnp.int32)
    base = pl.program_id(0) * HW
    idx_ref[0, 0] = jnp.where(m, base + row * WL + col, -1)
    msk_ref[0, 0] = m.astype(jnp.int32)


_prep = pl.pallas_call(
    _prep_kernel,
    out_shape=(jax.ShapeDtypeStruct((B, 1, NPAD), jnp.int32),
               jax.ShapeDtypeStruct((B, 1, NPAD), jnp.int32)),
    grid=(B,),
    in_specs=[pl.BlockSpec((1, 2, NPAD), lambda b: (b, 0, 0))],
    out_specs=(pl.BlockSpec((1, 1, NPAD), lambda b: (b, 0, 0)),
               pl.BlockSpec((1, 1, NPAD), lambda b: (b, 0, 0))),
)


def _sc_body(table_hbm, idx_hbm, msk_hbm, empty_hbm, out_hbm,
             rowsbuf, idxbuf, emptybuf, mskbuf, sem):
    cid = lax.axis_index("c")
    sid = lax.axis_index("s")
    t = sid * 2 + cid

    pltpu.sync_copy(empty_hbm, emptybuf)
    evs = [emptybuf[pl.ds(16 * j, 16)] for j in range(8)]

    def issue(b, n0, npts, half):
        hp = half * P
        pltpu.sync_copy(idx_hbm.at[b, 0, pl.ds(n0, npts)],
                        idxbuf.at[pl.ds(0, npts)])
        pltpu.sync_copy(msk_hbm.at[b, 0, pl.ds(n0, npts)],
                        mskbuf.at[pl.ds(hp, npts)])
        for g in range(npts // 16):
            pltpu.async_copy(
                table_hbm.at[plsc.Indices(idxbuf[pl.ds(16 * g, 16)],
                                          ignored_value=-1)],
                rowsbuf.at[pl.ds(hp + 16 * g, 16), :], sem)

    def finish(b, n0, npts, half):
        hp = half * P
        pltpu.make_async_copy(table_hbm.at[pl.ds(0, npts), :],
                              rowsbuf.at[pl.ds(hp, npts), :],
                              sem).wait()

        def fix_body(i, _):
            i16 = jnp.zeros((16,), jnp.int32) + hp + i
            mv = plsc.load_gather(mskbuf, [i16])
            pred = mv != 0
            for jj in range(8):
                r = rowsbuf[hp + i, pl.ds(16 * jj, 16)]
                rowsbuf[hp + i, pl.ds(16 * jj, 16)] = jnp.where(
                    pred, r, evs[jj])
            return 0

        lax.fori_loop(0, npts, fix_body, 0)
        out0 = pl.multiple_of(b * N, 8) + n0
        pltpu.sync_copy(rowsbuf.at[pl.ds(hp, npts), :],
                        out_hbm.at[pl.ds(out0, npts), :])

    def chunk_args(c):
        j = t + NTILES * c
        return j < NCHF, j // CPBF, pl.multiple_of((j % CPBF) * P, P)

    for c in range(MAXC):
        ok, b, n0 = chunk_args(c)

        @pl.when(ok)
        def _issue(b=b, n0=n0, c=c):
            issue(b, n0, P, c % 2)

        if c > 0:
            ok1, b1, n1 = chunk_args(c - 1)

            @pl.when(ok1)
            def _finish(b1=b1, n1=n1, c=c):
                finish(b1, n1, P, (c - 1) % 2)

    okl, bl, nl = chunk_args(MAXC - 1)

    @pl.when(okl)
    def _finish_last():
        finish(bl, nl, P, (MAXC - 1) % 2)

    @pl.when(t < B)
    def _tail():
        issue(t, CPBF * P, TAIL, 0)
        finish(t, CPBF * P, TAIL, 0)


@functools.partial(
    pl.kernel,
    out_type=jax.ShapeDtypeStruct((B * N, C), jnp.float32),
    mesh=plsc.VectorSubcoreMesh(core_axis_name="c", subcore_axis_name="s"),
    compiler_params=pltpu.CompilerParams(needs_layout_passes=False),
    scratch_types=[
        pltpu.VMEM((2 * P, C), jnp.float32),
        pltpu.VMEM((P,), jnp.int32),
        pltpu.VMEM((C,), jnp.float32),
        pltpu.VMEM((2 * P,), jnp.int32),
        pltpu.SemaphoreType.DMA,
    ],
)
def _sc_gather(table_hbm, idx_hbm, msk_hbm, empty_hbm, out_hbm, *scratch):
    _sc_body(table_hbm, idx_hbm, msk_hbm, empty_hbm, out_hbm, *scratch)


def kernel(fmap, loc, empty):
    table = fmap.transpose(0, 2, 3, 1).reshape(B * HW, C)
    locT = jnp.pad(loc.transpose(0, 2, 1), ((0, 0), (0, 0), (0, NPAD - N)),
                   constant_values=5.0)
    idx, msk = _prep(locT)
    out = _sc_gather(table, idx, msk, empty)
    return out.reshape(B, N, C)

# --- scband reference (transcript-rebuilt; emitter-appended) ---
"""Pipeline reference for scband-map-index-layer-49727131353160 (READ-ONLY COPY).

The authoritative reference and input builder live on the scoring server;
editing this copy changes nothing except your own understanding.
"""

import jax, jax.numpy as jnp
import numpy as np

AXES_LIMIT = 40.0
RESOLUTION = 0.25
WL = int(AXES_LIMIT * 2 / RESOLUTION)


def setup_inputs(seed: int = 0) -> dict:
    key = jax.random.key(seed)
    k1, k2, k3 = jax.random.split(key, 3)
    fmap = jax.random.normal(k1, (2, 128, 320, 320), dtype=jnp.float32)
    loc = jax.random.normal(k2, (2, 20000, 2), dtype=jnp.float32)
    empty = jax.random.normal(k3, (128,), dtype=jnp.float32)
    return {"fmap": fmap, "loc": loc, "empty": empty}


def reference(fmap, loc, empty):
    B, C, H, W = fmap.shape
    mask = (loc[..., 0] > -1) & (loc[..., 0] < 1) & (loc[..., 1] > -1) & (loc[..., 1] < 1)
    locc = jnp.clip(loc, -0.999, 0.999)
    x = locc[..., 0] * AXES_LIMIT
    y = locc[..., 1] * AXES_LIMIT
    row = ((AXES_LIMIT - y) / RESOLUTION).astype(jnp.int32)
    col = ((AXES_LIMIT + x) / RESOLUTION).astype(jnp.int32)
    idx = row * WL + col  # [B, N]
    fmap_flat = fmap.reshape(B, C, H * W).transpose(0, 2, 1)  # [B, HW, C]
    indexed = jnp.take_along_axis(fmap_flat, idx[..., None], axis=1)  # [B, N, C]
    indexed = jnp.where(mask[..., None], indexed, empty[None, None, :])
    return indexed

if __name__ == "__main__":
    import jax
    _d = setup_inputs()
    print(jax.jit(kernel)(*tuple(_d.values())))

</pallas_src>

<mosaic_0001>
#map = affine_map<(d0, d1) -> (0, 0)>
#map1 = affine_map<(d0, d1) -> (0, 0, 0)>
#map2 = affine_map<(d0, d1) -> (0)>
module attributes {stable_mosaic.version = 14 : i64} {
  func.func @_sc_gather(%arg0: i32, %arg1: i32, %arg2: memref<204800x128xf32, #tpu.memory_space<hbm>>, %arg3: memref<2x1x20480xi32, #tpu.memory_space<hbm>>, %arg4: memref<2x1x20480xi32, #tpu.memory_space<hbm>>, %arg5: memref<128xf32, #tpu.memory_space<hbm>>, %arg6: memref<40000x128xf32, #tpu.memory_space<hbm>>, %arg7: memref<512x128xf32, #tpu.memory_space<vmem>>, %arg8: memref<256xi32, #tpu.memory_space<vmem>>, %arg9: memref<128xf32, #tpu.memory_space<vmem>>, %arg10: memref<512xi32, #tpu.memory_space<vmem>>, %arg11: memref<!tpu.dma_semaphore, #tpu.memory_space<semaphore_mem>>) attributes {dimension_semantics = [#tpu.dimension_semantics<core_parallel>, #tpu.dimension_semantics<subcore_parallel>], iteration_bounds = array<i64: 2, 16>, scalar_prefetch = 0 : i64, scratch_operands = 5 : i64, tpu.core_type = #tpu.core_type<sc_vector_subcore>, window_params = [{transform_indices = #map}, {transform_indices = #map1}, {transform_indices = #map1}, {transform_indices = #map2}, {transform_indices = #map}]} {
    %mul3A = arith.constant 2 : i32
    %mul3A_0 = arith.muli %arg1, %mul3A : i32
    %add3A = arith.addi %mul3A_0, %arg0 : i32
    "tpu.region"() ({
      %run_scoped3A = tpu.sem_alloc : memref<!tpu.dma_semaphore, #tpu.memory_space<semaphore_mem>>
      tpu.enqueue_dma source(%arg5 : memref<128xf32, #tpu.memory_space<hbm>>) target(%arg9 : memref<128xf32, #tpu.memory_space<vmem>>) target_semaphore(%run_scoped3A : memref<!tpu.dma_semaphore, #tpu.memory_space<semaphore_mem>>)
      tpu.wait_dma2 semaphore(%run_scoped3A : memref<!tpu.dma_semaphore, #tpu.memory_space<semaphore_mem>>) src(%arg5 : memref<128xf32, #tpu.memory_space<hbm>>) dst(%arg9 : memref<128xf32, #tpu.memory_space<vmem>>)
      tpu.yield
    }) : () -> ()
    %get3A = arith.constant 0 : index
    %get3A_1 = tpu.vector_load %arg9[%get3A] {strides = array<i32>} : memref<128xf32, #tpu.memory_space<vmem>>, vector<16xf32>,
    %get3A_2 = arith.constant 16 : index
    %get3A_3 = tpu.vector_load %arg9[%get3A_2] {strides = array<i32>} : memref<128xf32, #tpu.memory_space<vmem>>, vector<16xf32>,
    %get3A_4 = arith.constant 32 : index
    %get3A_5 = tpu.vector_load %arg9[%get3A_4] {strides = array<i32>} : memref<128xf32, #tpu.memory_space<vmem>>, vector<16xf32>,
    %get3A_6 = arith.constant 48 : index
    %get3A_7 = tpu.vector_load %arg9[%get3A_6] {strides = array<i32>} : memref<128xf32, #tpu.memory_space<vmem>>, vector<16xf32>,
    %get3A_8 = arith.constant 64 : index
    %get3A_9 = tpu.vector_load %arg9[%get3A_8] {strides = array<i32>} : memref<128xf32, #tpu.memory_space<vmem>>, vector<16xf32>,
    %get3A_10 = arith.constant 80 : index
    %get3A_11 = tpu.vector_load %arg9[%get3A_10] {strides = array<i32>} : memref<128xf32, #tpu.memory_space<vmem>>, vector<16xf32>,
    %get3A_12 = arith.constant 96 : index
    %get3A_13 = tpu.vector_load %arg9[%get3A_12] {strides = array<i32>} : memref<128xf32, #tpu.memory_space<vmem>>, vector<16xf32>,
    %get3A_14 = arith.constant 112 : index
    %get3A_15 = tpu.vector_load %arg9[%get3A_14] {strides = array<i32>} : memref<128xf32, #tpu.memory_space<vmem>>, vector<16xf32>,
    %add3A_16 = arith.constant 0 : i32
    %add3A_17 = arith.addi %add3A, %add3A_16 : i32
    %lt3A = arith.constant 156 : i32
    %lt3A_18 = arith.cmpi slt, %add3A_17, %lt3A : i32
    %jit3A = arith.constant 78 : i32
    %div3A = arith.divsi %add3A_17, %jit3A : i32
    %sign3A = arith.constant 0 : i32
    %sign3A_19 = arith.cmpi sgt, %add3A_17, %sign3A : i32
    %sign3A_20 = arith.extui %sign3A_19 : i1 to i32
    %sign3A_21 = arith.constant 0 : i32
    %sign3A_22 = arith.cmpi slt, %add3A_17, %sign3A_21 : i32
    %sign3A_23 = arith.extui %sign3A_22 : i1 to i32
    %sign3A_24 = arith.subi %sign3A_20, %sign3A_23 : i32
    %sign3A_25 = arith.constant 0 : i32
    %sign3A_26 = arith.cmpi sgt, %jit3A, %sign3A_25 : i32
    %sign3A_27 = arith.extui %sign3A_26 : i1 to i32
    %sign3A_28 = arith.constant 0 : i32
    %sign3A_29 = arith.cmpi slt, %jit3A, %sign3A_28 : i32
    %sign3A_30 = arith.extui %sign3A_29 : i1 to i32
    %sign3A_31 = arith.subi %sign3A_27, %sign3A_30 : i32
    %ne3A = arith.cmpi ne, %sign3A_24, %sign3A_31 : i32
    %rem3A = arith.remsi %add3A_17, %jit3A : i32
    %ne3A_32 = arith.constant 0 : i32
    %ne3A_33 = arith.cmpi ne, %rem3A, %ne3A_32 : i32
    %and3A = arith.andi %ne3A, %ne3A_33 : i1
    %sub3A = arith.constant 1 : i32
    %sub3A_34 = arith.subi %div3A, %sub3A : i32
    %select_n3A = arith.select %and3A, %sub3A_34, %div3A : i32
    %jit3A_35 = arith.constant 78 : i32
    %eq3A = arith.constant 0 : i32
    %eq3A_36 = arith.cmpi eq, %jit3A_35, %eq3A : i32
    %jit3A_37 = arith.constant 1 : i32
    %select_n3A_38 = arith.select %eq3A_36, %jit3A_37, %jit3A_35 : i32
    %rem3A_39 = arith.remsi %add3A_17, %select_n3A_38 : i32
    %ne3A_40 = arith.constant 0 : i32
    %ne3A_41 = arith.cmpi ne, %rem3A_39, %ne3A_40 : i32
    %lt3A_42 = arith.constant 0 : i32
    %lt3A_43 = arith.cmpi slt, %rem3A_39, %lt3A_42 : i32
    %lt3A_44 = arith.constant 0 : i32
    %lt3A_45 = arith.cmpi slt, %select_n3A_38, %lt3A_44 : i32
    %ne3A_46 = arith.xori %lt3A_43, %lt3A_45 : i1
    %and3A_47 = arith.andi %ne3A_46, %ne3A_41 : i1
    %add3A_48 = arith.addi %rem3A_39, %select_n3A_38 : i32
    %select_n3A_49 = arith.select %and3A_47, %add3A_48, %rem3A_39 : i32
    %mul3A_50 = arith.constant 256 : i32
    %mul3A_51 = arith.muli %select_n3A_49, %mul3A_50 : i32
    %multiple_of3A = tpu.assume_multiple %mul3A_51, 256 : i32
    %convert_element_type3A = arith.extui %lt3A_18 : i1 to i32
    %cond3A = arith.constant 0 : i32
    %cond3A_52 = arith.cmpi ne, %convert_element_type3A, %cond3A : i32
    scf.if %cond3A_52 {
      %run_scoped3A = arith.constant 0 : i32
      "tpu.region"() ({
        %run_scoped3A_652 = tpu.sem_alloc : memref<!tpu.dma_semaphore, #tpu.memory_space<semaphore_mem>>
        %dma_start3A_653 = arith.constant 0 : i32
        %dma_start3A_654 = tpu.memref_slice %arg8[%dma_start3A_653] : memref<256xi32, #tpu.memory_space<vmem>> -> memref<256xi32, #tpu.memory_space<vmem>>
        %dma_start3A_655 = tpu.memref_slice %arg3[%select_n3A, %run_scoped3A, %multiple_of3A] : memref<2x1x20480xi32, #tpu.memory_space<hbm>> -> memref<1x1x256xi32, #tpu.memory_space<hbm>>
        %dma_start3A_656 = tpu.memref_squeeze %dma_start3A_655 : memref<1x1x256xi32, #tpu.memory_space<hbm>> -> memref<256xi32, #tpu.memory_space<hbm>>
        %dma_start3A_657 = arith.constant 0 : i32
        %dma_start3A_658 = tpu.memref_slice %arg8[%dma_start3A_657] : memref<256xi32, #tpu.memory_space<vmem>> -> memref<256xi32, #tpu.memory_space<vmem>>
        %dma_start3A_659 = tpu.memref_slice %arg3[%select_n3A, %run_scoped3A, %multiple_of3A] : memref<2x1x20480xi32, #tpu.memory_space<hbm>> -> memref<1x1x256xi32, #tpu.memory_space<hbm>>
        %dma_start3A_660 = tpu.memref_squeeze %dma_start3A_659 : memref<1x1x256xi32, #tpu.memory_space<hbm>> -> memref<256xi32, #tpu.memory_space<hbm>>
        tpu.enqueue_dma source(%dma_start3A_660 : memref<256xi32, #tpu.memory_space<hbm>>) target(%dma_start3A_658 : memref<256xi32, #tpu.memory_space<vmem>>) target_semaphore(%run_scoped3A_652 : memref<!tpu.dma_semaphore, #tpu.memory_space<semaphore_mem>>)
        %dma_wait3A = arith.constant 0 : i32
        %dma_wait3A_661 = tpu.memref_slice %arg8[%dma_wait3A] : memref<256xi32, #tpu.memory_space<vmem>> -> memref<256xi32, #tpu.memory_space<vmem>>
        %dma_wait3A_662 = tpu.memref_slice %arg3[%select_n3A, %run_scoped3A, %multiple_of3A] : memref<2x1x20480xi32, #tpu.memory_space<hbm>> -> memref<1x1x256xi32, #tpu.memory_space<hbm>>
        %dma_wait3A_663 = tpu.memref_squeeze %dma_wait3A_662 : memref<1x1x256xi32, #tpu.memory_space<hbm>> -> memref<256xi32, #tpu.memory_space<hbm>>
        %dma_wait3A_664 = arith.constant 0 : i32
        %dma_wait3A_665 = tpu.memref_slice %arg8[%dma_wait3A_664] : memref<256xi32, #tpu.memory_space<vmem>> -> memref<256xi32, #tpu.memory_space<vmem>>
        %dma_wait3A_666 = tpu.memref_slice %arg3[%select_n3A, %run_scoped3A, %multiple_of3A] : memref<2x1x20480xi32, #tpu.memory_space<hbm>> -> memref<1x1x256xi32, #tpu.memory_space<hbm>>
        %dma_wait3A_667 = tpu.memref_squeeze %dma_wait3A_666 : memref<1x1x256xi32, #tpu.memory_space<hbm>> -> memref<256xi32, #tpu.memory_space<hbm>>
        tpu.wait_dma2 semaphore(%run_scoped3A_652 : memref<!tpu.dma_semaphore, #tpu.memory_space<semaphore_mem>>) src(%dma_wait3A_667 : memref<256xi32, #tpu.memory_space<hbm>>) dst(%dma_wait3A_665 : memref<256xi32, #tpu.memory_space<vmem>>)
        tpu.yield
      }) : () -> ()
      %run_scoped3A_508 = arith.constant 0 : i32
      "tpu.region"() ({
        %run_scoped3A_652 = tpu.sem_alloc : memref<!tpu.dma_semaphore, #tpu.memory_space<semaphore_mem>>
        %dma_start3A_653 = arith.constant 0 : i32
        %dma_start3A_654 = tpu.memref_slice %arg10[%dma_start3A_653] : memref<512xi32, #tpu.memory_space<vmem>> -> memref<256xi32, #tpu.memory_space<vmem>>
        %dma_start3A_655 = tpu.memref_slice %arg4[%select_n3A, %run_scoped3A_508, %multiple_of3A] : memref<2x1x20480xi32, #tpu.memory_space<hbm>> -> memref<1x1x256xi32, #tpu.memory_space<hbm>>
        %dma_start3A_656 = tpu.memref_squeeze %dma_start3A_655 : memref<1x1x256xi32, #tpu.memory_space<hbm>> -> memref<256xi32, #tpu.memory_space<hbm>>
        %dma_start3A_657 = arith.constant 0 : i32
        %dma_start3A_658 = tpu.memref_slice %arg10[%dma_start3A_657] : memref<512xi32, #tpu.memory_space<vmem>> -> memref<256xi32, #tpu.memory_space<vmem>>
        %dma_start3A_659 = tpu.memref_slice %arg4[%select_n3A, %run_scoped3A_508, %multiple_of3A] : memref<2x1x20480xi32, #tpu.memory_space<hbm>> -> memref<1x1x256xi32, #tpu.memory_space<hbm>>
        %dma_start3A_660 = tpu.memref_squeeze %dma_start3A_659 : memref<1x1x256xi32, #tpu.memory_space<hbm>> -> memref<256xi32, #tpu.memory_space<hbm>>
        tpu.enqueue_dma source(%dma_start3A_660 : memref<256xi32, #tpu.memory_space<hbm>>) target(%dma_start3A_658 : memref<256xi32, #tpu.memory_space<vmem>>) target_semaphore(%run_scoped3A_652 : memref<!tpu.dma_semaphore, #tpu.memory_space<semaphore_mem>>)
        %dma_wait3A = arith.constant 0 : i32
        %dma_wait3A_661 = tpu.memref_slice %arg10[%dma_wait3A] : memref<512xi32, #tpu.memory_space<vmem>> -> memref<256xi32, #tpu.memory_space<vmem>>
        %dma_wait3A_662 = tpu.memref_slice %arg4[%select_n3A, %run_scoped3A_508, %multiple_of3A] : memref<2x1x20480xi32, #tpu.memory_space<hbm>> -> memref<1x1x256xi32, #tpu.memory_space<hbm>>
        %dma_wait3A_663 = tpu.memref_squeeze %dma_wait3A_662 : memref<1x1x256xi32, #tpu.memory_space<hbm>> -> memref<256xi32, #tpu.memory_space<hbm>>
        %dma_wait3A_664 = arith.constant 0 : i32
        %dma_wait3A_665 = tpu.memref_slice %arg10[%dma_wait3A_664] : memref<512xi32, #tpu.memory_space<vmem>> -> memref<256xi32, #tpu.memory_space<vmem>>
        %dma_wait3A_666 = tpu.memref_slice %arg4[%select_n3A, %run_scoped3A_508, %multiple_of3A] : memref<2x1x20480xi32, #tpu.memory_space<hbm>> -> memref<1x1x256xi32, #tpu.memory_space<hbm>>
        %dma_wait3A_667 = tpu.memref_squeeze %dma_wait3A_666 : memref<1x1x256xi32, #tpu.memory_space<hbm>> -> memref<256xi32, #tpu.memory_space<hbm>>
        tpu.wait_dma2 semaphore(%run_scoped3A_652 : memref<!tpu.dma_semaphore, #tpu.memory_space<semaphore_mem>>) src(%dma_wait3A_667 : memref<256xi32, #tpu.memory_space<hbm>>) dst(%dma_wait3A_665 : memref<256xi32, #tpu.memory_space<vmem>>)
        tpu.yield
      }) : () -> ()
      %get3A_509 = arith.constant 0 : index
      %get3A_510 = tpu.vector_load %arg8[%get3A_509] {strides = array<i32>} : memref<256xi32, #tpu.memory_space<vmem>>, vector<16xi32>,
      %dma_start3A = arith.constant 0 : i32
      %dma_start3A_511 = arith.constant 0 : i32
      %dma_start3A_512 = tpu.memref_slice %arg7[%dma_start3A, %dma_start3A_511] : memref<512x128xf32, #tpu.memory_space<vmem>> -> memref<16x128xf32, #tpu.memory_space<vmem>>
      %dma_start3A_513 = arith.constant 0 : i32
      %dma_start3A_514 = arith.constant 0 : i32
      %dma_start3A_515 = tpu.memref_slice %arg2[%dma_start3A_513, %dma_start3A_514] : memref<204800x128xf32, #tpu.memory_space<hbm>> -> memref<204800x128xf32, #tpu.memory_space<hbm>>
      %dma_start3A_516 = arith.constant -1 : i32
      tpu.enqueue_indirect_dma source(%dma_start3A_515 : memref<204800x128xf32, #tpu.memory_space<hbm>>) target(%dma_start3A_512 : memref<16x128xf32, #tpu.memory_space<vmem>>) offsets(%get3A_510 : vector<16xi32>) offset_filter(%dma_start3A_516) semaphore(%arg11 : memref<!tpu.dma_semaphore, #tpu.memory_space<semaphore_mem>>)
      %get3A_517 = arith.constant 16 : index
      %get3A_518 = tpu.vector_load %arg8[%get3A_517] {strides = array<i32>} : memref<256xi32, #tpu.memory_space<vmem>>, vector<16xi32>,
      %dma_start3A_519 = arith.constant 16 : i32
      %dma_start3A_520 = arith.constant 0 : i32
      %dma_start3A_521 = tpu.memref_slice %arg7[%dma_start3A_519, %dma_start3A_520] : memref<512x128xf32, #tpu.memory_space<vmem>> -> memref<16x128xf32, #tpu.memory_space<vmem>>
      %dma_start3A_522 = arith.constant 0 : i32
      %dma_start3A_523 = arith.constant 0 : i32
      %dma_start3A_524 = tpu.memref_slice %arg2[%dma_start3A_522, %dma_start3A_523] : memref<204800x128xf32, #tpu.memory_space<hbm>> -> memref<204800x128xf32, #tpu.memory_space<hbm>>
      %dma_start3A_525 = arith.constant -1 : i32
      tpu.enqueue_indirect_dma source(%dma_start3A_524 : memref<204800x128xf32, #tpu.memory_space<hbm>>) target(%dma_start3A_521 : memref<16x128xf32, #tpu.memory_space<vmem>>) offsets(%get3A_518 : vector<16xi32>) offset_filter(%dma_start3A_525) semaphore(%arg11 : memref<!tpu.dma_semaphore, #tpu.memory_space<semaphore_mem>>)
      %get3A_526 = arith.constant 32 : index
      %get3A_527 = tpu.vector_load %arg8[%get3A_526] {strides = array<i32>} : memref<256xi32, #tpu.memory_space<vmem>>, vector<16xi32>,
      %dma_start3A_528 = arith.constant 32 : i32
      %dma_start3A_529 = arith.constant 0 : i32
      %dma_start3A_530 = tpu.memref_slice %arg7[%dma_start3A_528, %dma_start3A_529] : memref<512x128xf32, #tpu.memory_space<vmem>> -> memref<16x128xf32, #tpu.memory_space<vmem>>
      %dma_start3A_531 = arith.constant 0 : i32
      %dma_start3A_532 = arith.constant 0 : i32
      %dma_start3A_533 = tpu.memref_slice %arg2[%dma_start3A_531, %dma_start3A_532] : memref<204800x128xf32, #tpu.memory_space<hbm>> -> memref<204800x128xf32, #tpu.memory_space<hbm>>
      %dma_start3A_534 = arith.constant -1 : i32
      tpu.enqueue_indirect_dma source(%dma_start3A_533 : memref<204800x128xf32, #tpu.memory_space<hbm>>) target(%dma_start3A_530 : memref<16x128xf32, #tpu.memory_space<vmem>>) offsets(%get3A_527 : vector<16xi32>) offset_filter(%dma_start3A_534) semaphore(%arg11 : memref<!tpu.dma_semaphore, #tpu.memory_space<semaphore_mem>>)
      %get3A_535 = arith.constant 48 : index
      %get3A_536 = tpu.vector_load %arg8[%get3A_535] {strides = array<i32>} : memref<256xi32, #tpu.memory_space<vmem>>, vector<16xi32>,
      %dma_start3A_537 = arith.constant 48 : i32
      %dma_start3A_538 = arith.constant 0 : i32
      %dma_start3A_539 = tpu.memref_slice %arg7[%dma_start3A_537, %dma_start3A_538] : memref<512x128xf32, #tpu.memory_space<vmem>> -> memref<16x128xf32, #tpu.memory_space<vmem>>
      %dma_start3A_540 = arith.constant 0 : i32
      %dma_start3A_541 = arith.constant 0 : i32
      %dma_start3A_542 = tpu.memref_slice %arg2[%dma_start3A_540, %dma_start3A_541] : memref<204800x128xf32, #tpu.memory_space<hbm>> -> memref<204800x128xf32, #tpu.memory_space<hbm>>
      %dma_start3A_543 = arith.constant -1 : i32
      tpu.enqueue_indirect_dma source(%dma_start3A_542 : memref<204800x128xf32, #tpu.memory_space<hbm>>) target(%dma_start3A_539 : memref<16x128xf32, #tpu.memory_space<vmem>>) offsets(%get3A_536 : vector<16xi32>) offset_filter(%dma_start3A_543) semaphore(%arg11 : memref<!tpu.dma_semaphore, #tpu.memory_space<semaphore_mem>>)
      %get3A_544 = arith.constant 64 : index
      %get3A_545 = tpu.vector_load %arg8[%get3A_544] {strides = array<i32>} : memref<256xi32, #tpu.memory_space<vmem>>, vector<16xi32>,
      %dma_start3A_546 = arith.constant 64 : i32
      %dma_start3A_547 = arith.constant 0 : i32
      %dma_start3A_548 = tpu.memref_slice %arg7[%dma_start3A_546, %dma_start3A_547] : memref<512x128xf32, #tpu.memory_space<vmem>> -> memref<16x128xf32, #tpu.memory_space<vmem>>
      %dma_start3A_549 = arith.constant 0 : i32
      %dma_start3A_550 = arith.constant 0 : i32
      %dma_start3A_551 = tpu.memref_slice %arg2[%dma_start3A_549, %dma_start3A_550] : memref<204800x128xf32, #tpu.memory_space<hbm>> -> memref<204800x128xf32, #tpu.memory_space<hbm>>
      %dma_start3A_552 = arith.constant -1 : i32
      tpu.enqueue_indirect_dma source(%dma_start3A_551 : memref<204800x128xf32, #tpu.memory_space<hbm>>) target(%dma_start3A_548 : memref<16x128xf32, #tpu.memory_space<vmem>>) offsets(%get3A_545 : vector<16xi32>) offset_filter(%dma_start3A_552) semaphore(%arg11 : memref<!tpu.dma_semaphore, #tpu.memory_space<semaphore_mem>>)
      %get3A_553 = arith.constant 80 : index
      %get3A_554 = tpu.vector_load %arg8[%get3A_553] {strides = array<i32>} : memref<256xi32, #tpu.memory_space<vmem>>, vector<16xi32>,
      %dma_start3A_555 = arith.constant 80 : i32
      %dma_start3A_556 = arith.constant 0 : i32
      %dma_start3A_557 = tpu.memref_slice %arg7[%dma_start3A_555, %dma_start3A_556] : memref<512x128xf32, #tpu.memory_space<vmem>> -> memref<16x128xf32, #tpu.memory_space<vmem>>
      %dma_start3A_558 = arith.constant 0 : i32
      %dma_start3A_559 = arith.constant 0 : i32
      %dma_start3A_560 = tpu.memref_slice %arg2[%dma_start3A_558, %dma_start3A_559] : memref<204800x128xf32, #tpu.memory_space<hbm>> -> memref<204800x128xf32, #tpu.memory_space<hbm>>
      %dma_start3A_561 = arith.constant -1 : i32
      tpu.enqueue_indirect_dma source(%dma_start3A_560 : memref<204800x128xf32, #tpu.memory_space<hbm>>) target(%dma_start3A_557 : memref<16x128xf32, #tpu.memory_space<vmem>>) offsets(%get3A_554 : vector<16xi32>) offset_filter(%dma_start3A_561) semaphore(%arg11 : memref<!tpu.dma_semaphore, #tpu.memory_space<semaphore_mem>>)
      %get3A_562 = arith.constant 96 : index
      %get3A_563 = tpu.vector_load %arg8[%get3A_562] {strides = array<i32>} : memref<256xi32, #tpu.memory_space<vmem>>, vector<16xi32>,
      %dma_start3A_564 = arith.constant 96 : i32
      %dma_start3A_565 = arith.constant 0 : i32
      %dma_start3A_566 = tpu.memref_slice %arg7[%dma_start3A_564, %dma_start3A_565] : memref<512x128xf32, #tpu.memory_space<vmem>> -> memref<16x128xf32, #tpu.memory_space<vmem>>
      %dma_start3A_567 = arith.constant 0 : i32
      %dma_start3A_568 = arith.constant 0 : i32
      %dma_start3A_569 = tpu.memref_slice %arg2[%dma_start3A_567, %dma_start3A_568] : memref<204800x128xf32, #tpu.memory_space<hbm>> -> memref<204800x128xf32, #tpu.memory_space<hbm>>
      %dma_start3A_570 = arith.constant -1 : i32
      tpu.enqueue_indirect_dma source(%dma_start3A_569 : memref<204800x128xf32, #tpu.memory_space<hbm>>) target(%dma_start3A_566 : memref<16x128xf32, #tpu.memory_space<vmem>>) offsets(%get3A_563 : vector<16xi32>) offset_filter(%dma_start3A_570) semaphore(%arg11 : memref<!tpu.dma_semaphore, #tpu.memory_space<semaphore_mem>>)
      %get3A_571 = arith.constant 112 : index
      %get3A_572 = tpu.vector_load %arg8[%get3A_571] {strides = array<i32>} : memref<256xi32, #tpu.memory_space<vmem>>, vector<16xi32>,
      %dma_start3A_573 = arith.constant 112 : i32
      %dma_start3A_574 = arith.constant 0 : i32
      %dma_start3A_575 = tpu.memref_slice %arg7[%dma_start3A_573, %dma_start3A_574] : memref<512x128xf32, #tpu.memory_space<vmem>> -> memref<16x128xf32, #tpu.memory_space<vmem>>
      %dma_start3A_576 = arith.constant 0 : i32
      %dma_start3A_577 = arith.constant 0 : i32
      %dma_start3A_578 = tpu.memref_slice %arg2[%dma_start3A_576, %dma_start3A_577] : memref<204800x128xf32, #tpu.memory_space<hbm>> -> memref<204800x128xf32, #tpu.memory_space<hbm>>
      %dma_start3A_579 = arith.constant -1 : i32
      tpu.enqueue_indirect_dma source(%dma_start3A_578 : memref<204800x128xf32, #tpu.memory_space<hbm>>) target(%dma_start3A_575 : memref<16x128xf32, #tpu.memory_space<vmem>>) offsets(%get3A_572 : vector<16xi32>) offset_filter(%dma_start3A_579) semaphore(%arg11 : memref<!tpu.dma_semaphore, #tpu.memory_space<semaphore_mem>>)
      %get3A_580 = arith.constant 128 : index
      %get3A_581 = tpu.vector_load %arg8[%get3A_580] {strides = array<i32>} : memref<256xi32, #tpu.memory_space<vmem>>, vector<16xi32>,
      %dma_start3A_582 = arith.constant 128 : i32
      %dma_start3A_583 = arith.constant 0 : i32
      %dma_start3A_584 = tpu.memref_slice %arg7[%dma_start3A_582, %dma_start3A_583] : memref<512x128xf32, #tpu.memory_space<vmem>> -> memref<16x128xf32, #tpu.memory_space<vmem>>
      %dma_start3A_585 = arith.constant 0 : i32
      %dma_start3A_586 = arith.constant 0 : i32
      %dma_start3A_587 = tpu.memref_slice %arg2[%dma_start3A_585, %dma_start3A_586] : memref<204800x128xf32, #tpu.memory_space<hbm>> -> memref<204800x128xf32, #tpu.memory_space<hbm>>
      %dma_start3A_588 = arith.constant -1 : i32
      tpu.enqueue_indirect_dma source(%dma_start3A_587 : memref<204800x128xf32, #tpu.memory_space<hbm>>) target(%dma_start3A_584 : memref<16x128xf32, #tpu.memory_space<vmem>>) offsets(%get3A_581 : vector<16xi32>) offset_filter(%dma_start3A_588) semaphore(%arg11 : memref<!tpu.dma_semaphore, #tpu.memory_space<semaphore_mem>>)
      %get3A_589 = arith.constant 144 : index
      %get3A_590 = tpu.vector_load %arg8[%get3A_589] {strides = array<i32>} : memref<256xi32, #tpu.memory_space<vmem>>, vector<16xi32>,
      %dma_start3A_591 = arith.constant 144 : i32
      %dma_start3A_592 = arith.constant 0 : i32
      %dma_start3A_593 = tpu.memref_slice %arg7[%dma_start3A_591, %dma_start3A_592] : memref<512x128xf32, #tpu.memory_space<vmem>> -> memref<16x128xf32, #tpu.memory_space<vmem>>
      %dma_start3A_594 = arith.constant 0 : i32
      %dma_start3A_595 = arith.constant 0 : i32
      %dma_start3A_596 = tpu.memref_slice %arg2[%dma_start3A_594, %dma_start3A_595] : memref<204800x128xf32, #tpu.memory_space<hbm>> -> memref<204800x128xf32, #tpu.memory_space<hbm>>
      %dma_start3A_597 = arith.constant -1 : i32
      tpu.enqueue_indirect_dma source(%dma_start3A_596 : memref<204800x128xf32, #tpu.memory_space<hbm>>) target(%dma_start3A_593 : memref<16x128xf32, #tpu.memory_space<vmem>>) offsets(%get3A_590 : vector<16xi32>) offset_filter(%dma_start3A_597) semaphore(%arg11 : memref<!tpu.dma_semaphore, #tpu.memory_space<semaphore_mem>>)
      %get3A_598 = arith.constant 160 : index
      %get3A_599 = tpu.vector_load %arg8[%get3A_598] {strides = array<i32>} : memref<256xi32, #tpu.memory_space<vmem>>, vector<16xi32>,
      %dma_start3A_600 = arith.constant 160 : i32
      %dma_start3A_601 = arith.constant 0 : i32
      %dma_start3A_602 = tpu.memref_slice %arg7[%dma_start3A_600, %dma_start3A_601] : memref<512x128xf32, #tpu.memory_space<vmem>> -> memref<16x128xf32, #tpu.memory_space<vmem>>
      %dma_start3A_603 = arith.constant 0 : i32
      %dma_start3A_604 = arith.constant 0 : i32
      %dma_start3A_605 = tpu.memref_slice %arg2[%dma_start3A_603, %dma_start3A_604] : memref<204800x128xf32, #tpu.memory_space<hbm>> -> memref<204800x128xf32, #tpu.memory_space<hbm>>
      %dma_start3A_606 = arith.constant -1 : i32
      tpu.enqueue_indirect_dma source(%dma_start3A_605 : memref<204800x128xf32, #tpu.memory_space<hbm>>) target(%dma_start3A_602 : memref<16x128xf32, #tpu.memory_space<vmem>>) offsets(%get3A_599 : vector<16xi32>) offset_filter(%dma_start3A_606) semaphore(%arg11 : memref<!tpu.dma_semaphore, #tpu.memory_space<semaphore_mem>>)
      %get3A_607 = arith.constant 176 : index
      %get3A_608 = tpu.vector_load %arg8[%get3A_607] {strides = array<i32>} : memref<256xi32, #tpu.memory_space<vmem>>, vector<16xi32>,
      %dma_start3A_609 = arith.constant 176 : i32
      %dma_start3A_610 = arith.constant 0 : i32
      %dma_start3A_611 = tpu.memref_slice %arg7[%dma_start3A_609, %dma_start3A_610] : memref<512x128xf32, #tpu.memory_space<vmem>> -> memref<16x128xf32, #tpu.memory_space<vmem>>
      %dma_start3A_612 = arith.constant 0 : i32
      %dma_start3A_613 = arith.constant 0 : i32
      %dma_start3A_614 = tpu.memref_slice %arg2[%dma_start3A_612, %dma_start3A_613] : memref<204800x128xf32, #tpu.memory_space<hbm>> -> memref<204800x128xf32, #tpu.memory_space<hbm>>
      %dma_start3A_615 = arith.constant -1 : i32
      tpu.enqueue_indirect_dma source(%dma_start3A_614 : memref<204800x128xf32, #tpu.memory_space<hbm>>) target(%dma_start3A_611 : memref<16x128xf32, #tpu.memory_space<vmem>>) offsets(%get3A_608 : vector<16xi32>) offset_filter(%dma_start3A_615) semaphore(%arg11 : memref<!tpu.dma_semaphore, #tpu.memory_space<semaphore_mem>>)
      %get3A_616 = arith.constant 192 : index
      %get3A_617 = tpu.vector_load %arg8[%get3A_616] {strides = array<i32>} : memref<256xi32, #tpu.memory_space<vmem>>, vector<16xi32>,
      %dma_start3A_618 = arith.constant 192 : i32
      %dma_start3A_619 = arith.constant 0 : i32
      %dma_start3A_620 = tpu.memref_slice %arg7[%dma_start3A_618, %dma_start3A_619] : memref<512x128xf32, #tpu.memory_space<vmem>> -> memref<16x128xf32, #tpu.memory_space<vmem>>
      %dma_start3A_621 = arith.constant 0 : i32
      %dma_start3A_622 = arith.constant 0 : i32
      %dma_start3A_623 = tpu.memref_slice %arg2[%dma_start3A_621, %dma_start3A_622] : memref<204800x128xf32, #tpu.memory_space<hbm>> -> memref<204800x128xf32, #tpu.memory_space<hbm>>
      %dma_start3A_624 = arith.constant -1 : i32
      tpu.enqueue_indirect_dma source(%dma_start3A_623 : memref<204800x128xf32, #tpu.memory_space<hbm>>) target(%dma_start3A_620 : memref<16x128xf32, #tpu.memory_space<vmem>>) offsets(%get3A_617 : vector<16xi32>) offset_filter(%dma_start3A_624) semaphore(%arg11 : memref<!tpu.dma_semaphore, #tpu.memory_space<semaphore_mem>>)
      %get3A_625 = arith.constant 208 : index
      %get3A_626 = tpu.vector_load %arg8[%get3A_625] {strides = array<i32>} : memref<256xi32, #tpu.memory_space<vmem>>, vector<16xi32>,
      %dma_start3A_627 = arith.constant 208 : i32
      %dma_start3A_628 = arith.constant 0 : i32
      %dma_start3A_629 = tpu.memref_slice %arg7[%dma_start3A_627, %dma_start3A_628] : memref<512x128xf32, #tpu.memory_space<vmem>> -> memref<16x128xf32, #tpu.memory_space<vmem>>
      %dma_start3A_630 = arith.constant 0 : i32
      %dma_start3A_631 = arith.constant 0 : i32
      %dma_start3A_632 = tpu.memref_slice %arg2[%dma_start3A_630, %dma_start3A_631] : memref<204800x128xf32, #tpu.memory_space<hbm>> -> memref<204800x128xf32, #tpu.memory_space<hbm>>
      %dma_start3A_633 = arith.constant -1 : i32
      tpu.enqueue_indirect_dma source(%dma_start3A_632 : memref<204800x128xf32, #tpu.memory_space<hbm>>) target(%dma_start3A_629 : memref<16x128xf32, #tpu.memory_space<vmem>>) offsets(%get3A_626 : vector<16xi32>) offset_filter(%dma_start3A_633) semaphore(%arg11 : memref<!tpu.dma_semaphore, #tpu.memory_space<semaphore_mem>>)
      %get3A_634 = arith.constant 224 : index
      %get3A_635 = tpu.vector_load %arg8[%get3A_634] {strides = array<i32>} : memref<256xi32, #tpu.memory_space<vmem>>, vector<16xi32>,
      %dma_start3A_636 = arith.constant 224 : i32
      %dma_start3A_637 = arith.constant 0 : i32
      %dma_start3A_638 = tpu.memref_slice %arg7[%dma_start3A_636, %dma_start3A_637] : memref<512x128xf32, #tpu.memory_space<vmem>> -> memref<16x128xf32, #tpu.memory_space<vmem>>
      %dma_start3A_639 = arith.constant 0 : i32
      %dma_start3A_640 = arith.constant 0 : i32
      %dma_start3A_641 = tpu.memref_slice %arg2[%dma_start3A_639, %dma_start3A_640] : memref<204800x128xf32, #tpu.memory_space<hbm>> -> memref<204800x128xf32, #tpu.memory_space<hbm>>
      %dma_start3A_642 = arith.constant -1 : i32
      tpu.enqueue_indirect_dma source(%dma_start3A_641 : memref<204800x128xf32, #tpu.memory_space<hbm>>) target(%dma_start3A_638 : memref<16x128xf32, #tpu.memory_space<vmem>>) offsets(%get3A_635 : vector<16xi32>) offset_filter(%dma_start3A_642) semaphore(%arg11 : memref<!tpu.dma_semaphore, #tpu.memory_space<semaphore_mem>>)
      %get3A_643 = arith.constant 240 : index
      %get3A_644 = tpu.vector_load %arg8[%get3A_643] {strides = array<i32>} : memref<256xi32, #tpu.memory_space<vmem>>, vector<16xi32>,
      %dma_start3A_645 = arith.constant 240 : i32
      %dma_start3A_646 = arith.constant 0 : i32
      %dma_start3A_647 = tpu.memref_slice %arg7[%dma_start3A_645, %dma_start3A_646] : memref<512x128xf32, #tpu.memory_space<vmem>> -> memref<16x128xf32, #tpu.memory_space<vmem>>
      %dma_start3A_648 = arith.constant 0 : i32
      %dma_start3A_649 = arith.constant 0 : i32
      %dma_start3A_650 = tpu.memref_slice %arg2[%dma_start3A_648, %dma_start3A_649] : memref<204800x128xf32, #tpu.memory_space<hbm>> -> memref<204800x128xf32, #tpu.memory_space<hbm>>
      %dma_start3A_651 = arith.constant -1 : i32
      tpu.enqueue_indirect_dma source(%dma_start3A_650 : memref<204800x128xf32, #tpu.memory_space<hbm>>) target(%dma_start3A_647 : memref<16x128xf32, #tpu.memory_space<vmem>>) offsets(%get3A_644 : vector<16xi32>) offset_filter(%dma_start3A_651) semaphore(%arg11 : memref<!tpu.dma_semaphore, #tpu.memory_space<semaphore_mem>>)
    } else {
    }
    %add3A_53 = arith.constant 32 : i32
    %add3A_54 = arith.addi %add3A, %add3A_53 : i32
    %lt3A_55 = arith.constant 156 : i32
    %lt3A_56 = arith.cmpi slt, %add3A_54, %lt3A_55 : i32
    %jit3A_57 = arith.constant 78 : i32
    %div3A_58 = arith.divsi %add3A_54, %jit3A_57 : i32
    %sign3A_59 = arith.constant 0 : i32
    %sign3A_60 = arith.cmpi sgt, %add3A_54, %sign3A_59 : i32
    %sign3A_61 = arith.extui %sign3A_60 : i1 to i32
    %sign3A_62 = arith.constant 0 : i32
    %sign3A_63 = arith.cmpi slt, %add3A_54, %sign3A_62 : i32
    %sign3A_64 = arith.extui %sign3A_63 : i1 to i32
    %sign3A_65 = arith.subi %sign3A_61, %sign3A_64 : i32
    %sign3A_66 = arith.constant 0 : i32
    %sign3A_67 = arith.cmpi sgt, %jit3A_57, %sign3A_66 : i32
    %sign3A_68 = arith.extui %sign3A_67 : i1 to i32
    %sign3A_69 = arith.constant 0 : i32
    %sign3A_70 = arith.cmpi slt, %jit3A_57, %sign3A_69 : i32
    %sign3A_71 = arith.extui %sign3A_70 : i1 to i32
    %sign3A_72 = arith.subi %sign3A_68, %sign3A_71 : i32
    %ne3A_73 = arith.cmpi ne, %sign3A_65, %sign3A_72 : i32
    %rem3A_74 = arith.remsi %add3A_54, %jit3A_57 : i32
    %ne3A_75 = arith.constant 0 : i32
    %ne3A_76 = arith.cmpi ne, %rem3A_74, %ne3A_75 : i32
    %and3A_77 = arith.andi %ne3A_73, %ne3A_76 : i1
    %sub3A_78 = arith.constant 1 : i32
    %sub3A_79 = arith.subi %div3A_58, %sub3A_78 : i32
    %select_n3A_80 = arith.select %and3A_77, %sub3A_79, %div3A_58 : i32
    %jit3A_81 = arith.constant 78 : i32
    %eq3A_82 = arith.constant 0 : i32
    %eq3A_83 = arith.cmpi eq, %jit3A_81, %eq3A_82 : i32
    %jit3A_84 = arith.constant 1 : i32
    %select_n3A_85 = arith.select %eq3A_83, %jit3A_84, %jit3A_81 : i32
    %rem3A_86 = arith.remsi %add3A_54, %select_n3A_85 : i32
    %ne3A_87 = arith.constant 0 : i32
    %ne3A_88 = arith.cmpi ne, %rem3A_86, %ne3A_87 : i32
    %lt3A_89 = arith.constant 0 : i32
    %lt3A_90 = arith.cmpi slt, %rem3A_86, %lt3A_89 : i32
    %lt3A_91 = arith.constant 0 : i32
    %lt3A_92 = arith.cmpi slt, %select_n3A_85, %lt3A_91 : i32
    %ne3A_93 = arith.xori %lt3A_90, %lt3A_92 : i1
    %and3A_94 = arith.andi %ne3A_93, %ne3A_88 : i1
    %add3A_95 = arith.addi %rem3A_86, %select_n3A_85 : i32
    %select_n3A_96 = arith.select %and3A_94, %add3A_95, %rem3A_86 : i32
    %mul3A_97 = arith.constant 256 : i32
    %mul3A_98 = arith.muli %select_n3A_96, %mul3A_97 : i32
    %multiple_of3A_99 = tpu.assume_multiple %mul3A_98, 256 : i32
    %convert_element_type3A_100 = arith.extui %lt3A_56 : i1 to i32
    %cond3A_101 = arith.constant 0 : i32
    %cond3A_102 = arith.cmpi ne, %convert_element_type3A_100, %cond3A_101 : i32
    scf.if %cond3A_102 {
      %run_scoped3A = arith.constant 0 : i32
      "tpu.region"() ({
        %run_scoped3A_652 = tpu.sem_alloc : memref<!tpu.dma_semaphore, #tpu.memory_space<semaphore_mem>>
        %dma_start3A_653 = arith.constant 0 : i32
        %dma_start3A_654 = tpu.memref_slice %arg8[%dma_start3A_653] : memref<256xi32, #tpu.memory_space<vmem>> -> memref<256xi32, #tpu.memory_space<vmem>>
        %dma_start3A_655 = tpu.memref_slice %arg3[%select_n3A_80, %run_scoped3A, %multiple_of3A_99] : memref<2x1x20480xi32, #tpu.memory_space<hbm>> -> memref<1x1x256xi32, #tpu.memory_space<hbm>>
        %dma_start3A_656 = tpu.memref_squeeze %dma_start3A_655 : memref<1x1x256xi32, #tpu.memory_space<hbm>> -> memref<256xi32, #tpu.memory_space<hbm>>
        %dma_start3A_657 = arith.constant 0 : i32
        %dma_start3A_658 = tpu.memref_slice %arg8[%dma_start3A_657] : memref<256xi32, #tpu.memory_space<vmem>> -> memref<256xi32, #tpu.memory_space<vmem>>
        %dma_start3A_659 = tpu.memref_slice %arg3[%select_n3A_80, %run_scoped3A, %multiple_of3A_99] : memref<2x1x20480xi32, #tpu.memory_space<hbm>> -> memref<1x1x256xi32, #tpu.memory_space<hbm>>
        %dma_start3A_660 = tpu.memref_squeeze %dma_start3A_659 : memref<1x1x256xi32, #tpu.memory_space<hbm>> -> memref<256xi32, #tpu.memory_space<hbm>>
        tpu.enqueue_dma source(%dma_start3A_660 : memref<256xi32, #tpu.memory_space<hbm>>) target(%dma_start3A_658 : memref<256xi32, #tpu.memory_space<vmem>>) target_semaphore(%run_scoped3A_652 : memref<!tpu.dma_semaphore, #tpu.memory_space<semaphore_mem>>)
        %dma_wait3A = arith.constant 0 : i32
        %dma_wait3A_661 = tpu.memref_slice %arg8[%dma_wait3A] : memref<256xi32, #tpu.memory_space<vmem>> -> memref<256xi32, #tpu.memory_space<vmem>>
        %dma_wait3A_662 = tpu.memref_slice %arg3[%select_n3A_80, %run_scoped3A, %multiple_of3A_99] : memref<2x1x20480xi32, #tpu.memory_space<hbm>> -> memref<1x1x256xi32, #tpu.memory_space<hbm>>
        %dma_wait3A_663 = tpu.memref_squeeze %dma_wait3A_662 : memref<1x1x256xi32, #tpu.memory_space<hbm>> -> memref<256xi32, #tpu.memory_space<hbm>>
        %dma_wait3A_664 = arith.constant 0 : i32
        %dma_wait3A_665 = tpu.memref_slice %arg8[%dma_wait3A_664] : memref<256xi32, #tpu.memory_space<vmem>> -> memref<256xi32, #tpu.memory_space<vmem>>
        %dma_wait3A_666 = tpu.memref_slice %arg3[%select_n3A_80, %run_scoped3A, %multiple_of3A_99] : memref<2x1x20480xi32, #tpu.memory_space<hbm>> -> memref<1x1x256xi32, #tpu.memory_space<hbm>>
        %dma_wait3A_667 = tpu.memref_squeeze %dma_wait3A_666 : memref<1x1x256xi32, #tpu.memory_space<hbm>> -> memref<256xi32, #tpu.memory_space<hbm>>
        tpu.wait_dma2 semaphore(%run_scoped3A_652 : memref<!tpu.dma_semaphore, #tpu.memory_space<semaphore_mem>>) src(%dma_wait3A_667 : memref<256xi32, #tpu.memory_space<hbm>>) dst(%dma_wait3A_665 : memref<256xi32, #tpu.memory_space<vmem>>)
        tpu.yield
      }) : () -> ()
      %run_scoped3A_508 = arith.constant 0 : i32
      "tpu.region"() ({
        %run_scoped3A_652 = tpu.sem_alloc : memref<!tpu.dma_semaphore, #tpu.memory_space<semaphore_mem>>
        %dma_start3A_653 = arith.constant 256 : i32
        %dma_start3A_654 = tpu.memref_slice %arg10[%dma_start3A_653] : memref<512xi32, #tpu.memory_space<vmem>> -> memref<256xi32, #tpu.memory_space<vmem>>
        %dma_start3A_655 = tpu.memref_slice %arg4[%select_n3A_80, %run_scoped3A_508, %multiple_of3A_99] : memref<2x1x20480xi32, #tpu.memory_space<hbm>> -> memref<1x1x256xi32, #tpu.memory_space<hbm>>
        %dma_start3A_656 = tpu.memref_squeeze %dma_start3A_655 : memref<1x1x256xi32, #tpu.memory_space<hbm>> -> memref<256xi32, #tpu.memory_space<hbm>>
        %dma_start3A_657 = arith.constant 256 : i32
        %dma_start3A_658 = tpu.memref_slice %arg10[%dma_start3A_657] : memref<512xi32, #tpu.memory_space<vmem>> -> memref<256xi32, #tpu.memory_space<vmem>>
        %dma_start3A_659 = tpu.memref_slice %arg4[%select_n3A_80, %run_scoped3A_508, %multiple_of3A_99] : memref<2x1x20480xi32, #tpu.memory_space<hbm>> -> memref<1x1x256xi32, #tpu.memory_space<hbm>>
        %dma_start3A_660 = tpu.memref_squeeze %dma_start3A_659 : memref<1x1x256xi32, #tpu.memory_space<hbm>> -> memref<256xi32, #tpu.memory_space<hbm>>
        tpu.enqueue_dma source(%dma_start3A_660 : memref<256xi32, #tpu.memory_space<hbm>>) target(%dma_start3A_658 : memref<256xi32, #tpu.memory_space<vmem>>) target_semaphore(%run_scoped3A_652 : memref<!tpu.dma_semaphore, #tpu.memory_space<semaphore_mem>>)
        %dma_wait3A = arith.constant 256 : i32
        %dma_wait3A_661 = tpu.memref_slice %arg10[%dma_wait3A] : memref<512xi32, #tpu.memory_space<vmem>> -> memref<256xi32, #tpu.memory_space<vmem>>
        %dma_wait3A_662 = tpu.memref_slice %arg4[%select_n3A_80, %run_scoped3A_508, %multiple_of3A_99] : memref<2x1x20480xi32, #tpu.memory_space<hbm>> -> memref<1x1x256xi32, #tpu.memory_space<hbm>>
        %dma_wait3A_663 = tpu.memref_squeeze %dma_wait3A_662 : memref<1x1x256xi32, #tpu.memory_space<hbm>> -> memref<256xi32, #tpu.memory_space<hbm>>
        %dma_wait3A_664 = arith.constant 256 : i32
        %dma_wait3A_665 = tpu.memref_slice %arg10[%dma_wait3A_664] : memref<512xi32, #tpu.memory_space<vmem>> -> memref<256xi32, #tpu.memory_space<vmem>>
        %dma_wait3A_666 = tpu.memref_slice %arg4[%select_n3A_80, %run_scoped3A_508, %multiple_of3A_99] : memref<2x1x20480xi32, #tpu.memory_space<hbm>> -> memref<1x1x256xi32, #tpu.memory_space<hbm>>
        %dma_wait3A_667 = tpu.memref_squeeze %dma_wait3A_666 : memref<1x1x256xi32, #tpu.memory_space<hbm>> -> memref<256xi32, #tpu.memory_space<hbm>>
        tpu.wait_dma2 semaphore(%run_scoped3A_652 : memref<!tpu.dma_semaphore, #tpu.memory_space<semaphore_mem>>) src(%dma_wait3A_667 : memref<256xi32, #tpu.memory_space<hbm>>) dst(%dma_wait3A_665 : memref<256xi32, #tpu.memory_space<vmem>>)
        tpu.yield
      }) : () -> ()
      %get3A_509 = arith.constant 0 : index
      %get3A_510 = tpu.vector_load %arg8[%get3A_509] {strides = array<i32>} : memref<256xi32, #tpu.memory_space<vmem>>, vector<16xi32>,
      %dma_start3A = arith.constant 256 : i32
      %dma_start3A_511 = arith.constant 0 : i32
      %dma_start3A_512 = tpu.memref_slice %arg7[%dma_start3A, %dma_start3A_511] : memref<512x128xf32, #tpu.memory_space<vmem>> -> memref<16x128xf32, #tpu.memory_space<vmem>>
      %dma_start3A_513 = arith.constant 0 : i32
      %dma_start3A_514 = arith.constant 0 : i32
      %dma_start3A_515 = tpu.memref_slice %arg2[%dma_start3A_513, %dma_start3A_514] : memref<204800x128xf32, #tpu.memory_space<hbm>> -> memref<204800x128xf32, #tpu.memory_space<hbm>>
      %dma_start3A_516 = arith.constant -1 : i32
      tpu.enqueue_indirect_dma source(%dma_start3A_515 : memref<204800x128xf32, #tpu.memory_space<hbm>>) target(%dma_start3A_512 : memref<16x128xf32, #tpu.memory_space<vmem>>) offsets(%get3A_510 : vector<16xi32>) offset_filter(%dma_start3A_516) semaphore(%arg11 : memref<!tpu.dma_semaphore, #tpu.memory_space<semaphore_mem>>)
      %get3A_517 = arith.constant 16 : index
      %get3A_518 = tpu.vector_load %arg8[%get3A_517] {strides = array<i32>} : memref<256xi32, #tpu.memory_space<vmem>>, vector<16xi32>,
      %dma_start3A_519 = arith.constant 272 : i32
      %dma_start3A_520 = arith.constant 0 : i32
      %dma_start3A_521 = tpu.memref_slice %arg7[%dma_start3A_519, %dma_start3A_520] : memref<512x128xf32, #tpu.memory_space<vmem>> -> memref<16x128xf32, #tpu.memory_space<vmem>>
      %dma_start3A_522 = arith.constant 0 : i32
      %dma_start3A_523 = arith.constant 0 : i32
      %dma_start3A_524 = tpu.memref_slice %arg2[%dma_start3A_522, %dma_start3A_523] : memref<204800x128xf32, #tpu.memory_space<hbm>> -> memref<204800x128xf32, #tpu.memory_space<hbm>>
      %dma_start3A_525 = arith.constant -1 : i32
      tpu.enqueue_indirect_dma source(%dma_start3A_524 : memref<204800x128xf32, #tpu.memory_space<hbm>>) target(%dma_start3A_521 : memref<16x128xf32, #tpu.memory_space<vmem>>) offsets(%get3A_518 : vector<16xi32>) offset_filter(%dma_start3A_525) semaphore(%arg11 : memref<!tpu.dma_semaphore, #tpu.memory_space<semaphore_mem>>)
      %get3A_526 = arith.constant 32 : index
      %get3A_527 = tpu.vector_load %arg8[%get3A_526] {strides = array<i32>} : memref<256xi32, #tpu.memory_space<vmem>>, vector<16xi32>,
      %dma_start3A_528 = arith.constant 288 : i32
      %dma_start3A_529 = arith.constant 0 : i32
      %dma_start3A_530 = tpu.memref_slice %arg7[%dma_start3A_528, %dma_start3A_529] : memref<512x128xf32, #tpu.memory_space<vmem>> -> memref<16x128xf32, #tpu.memory_space<vmem>>
      %dma_start3A_531 = arith.constant 0 : i32
      %dma_start3A_532 = arith.constant 0 : i32
      %dma_start3A_533 = tpu.memref_slice %arg2[%dma_start3A_531, %dma_start3A_532] : memref<204800x128xf32, #tpu.memory_space<hbm>> -> memref<204800x128xf32, #tpu.memory_space<hbm>>
      %dma_start3A_534 = arith.constant -1 : i32
      tpu.enqueue_indirect_dma source(%dma_start3A_533 : memref<204800x128xf32, #tpu.memory_space<hbm>>) target(%dma_start3A_530 : memref<16x128xf32, #tpu.memory_space<vmem>>) offsets(%get3A_527 : vector<16xi32>) offset_filter(%dma_start3A_534) semaphore(%arg11 : memref<!tpu.dma_semaphore, #tpu.memory_space<semaphore_mem>>)
      %get3A_535 = arith.constant 48 : index
      %get3A_536 = tpu.vector_load %arg8[%get3A_535] {strides = array<i32>} : memref<256xi32, #tpu.memory_space<vmem>>, vector<16xi32>,
      %dma_start3A_537 = arith.constant 304 : i32
      %dma_start3A_538 = arith.constant 0 : i32
      %dma_start3A_539 = tpu.memref_slice %arg7[%dma_start3A_537, %dma_start3A_538] : memref<512x128xf32, #tpu.memory_space<vmem>> -> memref<16x128xf32, #tpu.memory_space<vmem>>
      %dma_start3A_540 = arith.constant 0 : i32
      %dma_start3A_541 = arith.constant 0 : i32
      %dma_start3A_542 = tpu.memref_slice %arg2[%dma_start3A_540, %dma_start3A_541] : memref<204800x128xf32, #tpu.memory_space<hbm>> -> memref<204800x128xf32, #tpu.memory_space<hbm>>
      %dma_start3A_543 = arith.constant -1 : i32
      tpu.enqueue_indirect_dma source(%dma_start3A_542 : memref<204800x128xf32, #tpu.memory_space<hbm>>) target(%dma_start3A_539 : memref<16x128xf32, #tpu.memory_space<vmem>>) offsets(%get3A_536 : vector<16xi32>) offset_filter(%dma_start3A_543) semaphore(%arg11 : memref<!tpu.dma_semaphore, #tpu.memory_space<semaphore_mem>>)
      %get3A_544 = arith.constant 64 : index
      %get3A_545 = tpu.vector_load %arg8[%get3A_544] {strides = array<i32>} : memref<256xi32, #tpu.memory_space<vmem>>, vector<16xi32>,
      %dma_start3A_546 = arith.constant 320 : i32
      %dma_start3A_547 = arith.constant 0 : i32
      %dma_start3A_548 = tpu.memref_slice %arg7[%dma_start3A_546, %dma_start3A_547] : memref<512x128xf32, #tpu.memory_space<vmem>> -> memref<16x128xf32, #tpu.memory_space<vmem>>
      %dma_start3A_549 = arith.constant 0 : i32
      %dma_start3A_550 = arith.constant 0 : i32
      %dma_start3A_551 = tpu.memref_slice %arg2[%dma_start3A_549, %dma_start3A_550] : memref<204800x128xf32, #tpu.memory_space<hbm>> -> memref<204800x128xf32, #tpu.memory_space<hbm>>
      %dma_start3A_552 = arith.constant -1 : i32
      tpu.enqueue_indirect_dma source(%dma_start3A_551 : memref<204800x128xf32, #tpu.memory_space<hbm>>) target(%dma_start3A_548 : memref<16x128xf32, #tpu.memory_space<vmem>>) offsets(%get3A_545 : vector<16xi32>) offset_filter(%dma_start3A_552) semaphore(%arg11 : memref<!tpu.dma_semaphore, #tpu.memory_space<semaphore_mem>>)
      %get3A_553 = arith.constant 80 : index
      %get3A_554 = tpu.vector_load %arg8[%get3A_553] {strides = array<i32>} : memref<256xi32, #tpu.memory_space<vmem>>, vector<16xi32>,
      %dma_start3A_555 = arith.constant 336 : i32
      %dma_start3A_556 = arith.constant 0 : i32
      %dma_start3A_557 = tpu.memref_slice %arg7[%dma_start3A_555, %dma_start3A_556] : memref<512x128xf32, #tpu.memory_space<vmem>> -> memref<16x128xf32, #tpu.memory_space<vmem>>
      %dma_start3A_558 = arith.constant 0 : i32
      %dma_start3A_559 = arith.constant 0 : i32
      %dma_start3A_560 = tpu.memref_slice %arg2[%dma_start3A_558, %dma_start3A_559] : memref<204800x128xf32, #tpu.memory_space<hbm>> -> memref<204800x128xf32, #tpu.memory_space<hbm>>
      %dma_start3A_561 = arith.constant -1 : i32
      tpu.enqueue_indirect_dma source(%dma_start3A_560 : memref<204800x128xf32, #tpu.memory_space<hbm>>) target(%dma_start3A_557 : memref<16x128xf32, #tpu.memory_space<vmem>>) offsets(%get3A_554 : vector<16xi32>) offset_filter(%dma_start3A_561) semaphore(%arg11 : memref<!tpu.dma_semaphore, #tpu.memory_space<semaphore_mem>>)
      %get3A_562 = arith.constant 96 : index
      %get3A_563 = tpu.vector_load %arg8[%get3A_562] {strides = array<i32>} : memref<256xi32, #tpu.memory_space<vmem>>, vector<16xi32>,
      %dma_start3A_564 = arith.constant 352 : i32
      %dma_start3A_565 = arith.constant 0 : i32
      %dma_start3A_566 = tpu.memref_slice %arg7[%dma_start3A_564, %dma_start3A_565] : memref<512x128xf32, #tpu.memory_space<vmem>> -> memref<16x128xf32, #tpu.memory_space<vmem>>
      %dma_start3A_567 = arith.constant 0 : i32
      %dma_start3A_568 = arith.constant 0 : i32
      %dma_start3A_569 = tpu.memref_slice %arg2[%dma_start3A_567, %dma_start3A_568] : memref<204800x128xf32, #tpu.memory_space<hbm>> -> memref<204800x128xf32, #tpu.memory_space<hbm>>
      %dma_start3A_570 = arith.constant -1 : i32
      tpu.enqueue_indirect_dma source(%dma_start3A_569 : memref<204800x128xf32, #tpu.memory_space<hbm>>) target(%dma_start3A_566 : memref<16x128xf32, #tpu.memory_space<vmem>>) offsets(%get3A_563 : vector<16xi32>) offset_filter(%dma_start3A_570) semaphore(%arg11 : memref<!tpu.dma_semaphore, #tpu.memory_space<semaphore_mem>>)
      %get3A_571 = arith.constant 112 : index
      %get3A_572 = tpu.vector_load %arg8[%get3A_571] {strides = array<i32>} : memref<256xi32, #tpu.memory_space<vmem>>, vector<16xi32>,
      %dma_start3A_573 = arith.constant 368 : i32
      %dma_start3A_574 = arith.constant 0 : i32
      %dma_start3A_575 = tpu.memref_slice %arg7[%dma_start3A_573, %dma_start3A_574] : memref<512x128xf32, #tpu.memory_space<vmem>> -> memref<16x128xf32, #tpu.memory_space<vmem>>
      %dma_start3A_576 = arith.constant 0 : i32
      %dma_start3A_577 = arith.constant 0 : i32
      %dma_start3A_578 = tpu.memref_slice %arg2[%dma_start3A_576, %dma_start3A_577] : memref<204800x128xf32, #tpu.memory_space<hbm>> -> memref<204800x128xf32, #tpu.memory_space<hbm>>
      %dma_start3A_579 = arith.constant -1 : i32
      tpu.enqueue_indirect_dma source(%dma_start3A_578 : memref<204800x128xf32, #tpu.memory_space<hbm>>) target(%dma_start3A_575 : memref<16x128xf32, #tpu.memory_space<vmem>>) offsets(%get3A_572 : vector<16xi32>) offset_filter(%dma_start3A_579) semaphore(%arg11 : memref<!tpu.dma_semaphore, #tpu.memory_space<semaphore_mem>>)
      %get3A_580 = arith.constant 128 : index
      %get3A_581 = tpu.vector_load %arg8[%get3A_580] {strides = array<i32>} : memref<256xi32, #tpu.memory_space<vmem>>, vector<16xi32>,
      %dma_start3A_582 = arith.constant 384 : i32
      %dma_start3A_583 = arith.constant 0 : i32
      %dma_start3A_584 = tpu.memref_slice %arg7[%dma_start3A_582, %dma_start3A_583] : memref<512x128xf32, #tpu.memory_space<vmem>> -> memref<16x128xf32, #tpu.memory_space<vmem>>
      %dma_start3A_585 = arith.constant 0 : i32
      %dma_start3A_586 = arith.constant 0 : i32
      %dma_start3A_587 = tpu.memref_slice %arg2[%dma_start3A_585, %dma_start3A_586] : memref<204800x128xf32, #tpu.memory_space<hbm>> -> memref<204800x128xf32, #tpu.memory_space<hbm>>
      %dma_start3A_588 = arith.constant -1 : i32
      tpu.enqueue_indirect_dma source(%dma_start3A_587 : memref<204800x128xf32, #tpu.memory_space<hbm>>) target(%dma_start3A_584 : memref<16x128xf32, #tpu.memory_space<vmem>>) offsets(%get3A_581 : vector<16xi32>) offset_filter(%dma_start3A_588) semaphore(%arg11 : memref<!tpu.dma_semaphore, #tpu.memory_space<semaphore_mem>>)
      %get3A_589 = arith.constant 144 : index
      %get3A_590 = tpu.vector_load %arg8[%get3A_589] {strides = array<i32>} : memref<256xi32, #tpu.memory_space<vmem>>, vector<16xi32>,
      %dma_start3A_591 = arith.constant 400 : i32
      %dma_start3A_592 = arith.constant 0 : i32
      %dma_start3A_593 = tpu.memref_slice %arg7[%dma_start3A_591, %dma_start3A_592] : memref<512x128xf32, #tpu.memory_space<vmem>> -> memref<16x128xf32, #tpu.memory_space<vmem>>
      %dma_start3A_594 = arith.constant 0 : i32
      %dma_start3A_595 = arith.constant 0 : i32
      %dma_start3A_596 = tpu.memref_slice %arg2[%dma_start3A_594, %dma_start3A_595] : memref<204800x128xf32, #tpu.memory_space<hbm>> -> memref<204800x128xf32, #tpu.memory_space<hbm>>
      %dma_start3A_597 = arith.constant -1 : i32
      tpu.enqueue_indirect_dma source(%dma_start3A_596 : memref<204800x128xf32, #tpu.memory_space<hbm>>) target(%dma_start3A_593 : memref<16x128xf32, #tpu.memory_space<vmem>>) offsets(%get3A_590 : vector<16xi32>) offset_filter(%dma_start3A_597) semaphore(%arg11 : memref<!tpu.dma_semaphore, #tpu.memory_space<semaphore_mem>>)
      %get3A_598 = arith.constant 160 : index
      %get3A_599 = tpu.vector_load %arg8[%get3A_598] {strides = array<i32>} : memref<256xi32, #tpu.memory_space<vmem>>, vector<16xi32>,
      %dma_start3A_600 = arith.constant 416 : i32
      %dma_start3A_601 = arith.constant 0 : i32
      %dma_start3A_602 = tpu.memref_slice %arg7[%dma_start3A_600, %dma_start3A_601] : memref<512x128xf32, #tpu.memory_space<vmem>> -> memref<16x128xf32, #tpu.memory_space<vmem>>
      %dma_start3A_603 = arith.constant 0 : i32
      %dma_start3A_604 = arith.constant 0 : i32
      %dma_start3A_605 = tpu.memref_slice %arg2[%dma_start3A_603, %dma_start3A_604] : memref<204800x128xf32, #tpu.memory_space<hbm>> -> memref<204800x128xf32, #tpu.memory_space<hbm>>
      %dma_start3A_606 = arith.constant -1 : i32
      tpu.enqueue_indirect_dma source(%dma_start3A_605 : memref<204800x128xf32, #tpu.memory_space<hbm>>) target(%dma_start3A_602 : memref<16x128xf32, #tpu.memory_space<vmem>>) offsets(%get3A_599 : vector<16xi32>) offset_filter(%dma_start3A_606) semaphore(%arg11 : memref<!tpu.dma_semaphore, #tpu.memory_space<semaphore_mem>>)
      %get3A_607 = arith.constant 176 : index
      %get3A_608 = tpu.vector_load %arg8[%get3A_607] {strides = array<i32>} : memref<256xi32, #tpu.memory_space<vmem>>, vector<16xi32>,
      %dma_start3A_609 = arith.constant 432 : i32
      %dma_start3A_610 = arith.constant 0 : i32
      %dma_start3A_611 = tpu.memref_slice %arg7[%dma_start3A_609, %dma_start3A_610] : memref<512x128xf32, #tpu.memory_space<vmem>> -> memref<16x128xf32, #tpu.memory_space<vmem>>
      %dma_start3A_612 = arith.constant 0 : i32
      %dma_start3A_613 = arith.constant 0 : i32
      %dma_start3A_614 = tpu.memref_slice %arg2[%dma_start3A_612, %dma_start3A_613] : memref<204800x128xf32, #tpu.memory_space<hbm>> -> memref<204800x128xf32, #tpu.memory_space<hbm>>
      %dma_start3A_615 = arith.constant -1 : i32
      tpu.enqueue_indirect_dma source(%dma_start3A_614 : memref<204800x128xf32, #tpu.memory_space<hbm>>) target(%dma_start3A_611 : memref<16x128xf32, #tpu.memory_space<vmem>>) offsets(%get3A_608 : vector<16xi32>) offset_filter(%dma_start3A_615) semaphore(%arg11 : memref<!tpu.dma_semaphore, #tpu.memory_space<semaphore_mem>>)
      %get3A_616 = arith.constant 192 : index
      %get3A_617 = tpu.vector_load %arg8[%get3A_616] {strides = array<i32>} : memref<256xi32, #tpu.memory_space<vmem>>, vector<16xi32>,
      %dma_start3A_618 = arith.constant 448 : i32
      %dma_start3A_619 = arith.constant 0 : i32
      %dma_start3A_620 = tpu.memref_slice %arg7[%dma_start3A_618, %dma_start3A_619] : memref<512x128xf32, #tpu.memory_space<vmem>> -> memref<16x128xf32, #tpu.memory_space<vmem>>
      %dma_start3A_621 = arith.constant 0 : i32
      %dma_start3A_622 = arith.constant 0 : i32
      %dma_start3A_623 = tpu.memref_slice %arg2[%dma_start3A_621, %dma_start3A_622] : memref<204800x128xf32, #tpu.memory_space<hbm>> -> memref<204800x128xf32, #tpu.memory_space<hbm>>
      %dma_start3A_624 = arith.constant -1 : i32
      tpu.enqueue_indirect_dma source(%dma_start3A_623 : memref<204800x128xf32, #tpu.memory_space<hbm>>) target(%dma_start3A_620 : memref<16x128xf32, #tpu.memory_space<vmem>>) offsets(%get3A_617 : vector<16xi32>) offset_filter(%dma_start3A_624) semaphore(%arg11 : memref<!tpu.dma_semaphore, #tpu.memory_space<semaphore_mem>>)
      %get3A_625 = arith.constant 208 : index
      %get3A_626 = tpu.vector_load %arg8[%get3A_625] {strides = array<i32>} : memref<256xi32, #tpu.memory_space<vmem>>, vector<16xi32>,
      %dma_start3A_627 = arith.constant 464 : i32
      %dma_start3A_628 = arith.constant 0 : i32
      %dma_start3A_629 = tpu.memref_slice %arg7[%dma_start3A_627, %dma_start3A_628] : memref<512x128xf32, #tpu.memory_space<vmem>> -> memref<16x128xf32, #tpu.memory_space<vmem>>
      %dma_start3A_630 = arith.constant 0 : i32
      %dma_start3A_631 = arith.constant 0 : i32
      %dma_start3A_632 = tpu.memref_slice %arg2[%dma_start3A_630, %dma_start3A_631] : memref<204800x128xf32, #tpu.memory_space<hbm>> -> memref<204800x128xf32, #tpu.memory_space<hbm>>
      %dma_start3A_633 = arith.constant -1 : i32
      tpu.enqueue_indirect_dma source(%dma_start3A_632 : memref<204800x128xf32, #tpu.memory_space<hbm>>) target(%dma_start3A_629 : memref<16x128xf32, #tpu.memory_space<vmem>>) offsets(%get3A_626 : vector<16xi32>) offset_filter(%dma_start3A_633) semaphore(%arg11 : memref<!tpu.dma_semaphore, #tpu.memory_space<semaphore_mem>>)
      %get3A_634 = arith.constant 224 : index
      %get3A_635 = tpu.vector_load %arg8[%get3A_634] {strides = array<i32>} : memref<256xi32, #tpu.memory_space<vmem>>, vector<16xi32>,
      %dma_start3A_636 = arith.constant 480 : i32
      %dma_start3A_637 = arith.constant 0 : i32
      %dma_start3A_638 = tpu.memref_slice %arg7[%dma_start3A_636, %dma_start3A_637] : memref<512x128xf32, #tpu.memory_space<vmem>> -> memref<16x128xf32, #tpu.memory_space<vmem>>
      %dma_start3A_639 = arith.constant 0 : i32
      %dma_start3A_640 = arith.constant 0 : i32
      %dma_start3A_641 = tpu.memref_slice %arg2[%dma_start3A_639, %dma_start3A_640] : memref<204800x128xf32, #tpu.memory_space<hbm>> -> memref<204800x128xf32, #tpu.memory_space<hbm>>
      %dma_start3A_642 = arith.constant -1 : i32
      tpu.enqueue_indirect_dma source(%dma_start3A_641 : memref<204800x128xf32, #tpu.memory_space<hbm>>) target(%dma_start3A_638 : memref<16x128xf32, #tpu.memory_space<vmem>>) offsets(%get3A_635 : vector<16xi32>) offset_filter(%dma_start3A_642) semaphore(%arg11 : memref<!tpu.dma_semaphore, #tpu.memory_space<semaphore_mem>>)
      %get3A_643 = arith.constant 240 : index
      %get3A_644 = tpu.vector_load %arg8[%get3A_643] {strides = array<i32>} : memref<256xi32, #tpu.memory_space<vmem>>, vector<16xi32>,
      %dma_start3A_645 = arith.constant 496 : i32
      %dma_start3A_646 = arith.constant 0 : i32
      %dma_start3A_647 = tpu.memref_slice %arg7[%dma_start3A_645, %dma_start3A_646] : memref<512x128xf32, #tpu.memory_space<vmem>> -> memref<16x128xf32, #tpu.memory_space<vmem>>
      %dma_start3A_648 = arith.constant 0 : i32
      %dma_start3A_649 = arith.constant 0 : i32
      %dma_start3A_650 = tpu.memref_slice %arg2[%dma_start3A_648, %dma_start3A_649] : memref<204800x128xf32, #tpu.memory_space<hbm>> -> memref<204800x128xf32, #tpu.memory_space<hbm>>
      %dma_start3A_651 = arith.constant -1 : i32
      tpu.enqueue_indirect_dma source(%dma_start3A_650 : memref<204800x128xf32, #tpu.memory_space<hbm>>) target(%dma_start3A_647 : memref<16x128xf32, #tpu.memory_space<vmem>>) offsets(%get3A_644 : vector<16xi32>) offset_filter(%dma_start3A_651) semaphore(%arg11 : memref<!tpu.dma_semaphore, #tpu.memory_space<semaphore_mem>>)
    } else {
    }
    %add3A_103 = arith.constant 0 : i32
    %add3A_104 = arith.addi %add3A, %add3A_103 : i32
    %lt3A_105 = arith.constant 156 : i32
    %lt3A_106 = arith.cmpi slt, %add3A_104, %lt3A_105 : i32
    %jit3A_107 = arith.constant 78 : i32
    %div3A_108 = arith.divsi %add3A_104, %jit3A_107 : i32
    %sign3A_109 = arith.constant 0 : i32
    %sign3A_110 = arith.cmpi sgt, %add3A_104, %sign3A_109 : i32
    %sign3A_111 = arith.extui %sign3A_110 : i1 to i32
    %sign3A_112 = arith.constant 0 : i32
    %sign3A_113 = arith.cmpi slt, %add3A_104, %sign3A_112 : i32
    %sign3A_114 = arith.extui %sign3A_113 : i1 to i32
    %sign3A_115 = arith.subi %sign3A_111, %sign3A_114 : i32
    %sign3A_116 = arith.constant 0 : i32
    %sign3A_117 = arith.cmpi sgt, %jit3A_107, %sign3A_116 : i32
    %sign3A_118 = arith.extui %sign3A_117 : i1 to i32
    %sign3A_119 = arith.constant 0 : i32
    %sign3A_120 = arith.cmpi slt, %jit3A_107, %sign3A_119 : i32
    %sign3A_121 = arith.extui %sign3A_120 : i1 to i32
    %sign3A_122 = arith.subi %sign3A_118, %sign3A_121 : i32
    %ne3A_123 = arith.cmpi ne, %sign3A_115, %sign3A_122 : i32
    %rem3A_124 = arith.remsi %add3A_104, %jit3A_107 : i32
    %ne3A_125 = arith.constant 0 : i32
    %ne3A_126 = arith.cmpi ne, %rem3A_124, %ne3A_125 : i32
    %and3A_127 = arith.andi %ne3A_123, %ne3A_126 : i1
    %sub3A_128 = arith.constant 1 : i32
    %sub3A_129 = arith.subi %div3A_108, %sub3A_128 : i32
    %select_n3A_130 = arith.select %and3A_127, %sub3A_129, %div3A_108 : i32
    %jit3A_131 = arith.constant 78 : i32
    %eq3A_132 = arith.constant 0 : i32
    %eq3A_133 = arith.cmpi eq, %jit3A_131, %eq3A_132 : i32
    %jit3A_134 = arith.constant 1 : i32
    %select_n3A_135 = arith.select %eq3A_133, %jit3A_134, %jit3A_131 : i32
    %rem3A_136 = arith.remsi %add3A_104, %select_n3A_135 : i32
    %ne3A_137 = arith.constant 0 : i32
    %ne3A_138 = arith.cmpi ne, %rem3A_136, %ne3A_137 : i32
    %lt3A_139 = arith.constant 0 : i32
    %lt3A_140 = arith.cmpi slt, %rem3A_136, %lt3A_139 : i32
    %lt3A_141 = arith.constant 0 : i32
    %lt3A_142 = arith.cmpi slt, %select_n3A_135, %lt3A_141 : i32
    %ne3A_143 = arith.xori %lt3A_140, %lt3A_142 : i1
    %and3A_144 = arith.andi %ne3A_143, %ne3A_138 : i1
    %add3A_145 = arith.addi %rem3A_136, %select_n3A_135 : i32
    %select_n3A_146 = arith.select %and3A_144, %add3A_145, %rem3A_136 : i32
    %mul3A_147 = arith.constant 256 : i32
    %mul3A_148 = arith.muli %select_n3A_146, %mul3A_147 : i32
    %multiple_of3A_149 = tpu.assume_multiple %mul3A_148, 256 : i32
    %convert_element_type3A_150 = arith.extui %lt3A_106 : i1 to i32
    %cond3A_151 = arith.constant 0 : i32
    %cond3A_152 = arith.cmpi ne, %convert_element_type3A_150, %cond3A_151 : i32
    scf.if %cond3A_152 {
      %dma_wait3A = arith.constant 0 : i32
      %dma_wait3A_508 = arith.constant 0 : i32
      %dma_wait3A_509 = tpu.memref_slice %arg7[%dma_wait3A, %dma_wait3A_508] : memref<512x128xf32, #tpu.memory_space<vmem>> -> memref<256x128xf32, #tpu.memory_space<vmem>>
      %dma_wait3A_510 = arith.constant 0 : i32
      %dma_wait3A_511 = arith.constant 0 : i32
      %dma_wait3A_512 = tpu.memref_slice %arg2[%dma_wait3A_510, %dma_wait3A_511] : memref<204800x128xf32, #tpu.memory_space<hbm>> -> memref<256x128xf32, #tpu.memory_space<hbm>>
      %dma_wait3A_513 = arith.constant 0 : i32
      %dma_wait3A_514 = arith.constant 0 : i32
      %dma_wait3A_515 = tpu.memref_slice %arg7[%dma_wait3A_513, %dma_wait3A_514] : memref<512x128xf32, #tpu.memory_space<vmem>> -> memref<256x128xf32, #tpu.memory_space<vmem>>
      %dma_wait3A_516 = arith.constant 0 : i32
      %dma_wait3A_517 = arith.constant 0 : i32
      %dma_wait3A_518 = tpu.memref_slice %arg2[%dma_wait3A_516, %dma_wait3A_517] : memref<204800x128xf32, #tpu.memory_space<hbm>> -> memref<256x128xf32, #tpu.memory_space<hbm>>
      tpu.wait_dma2 semaphore(%arg11 : memref<!tpu.dma_semaphore, #tpu.memory_space<semaphore_mem>>) src(%dma_wait3A_518 : memref<256x128xf32, #tpu.memory_space<hbm>>) dst(%dma_wait3A_515 : memref<256x128xf32, #tpu.memory_space<vmem>>)
      %scan3A = arith.constant 0 : i32
      %scan3A_519 = arith.constant 0 : i32
      %scan3A_520 = arith.constant 256 : i32
      %scan3A_521 = arith.addi %scan3A_519, %scan3A_520 : i32
      %scan3A_522 = arith.constant 1 : i32
      %scan3A_523 = scf.for %scan3A_529 = %scan3A_519 to %scan3A_521 step %scan3A_522 iter_args(%scan3A_530 = %scan3A) -> (i32)  : i32 {
        %broadcast_in_dim3A = arith.constant 0 : i32
        %broadcast_in_dim3A_531 = vector.broadcast %broadcast_in_dim3A : i32 to vector<16xi32>
        %add3A_532 = arith.constant 0 : i32
        %add3A_533 = vector.broadcast %add3A_532 : i32 to vector<16xi32>
        %add3A_534 = arith.addi %broadcast_in_dim3A_531, %add3A_533 : vector<16xi32>
        %add3A_535 = vector.broadcast %scan3A_529 : i32 to vector<16xi32>
        %add3A_536 = arith.addi %add3A_534, %add3A_535 : vector<16xi32>
        %gather3A = tpu.vector_load_idx %arg10[%add3A_536] : memref<512xi32, #tpu.memory_space<vmem>>[vector<16xi32>], vector<16xi32>,
        %ne3A_537 = arith.constant 0 : i32
        %ne3A_538 = vector.broadcast %ne3A_537 : i32 to vector<16xi32>
        %ne3A_539 = arith.cmpi ne, %gather3A, %ne3A_538 : vector<16xi32>
        %add3A_540 = arith.constant 0 : i32
        %add3A_541 = arith.addi %add3A_540, %scan3A_529 : i32
        %get3A_542 = arith.index_cast %add3A_541 : i32 to index
        %get3A_543 = arith.constant 0 : index
        %get3A_544 = tpu.vector_load %arg7[%get3A_542, %get3A_543] {strides = array<i32>} : memref<512x128xf32, #tpu.memory_space<vmem>>, vector<16xf32>,
        %select_n3A_545 = arith.select %ne3A_539, %get3A_544, %get3A_1 : vector<16xi1>, vector<16xf32>
        %add3A_546 = arith.constant 0 : i32
        %add3A_547 = arith.addi %add3A_546, %scan3A_529 : i32
        %swap3A = arith.index_cast %add3A_547 : i32 to index
        %swap3A_548 = arith.constant 0 : index
        %swap3A_549 = tpu.vector_load %arg7[%swap3A, %swap3A_548] {strides = array<i32>} : memref<512x128xf32, #tpu.memory_space<vmem>>, vector<16xf32>,
        tpu.vector_store %arg7[%swap3A, %swap3A_548], %select_n3A_545 {strides = array<i32>} : memref<512x128xf32, #tpu.memory_space<vmem>>, vector<16xf32>,
        %add3A_550 = arith.constant 0 : i32
        %add3A_551 = arith.addi %add3A_550, %scan3A_529 : i32
        %get3A_552 = arith.index_cast %add3A_551 : i32 to index
        %get3A_553 = arith.constant 16 : index
        %get3A_554 = tpu.vector_load %arg7[%get3A_552, %get3A_553] {strides = array<i32>} : memref<512x128xf32, #tpu.memory_space<vmem>>, vector<16xf32>,
        %select_n3A_555 = arith.select %ne3A_539, %get3A_554, %get3A_3 : vector<16xi1>, vector<16xf32>
        %add3A_556 = arith.constant 0 : i32
        %add3A_557 = arith.addi %add3A_556, %scan3A_529 : i32
        %swap3A_558 = arith.index_cast %add3A_557 : i32 to index
        %swap3A_559 = arith.constant 16 : index
        %swap3A_560 = tpu.vector_load %arg7[%swap3A_558, %swap3A_559] {strides = array<i32>} : memref<512x128xf32, #tpu.memory_space<vmem>>, vector<16xf32>,
        tpu.vector_store %arg7[%swap3A_558, %swap3A_559], %select_n3A_555 {strides = array<i32>} : memref<512x128xf32, #tpu.memory_space<vmem>>, vector<16xf32>,
        %add3A_561 = arith.constant 0 : i32
        %add3A_562 = arith.addi %add3A_561, %scan3A_529 : i32
        %get3A_563 = arith.index_cast %add3A_562 : i32 to index
        %get3A_564 = arith.constant 32 : index
        %get3A_565 = tpu.vector_load %arg7[%get3A_563, %get3A_564] {strides = array<i32>} : memref<512x128xf32, #tpu.memory_space<vmem>>, vector<16xf32>,
        %select_n3A_566 = arith.select %ne3A_539, %get3A_565, %get3A_5 : vector<16xi1>, vector<16xf32>
        %add3A_567 = arith.constant 0 : i32
        %add3A_568 = arith.addi %add3A_567, %scan3A_529 : i32
        %swap3A_569 = arith.index_cast %add3A_568 : i32 to index
        %swap3A_570 = arith.constant 32 : index
        %swap3A_571 = tpu.vector_load %arg7[%swap3A_569, %swap3A_570] {strides = array<i32>} : memref<512x128xf32, #tpu.memory_space<vmem>>, vector<16xf32>,
        tpu.vector_store %arg7[%swap3A_569, %swap3A_570], %select_n3A_566 {strides = array<i32>} : memref<512x128xf32, #tpu.memory_space<vmem>>, vector<16xf32>,
        %add3A_572 = arith.constant 0 : i32
        %add3A_573 = arith.addi %add3A_572, %scan3A_529 : i32
        %get3A_574 = arith.index_cast %add3A_573 : i32 to index
        %get3A_575 = arith.constant 48 : index
        %get3A_576 = tpu.vector_load %arg7[%get3A_574, %get3A_575] {strides = array<i32>} : memref<512x128xf32, #tpu.memory_space<vmem>>, vector<16xf32>,
        %select_n3A_577 = arith.select %ne3A_539, %get3A_576, %get3A_7 : vector<16xi1>, vector<16xf32>
        %add3A_578 = arith.constant 0 : i32
        %add3A_579 = arith.addi %add3A_578, %scan3A_529 : i32
        %swap3A_580 = arith.index_cast %add3A_579 : i32 to index
        %swap3A_581 = arith.constant 48 : index
        %swap3A_582 = tpu.vector_load %arg7[%swap3A_580, %swap3A_581] {strides = array<i32>} : memref<512x128xf32, #tpu.memory_space<vmem>>, vector<16xf32>,
        tpu.vector_store %arg7[%swap3A_580, %swap3A_581], %select_n3A_577 {strides = array<i32>} : memref<512x128xf32, #tpu.memory_space<vmem>>, vector<16xf32>,
        %add3A_583 = arith.constant 0 : i32
        %add3A_584 = arith.addi %add3A_583, %scan3A_529 : i32
        %get3A_585 = arith.index_cast %add3A_584 : i32 to index
        %get3A_586 = arith.constant 64 : index
        %get3A_587 = tpu.vector_load %arg7[%get3A_585, %get3A_586] {strides = array<i32>} : memref<512x128xf32, #tpu.memory_space<vmem>>, vector<16xf32>,
        %select_n3A_588 = arith.select %ne3A_539, %get3A_587, %get3A_9 : vector<16xi1>, vector<16xf32>
        %add3A_589 = arith.constant 0 : i32
        %add3A_590 = arith.addi %add3A_589, %scan3A_529 : i32
        %swap3A_591 = arith.index_cast %add3A_590 : i32 to index
        %swap3A_592 = arith.constant 64 : index
        %swap3A_593 = tpu.vector_load %arg7[%swap3A_591, %swap3A_592] {strides = array<i32>} : memref<512x128xf32, #tpu.memory_space<vmem>>, vector<16xf32>,
        tpu.vector_store %arg7[%swap3A_591, %swap3A_592], %select_n3A_588 {strides = array<i32>} : memref<512x128xf32, #tpu.memory_space<vmem>>, vector<16xf32>,
        %add3A_594 = arith.constant 0 : i32
        %add3A_595 = arith.addi %add3A_594, %scan3A_529 : i32
        %get3A_596 = arith.index_cast %add3A_595 : i32 to index
        %get3A_597 = arith.constant 80 : index
        %get3A_598 = tpu.vector_load %arg7[%get3A_596, %get3A_597] {strides = array<i32>} : memref<512x128xf32, #tpu.memory_space<vmem>>, vector<16xf32>,
        %select_n3A_599 = arith.select %ne3A_539, %get3A_598, %get3A_11 : vector<16xi1>, vector<16xf32>
        %add3A_600 = arith.constant 0 : i32
        %add3A_601 = arith.addi %add3A_600, %scan3A_529 : i32
        %swap3A_602 = arith.index_cast %add3A_601 : i32 to index
        %swap3A_603 = arith.constant 80 : index
        %swap3A_604 = tpu.vector_load %arg7[%swap3A_602, %swap3A_603] {strides = array<i32>} : memref<512x128xf32, #tpu.memory_space<vmem>>, vector<16xf32>,
        tpu.vector_store %arg7[%swap3A_602, %swap3A_603], %select_n3A_599 {strides = array<i32>} : memref<512x128xf32, #tpu.memory_space<vmem>>, vector<16xf32>,
        %add3A_605 = arith.constant 0 : i32
        %add3A_606 = arith.addi %add3A_605, %scan3A_529 : i32
        %get3A_607 = arith.index_cast %add3A_606 : i32 to index
        %get3A_608 = arith.constant 96 : index
        %get3A_609 = tpu.vector_load %arg7[%get3A_607, %get3A_608] {strides = array<i32>} : memref<512x128xf32, #tpu.memory_space<vmem>>, vector<16xf32>,
        %select_n3A_610 = arith.select %ne3A_539, %get3A_609, %get3A_13 : vector<16xi1>, vector<16xf32>
        %add3A_611 = arith.constant 0 : i32
        %add3A_612 = arith.addi %add3A_611, %scan3A_529 : i32
        %swap3A_613 = arith.index_cast %add3A_612 : i32 to index
        %swap3A_614 = arith.constant 96 : index
        %swap3A_615 = tpu.vector_load %arg7[%swap3A_613, %swap3A_614] {strides = array<i32>} : memref<512x128xf32, #tpu.memory_space<vmem>>, vector<16xf32>,
        tpu.vector_store %arg7[%swap3A_613, %swap3A_614], %select_n3A_610 {strides = array<i32>} : memref<512x128xf32, #tpu.memory_space<vmem>>, vector<16xf32>,
        %add3A_616 = arith.constant 0 : i32
        %add3A_617 = arith.addi %add3A_616, %scan3A_529 : i32
        %get3A_618 = arith.index_cast %add3A_617 : i32 to index
        %get3A_619 = arith.constant 112 : index
        %get3A_620 = tpu.vector_load %arg7[%get3A_618, %get3A_619] {strides = array<i32>} : memref<512x128xf32, #tpu.memory_space<vmem>>, vector<16xf32>,
        %select_n3A_621 = arith.select %ne3A_539, %get3A_620, %get3A_15 : vector<16xi1>, vector<16xf32>
        %add3A_622 = arith.constant 0 : i32
        %add3A_623 = arith.addi %add3A_622, %scan3A_529 : i32
        %swap3A_624 = arith.index_cast %add3A_623 : i32 to index
        %swap3A_625 = arith.constant 112 : index
        %swap3A_626 = tpu.vector_load %arg7[%swap3A_624, %swap3A_625] {strides = array<i32>} : memref<512x128xf32, #tpu.memory_space<vmem>>, vector<16xf32>,
        tpu.vector_store %arg7[%swap3A_624, %swap3A_625], %select_n3A_621 {strides = array<i32>} : memref<512x128xf32, #tpu.memory_space<vmem>>, vector<16xf32>,
        %scan3A_627 = arith.constant 0 : i32
        scf.yield %scan3A_627 : i32
      }
      %scan3A_524 = arith.constant 256 : i32
      %mul3A_525 = arith.constant 20000 : i32
      %mul3A_526 = arith.muli %select_n3A_130, %mul3A_525 : i32
      %multiple_of3A_527 = tpu.assume_multiple %mul3A_526, 8 : i32
      %add3A_528 = arith.addi %multiple_of3A_527, %multiple_of3A_149 : i32
      "tpu.region"() ({
        %run_scoped3A = tpu.sem_alloc : memref<!tpu.dma_semaphore, #tpu.memory_space<semaphore_mem>>
        %dma_start3A = arith.constant 0 : i32
        %dma_start3A_529 = arith.constant 0 : i32
        %dma_start3A_530 = tpu.memref_slice %arg7[%dma_start3A, %dma_start3A_529] : memref<512x128xf32, #tpu.memory_space<vmem>> -> memref<256x128xf32, #tpu.memory_space<vmem>>
        %dma_start3A_531 = arith.constant 0 : i32
        %dma_start3A_532 = tpu.memref_slice %arg6[%add3A_528, %dma_start3A_531] : memref<40000x128xf32, #tpu.memory_space<hbm>> -> memref<256x128xf32, #tpu.memory_space<hbm>>
        %dma_start3A_533 = arith.constant 0 : i32
        %dma_start3A_534 = tpu.memref_slice %arg6[%add3A_528, %dma_start3A_533] : memref<40000x128xf32, #tpu.memory_space<hbm>> -> memref<256x128xf32, #tpu.memory_space<hbm>>
        %dma_start3A_535 = arith.constant 0 : i32
        %dma_start3A_536 = arith.constant 0 : i32
        %dma_start3A_537 = tpu.memref_slice %arg7[%dma_start3A_535, %dma_start3A_536] : memref<512x128xf32, #tpu.memory_space<vmem>> -> memref<256x128xf32, #tpu.memory_space<vmem>>
        tpu.enqueue_dma source(%dma_start3A_537 : memref<256x128xf32, #tpu.memory_space<vmem>>) target(%dma_start3A_534 : memref<256x128xf32, #tpu.memory_space<hbm>>) target_semaphore(%run_scoped3A : memref<!tpu.dma_semaphore, #tpu.memory_space<semaphore_mem>>)
        %dma_wait3A_538 = arith.constant 0 : i32
        %dma_wait3A_539 = arith.constant 0 : i32
        %dma_wait3A_540 = tpu.memref_slice %arg7[%dma_wait3A_538, %dma_wait3A_539] : memref<512x128xf32, #tpu.memory_space<vmem>> -> memref<256x128xf32, #tpu.memory_space<vmem>>
        %dma_wait3A_541 = arith.constant 0 : i32
        %dma_wait3A_542 = tpu.memref_slice %arg6[%add3A_528, %dma_wait3A_541] : memref<40000x128xf32, #tpu.memory_space<hbm>> -> memref<256x128xf32, #tpu.memory_space<hbm>>
        %dma_wait3A_543 = arith.constant 0 : i32
        %dma_wait3A_544 = tpu.memref_slice %arg6[%add3A_528, %dma_wait3A_543] : memref<40000x128xf32, #tpu.memory_space<hbm>> -> memref<256x128xf32, #tpu.memory_space<hbm>>
        %dma_wait3A_545 = arith.constant 0 : i32
        %dma_wait3A_546 = arith.constant 0 : i32
        %dma_wait3A_547 = tpu.memref_slice %arg7[%dma_wait3A_545, %dma_wait3A_546] : memref<512x128xf32, #tpu.memory_space<vmem>> -> memref<256x128xf32, #tpu.memory_space<vmem>>
        tpu.wait_dma2 semaphore(%run_scoped3A : memref<!tpu.dma_semaphore, #tpu.memory_space<semaphore_mem>>) src(%dma_wait3A_547 : memref<256x128xf32, #tpu.memory_space<vmem>>) dst(%dma_wait3A_544 : memref<256x128xf32, #tpu.memory_space<hbm>>)
        tpu.yield
      }) : () -> ()
    } else {
    }
    %add3A_153 = arith.constant 64 : i32
    %add3A_154 = arith.addi %add3A, %add3A_153 : i32
    %lt3A_155 = arith.constant 156 : i32
    %lt3A_156 = arith.cmpi slt, %add3A_154, %lt3A_155 : i32
    %jit3A_157 = arith.constant 78 : i32
    %div3A_158 = arith.divsi %add3A_154, %jit3A_157 : i32
    %sign3A_159 = arith.constant 0 : i32
    %sign3A_160 = arith.cmpi sgt, %add3A_154, %sign3A_159 : i32
    %sign3A_161 = arith.extui %sign3A_160 : i1 to i32
    %sign3A_162 = arith.constant 0 : i32
    %sign3A_163 = arith.cmpi slt, %add3A_154, %sign3A_162 : i32
    %sign3A_164 = arith.extui %sign3A_163 : i1 to i32
    %sign3A_165 = arith.subi %sign3A_161, %sign3A_164 : i32
    %sign3A_166 = arith.constant 0 : i32
    %sign3A_167 = arith.cmpi sgt, %jit3A_157, %sign3A_166 : i32
    %sign3A_168 = arith.extui %sign3A_167 : i1 to i32
    %sign3A_169 = arith.constant 0 : i32
    %sign3A_170 = arith.cmpi slt, %jit3A_157, %sign3A_169 : i32
    %sign3A_171 = arith.extui %sign3A_170 : i1 to i32
    %sign3A_172 = arith.subi %sign3A_168, %sign3A_171 : i32
    %ne3A_173 = arith.cmpi ne, %sign3A_165, %sign3A_172 : i32
    %rem3A_174 = arith.remsi %add3A_154, %jit3A_157 : i32
    %ne3A_175 = arith.constant 0 : i32
    %ne3A_176 = arith.cmpi ne, %rem3A_174, %ne3A_175 : i32
    %and3A_177 = arith.andi %ne3A_173, %ne3A_176 : i1
    %sub3A_178 = arith.constant 1 : i32
    %sub3A_179 = arith.subi %div3A_158, %sub3A_178 : i32
    %select_n3A_180 = arith.select %and3A_177, %sub3A_179, %div3A_158 : i32
    %jit3A_181 = arith.constant 78 : i32
    %eq3A_182 = arith.constant 0 : i32
    %eq3A_183 = arith.cmpi eq, %jit3A_181, %eq3A_182 : i32
    %jit3A_184 = arith.constant 1 : i32
    %select_n3A_185 = arith.select %eq3A_183, %jit3A_184, %jit3A_181 : i32
    %rem3A_186 = arith.remsi %add3A_154, %select_n3A_185 : i32
    %ne3A_187 = arith.constant 0 : i32
    %ne3A_188 = arith.cmpi ne, %rem3A_186, %ne3A_187 : i32
    %lt3A_189 = arith.constant 0 : i32
    %lt3A_190 = arith.cmpi slt, %rem3A_186, %lt3A_189 : i32
    %lt3A_191 = arith.constant 0 : i32
    %lt3A_192 = arith.cmpi slt, %select_n3A_185, %lt3A_191 : i32
    %ne3A_193 = arith.xori %lt3A_190, %lt3A_192 : i1
    %and3A_194 = arith.andi %ne3A_193, %ne3A_188 : i1
    %add3A_195 = arith.addi %rem3A_186, %select_n3A_185 : i32
    %select_n3A_196 = arith.select %and3A_194, %add3A_195, %rem3A_186 : i32
    %mul3A_197 = arith.constant 256 : i32
    %mul3A_198 = arith.muli %select_n3A_196, %mul3A_197 : i32
    %multiple_of3A_199 = tpu.assume_multiple %mul3A_198, 256 : i32
    %convert_element_type3A_200 = arith.extui %lt3A_156 : i1 to i32
    %cond3A_201 = arith.constant 0 : i32
    %cond3A_202 = arith.cmpi ne, %convert_element_type3A_200, %cond3A_201 : i32
    scf.if %cond3A_202 {
      %run_scoped3A = arith.constant 0 : i32
      "tpu.region"() ({
        %run_scoped3A_652 = tpu.sem_alloc : memref<!tpu.dma_semaphore, #tpu.memory_space<semaphore_mem>>
        %dma_start3A_653 = arith.constant 0 : i32
        %dma_start3A_654 = tpu.memref_slice %arg8[%dma_start3A_653] : memref<256xi32, #tpu.memory_space<vmem>> -> memref<256xi32, #tpu.memory_space<vmem>>
        %dma_start3A_655 = tpu.memref_slice %arg3[%select_n3A_180, %run_scoped3A, %multiple_of3A_199] : memref<2x1x20480xi32, #tpu.memory_space<hbm>> -> memref<1x1x256xi32, #tpu.memory_space<hbm>>
        %dma_start3A_656 = tpu.memref_squeeze %dma_start3A_655 : memref<1x1x256xi32, #tpu.memory_space<hbm>> -> memref<256xi32, #tpu.memory_space<hbm>>
        %dma_start3A_657 = arith.constant 0 : i32
        %dma_start3A_658 = tpu.memref_slice %arg8[%dma_start3A_657] : memref<256xi32, #tpu.memory_space<vmem>> -> memref<256xi32, #tpu.memory_space<vmem>>
        %dma_start3A_659 = tpu.memref_slice %arg3[%select_n3A_180, %run_scoped3A, %multiple_of3A_199] : memref<2x1x20480xi32, #tpu.memory_space<hbm>> -> memref<1x1x256xi32, #tpu.memory_space<hbm>>
        %dma_start3A_660 = tpu.memref_squeeze %dma_start3A_659 : memref<1x1x256xi32, #tpu.memory_space<hbm>> -> memref<256xi32, #tpu.memory_space<hbm>>
        tpu.enqueue_dma source(%dma_start3A_660 : memref<256xi32, #tpu.memory_space<hbm>>) target(%dma_start3A_658 : memref<256xi32, #tpu.memory_space<vmem>>) target_semaphore(%run_scoped3A_652 : memref<!tpu.dma_semaphore, #tpu.memory_space<semaphore_mem>>)
        %dma_wait3A = arith.constant 0 : i32
        %dma_wait3A_661 = tpu.memref_slice %arg8[%dma_wait3A] : memref<256xi32, #tpu.memory_space<vmem>> -> memref<256xi32, #tpu.memory_space<vmem>>
        %dma_wait3A_662 = tpu.memref_slice %arg3[%select_n3A_180, %run_scoped3A, %multiple_of3A_199] : memref<2x1x20480xi32, #tpu.memory_space<hbm>> -> memref<1x1x256xi32, #tpu.memory_space<hbm>>
        %dma_wait3A_663 = tpu.memref_squeeze %dma_wait3A_662 : memref<1x1x256xi32, #tpu.memory_space<hbm>> -> memref<256xi32, #tpu.memory_space<hbm>>
        %dma_wait3A_664 = arith.constant 0 : i32
        %dma_wait3A_665 = tpu.memref_slice %arg8[%dma_wait3A_664] : memref<256xi32, #tpu.memory_space<vmem>> -> memref<256xi32, #tpu.memory_space<vmem>>
        %dma_wait3A_666 = tpu.memref_slice %arg3[%select_n3A_180, %run_scoped3A, %multiple_of3A_199] : memref<2x1x20480xi32, #tpu.memory_space<hbm>> -> memref<1x1x256xi32, #tpu.memory_space<hbm>>
        %dma_wait3A_667 = tpu.memref_squeeze %dma_wait3A_666 : memref<1x1x256xi32, #tpu.memory_space<hbm>> -> memref<256xi32, #tpu.memory_space<hbm>>
        tpu.wait_dma2 semaphore(%run_scoped3A_652 : memref<!tpu.dma_semaphore, #tpu.memory_space<semaphore_mem>>) src(%dma_wait3A_667 : memref<256xi32, #tpu.memory_space<hbm>>) dst(%dma_wait3A_665 : memref<256xi32, #tpu.memory_space<vmem>>)
        tpu.yield
      }) : () -> ()
      %run_scoped3A_508 = arith.constant 0 : i32
      "tpu.region"() ({
        %run_scoped3A_652 = tpu.sem_alloc : memref<!tpu.dma_semaphore, #tpu.memory_space<semaphore_mem>>
        %dma_start3A_653 = arith.constant 0 : i32
        %dma_start3A_654 = tpu.memref_slice %arg10[%dma_start3A_653] : memref<512xi32, #tpu.memory_space<vmem>> -> memref<256xi32, #tpu.memory_space<vmem>>
        %dma_start3A_655 = tpu.memref_slice %arg4[%select_n3A_180, %run_scoped3A_508, %multiple_of3A_199] : memref<2x1x20480xi32, #tpu.memory_space<hbm>> -> memref<1x1x256xi32, #tpu.memory_space<hbm>>
        %dma_start3A_656 = tpu.memref_squeeze %dma_start3A_655 : memref<1x1x256xi32, #tpu.memory_space<hbm>> -> memref<256xi32, #tpu.memory_space<hbm>>
        %dma_start3A_657 = arith.constant 0 : i32
        %dma_start3A_658 = tpu.memref_slice %arg10[%dma_start3A_657] : memref<512xi32, #tpu.memory_space<vmem>> -> memref<256xi32, #tpu.memory_space<vmem>>
        %dma_start3A_659 = tpu.memref_slice %arg4[%select_n3A_180, %run_scoped3A_508, %multiple_of3A_199] : memref<2x1x20480xi32, #tpu.memory_space<hbm>> -> memref<1x1x256xi32, #tpu.memory_space<hbm>>
        %dma_start3A_660 = tpu.memref_squeeze %dma_start3A_659 : memref<1x1x256xi32, #tpu.memory_space<hbm>> -> memref<256xi32, #tpu.memory_space<hbm>>
        tpu.enqueue_dma source(%dma_start3A_660 : memref<256xi32, #tpu.memory_space<hbm>>) target(%dma_start3A_658 : memref<256xi32, #tpu.memory_space<vmem>>) target_semaphore(%run_scoped3A_652 : memref<!tpu.dma_semaphore, #tpu.memory_space<semaphore_mem>>)
        %dma_wait3A = arith.constant 0 : i32
        %dma_wait3A_661 = tpu.memref_slice %arg10[%dma_wait3A] : memref<512xi32, #tpu.memory_space<vmem>> -> memref<256xi32, #tpu.memory_space<vmem>>
        %dma_wait3A_662 = tpu.memref_slice %arg4[%select_n3A_180, %run_scoped3A_508, %multiple_of3A_199] : memref<2x1x20480xi32, #tpu.memory_space<hbm>> -> memref<1x1x256xi32, #tpu.memory_space<hbm>>
        %dma_wait3A_663 = tpu.memref_squeeze %dma_wait3A_662 : memref<1x1x256xi32, #tpu.memory_space<hbm>> -> memref<256xi32, #tpu.memory_space<hbm>>
        %dma_wait3A_664 = arith.constant 0 : i32
        %dma_wait3A_665 = tpu.memref_slice %arg10[%dma_wait3A_664] : memref<512xi32, #tpu.memory_space<vmem>> -> memref<256xi32, #tpu.memory_space<vmem>>
        %dma_wait3A_666 = tpu.memref_slice %arg4[%select_n3A_180, %run_scoped3A_508, %multiple_of3A_199] : memref<2x1x20480xi32, #tpu.memory_space<hbm>> -> memref<1x1x256xi32, #tpu.memory_space<hbm>>
        %dma_wait3A_667 = tpu.memref_squeeze %dma_wait3A_666 : memref<1x1x256xi32, #tpu.memory_space<hbm>> -> memref<256xi32, #tpu.memory_space<hbm>>
        tpu.wait_dma2 semaphore(%run_scoped3A_652 : memref<!tpu.dma_semaphore, #tpu.memory_space<semaphore_mem>>) src(%dma_wait3A_667 : memref<256xi32, #tpu.memory_space<hbm>>) dst(%dma_wait3A_665 : memref<256xi32, #tpu.memory_space<vmem>>)
        tpu.yield
      }) : () -> ()
      %get3A_509 = arith.constant 0 : index
      %get3A_510 = tpu.vector_load %arg8[%get3A_509] {strides = array<i32>} : memref<256xi32, #tpu.memory_space<vmem>>, vector<16xi32>,
      %dma_start3A = arith.constant 0 : i32
      %dma_start3A_511 = arith.constant 0 : i32
      %dma_start3A_512 = tpu.memref_slice %arg7[%dma_start3A, %dma_start3A_511] : memref<512x128xf32, #tpu.memory_space<vmem>> -> memref<16x128xf32, #tpu.memory_space<vmem>>
      %dma_start3A_513 = arith.constant 0 : i32
      %dma_start3A_514 = arith.constant 0 : i32
      %dma_start3A_515 = tpu.memref_slice %arg2[%dma_start3A_513, %dma_start3A_514] : memref<204800x128xf32, #tpu.memory_space<hbm>> -> memref<204800x128xf32, #tpu.memory_space<hbm>>
      %dma_start3A_516 = arith.constant -1 : i32
      tpu.enqueue_indirect_dma source(%dma_start3A_515 : memref<204800x128xf32, #tpu.memory_space<hbm>>) target(%dma_start3A_512 : memref<16x128xf32, #tpu.memory_space<vmem>>) offsets(%get3A_510 : vector<16xi32>) offset_filter(%dma_start3A_516) semaphore(%arg11 : memref<!tpu.dma_semaphore, #tpu.memory_space<semaphore_mem>>)
      %get3A_517 = arith.constant 16 : index
      %get3A_518 = tpu.vector_load %arg8[%get3A_517] {strides = array<i32>} : memref<256xi32, #tpu.memory_space<vmem>>, vector<16xi32>,
      %dma_start3A_519 = arith.constant 16 : i32
      %dma_start3A_520 = arith.constant 0 : i32
      %dma_start3A_521 = tpu.memref_slice %arg7[%dma_start3A_519, %dma_start3A_520] : memref<512x128xf32, #tpu.memory_space<vmem>> -> memref<16x128xf32, #tpu.memory_space<vmem>>
      %dma_start3A_522 = arith.constant 0 : i32
      %dma_start3A_523 = arith.constant 0 : i32
      %dma_start3A_524 = tpu.memref_slice %arg2[%dma_start3A_522, %dma_start3A_523] : memref<204800x128xf32, #tpu.memory_space<hbm>> -> memref<204800x128xf32, #tpu.memory_space<hbm>>
      %dma_start3A_525 = arith.constant -1 : i32
      tpu.enqueue_indirect_dma source(%dma_start3A_524 : memref<204800x128xf32, #tpu.memory_space<hbm>>) target(%dma_start3A_521 : memref<16x128xf32, #tpu.memory_space<vmem>>) offsets(%get3A_518 : vector<16xi32>) offset_filter(%dma_start3A_525) semaphore(%arg11 : memref<!tpu.dma_semaphore, #tpu.memory_space<semaphore_mem>>)
      %get3A_526 = arith.constant 32 : index
      %get3A_527 = tpu.vector_load %arg8[%get3A_526] {strides = array<i32>} : memref<256xi32, #tpu.memory_space<vmem>>, vector<16xi32>,
      %dma_start3A_528 = arith.constant 32 : i32
      %dma_start3A_529 = arith.constant 0 : i32
      %dma_start3A_530 = tpu.memref_slice %arg7[%dma_start3A_528, %dma_start3A_529] : memref<512x128xf32, #tpu.memory_space<vmem>> -> memref<16x128xf32, #tpu.memory_space<vmem>>
      %dma_start3A_531 = arith.constant 0 : i32
      %dma_start3A_532 = arith.constant 0 : i32
      %dma_start3A_533 = tpu.memref_slice %arg2[%dma_start3A_531, %dma_start3A_532] : memref<204800x128xf32, #tpu.memory_space<hbm>> -> memref<204800x128xf32, #tpu.memory_space<hbm>>
      %dma_start3A_534 = arith.constant -1 : i32
      tpu.enqueue_indirect_dma source(%dma_start3A_533 : memref<204800x128xf32, #tpu.memory_space<hbm>>) target(%dma_start3A_530 : memref<16x128xf32, #tpu.memory_space<vmem>>) offsets(%get3A_527 : vector<16xi32>) offset_filter(%dma_start3A_534) semaphore(%arg11 : memref<!tpu.dma_semaphore, #tpu.memory_space<semaphore_mem>>)
      %get3A_535 = arith.constant 48 : index
      %get3A_536 = tpu.vector_load %arg8[%get3A_535] {strides = array<i32>} : memref<256xi32, #tpu.memory_space<vmem>>, vector<16xi32>,
      %dma_start3A_537 = arith.constant 48 : i32
      %dma_start3A_538 = arith.constant 0 : i32
      %dma_start3A_539 = tpu.memref_slice %arg7[%dma_start3A_537, %dma_start3A_538] : memref<512x128xf32, #tpu.memory_space<vmem>> -> memref<16x128xf32, #tpu.memory_space<vmem>>
      %dma_start3A_540 = arith.constant 0 : i32
      %dma_start3A_541 = arith.constant 0 : i32
      %dma_start3A_542 = tpu.memref_slice %arg2[%dma_start3A_540, %dma_start3A_541] : memref<204800x128xf32, #tpu.memory_space<hbm>> -> memref<204800x128xf32, #tpu.memory_space<hbm>>
      %dma_start3A_543 = arith.constant -1 : i32
      tpu.enqueue_indirect_dma source(%dma_start3A_542 : memref<204800x128xf32, #tpu.memory_space<hbm>>) target(%dma_start3A_539 : memref<16x128xf32, #tpu.memory_space<vmem>>) offsets(%get3A_536 : vector<16xi32>) offset_filter(%dma_start3A_543) semaphore(%arg11 : memref<!tpu.dma_semaphore, #tpu.memory_space<semaphore_mem>>)
      %get3A_544 = arith.constant 64 : index
      %get3A_545 = tpu.vector_load %arg8[%get3A_544] {strides = array<i32>} : memref<256xi32, #tpu.memory_space<vmem>>, vector<16xi32>,
      %dma_start3A_546 = arith.constant 64 : i32
      %dma_start3A_547 = arith.constant 0 : i32
      %dma_start3A_548 = tpu.memref_slice %arg7[%dma_start3A_546, %dma_start3A_547] : memref<512x128xf32, #tpu.memory_space<vmem>> -> memref<16x128xf32, #tpu.memory_space<vmem>>
      %dma_start3A_549 = arith.constant 0 : i32
      %dma_start3A_550 = arith.constant 0 : i32
      %dma_start3A_551 = tpu.memref_slice %arg2[%dma_start3A_549, %dma_start3A_550] : memref<204800x128xf32, #tpu.memory_space<hbm>> -> memref<204800x128xf32, #tpu.memory_space<hbm>>
      %dma_start3A_552 = arith.constant -1 : i32
      tpu.enqueue_indirect_dma source(%dma_start3A_551 : memref<204800x128xf32, #tpu.memory_space<hbm>>) target(%dma_start3A_548 : memref<16x128xf32, #tpu.memory_space<vmem>>) offsets(%get3A_545 : vector<16xi32>) offset_filter(%dma_start3A_552) semaphore(%arg11 : memref<!tpu.dma_semaphore, #tpu.memory_space<semaphore_mem>>)
      %get3A_553 = arith.constant 80 : index
      %get3A_554 = tpu.vector_load %arg8[%get3A_553] {strides = array<i32>} : memref<256xi32, #tpu.memory_space<vmem>>, vector<16xi32>,
      %dma_start3A_555 = arith.constant 80 : i32
      %dma_start3A_556 = arith.constant 0 : i32
      %dma_start3A_557 = tpu.memref_slice %arg7[%dma_start3A_555, %dma_start3A_556] : memref<512x128xf32, #tpu.memory_space<vmem>> -> memref<16x128xf32, #tpu.memory_space<vmem>>
      %dma_start3A_558 = arith.constant 0 : i32
      %dma_start3A_559 = arith.constant 0 : i32
      %dma_start3A_560 = tpu.memref_slice %arg2[%dma_start3A_558, %dma_start3A_559] : memref<204800x128xf32, #tpu.memory_space<hbm>> -> memref<204800x128xf32, #tpu.memory_space<hbm>>
      %dma_start3A_561 = arith.constant -1 : i32
      tpu.enqueue_indirect_dma source(%dma_start3A_560 : memref<204800x128xf32, #tpu.memory_space<hbm>>) target(%dma_start3A_557 : memref<16x128xf32, #tpu.memory_space<vmem>>) offsets(%get3A_554 : vector<16xi32>) offset_filter(%dma_start3A_561) semaphore(%arg11 : memref<!tpu.dma_semaphore, #tpu.memory_space<semaphore_mem>>)
      %get3A_562 = arith.constant 96 : index
      %get3A_563 = tpu.vector_load %arg8[%get3A_562] {strides = array<i32>} : memref<256xi32, #tpu.memory_space<vmem>>, vector<16xi32>,
      %dma_start3A_564 = arith.constant 96 : i32
      %dma_start3A_565 = arith.constant 0 : i32
      %dma_start3A_566 = tpu.memref_slice %arg7[%dma_start3A_564, %dma_start3A_565] : memref<512x128xf32, #tpu.memory_space<vmem>> -> memref<16x128xf32, #tpu.memory_space<vmem>>
      %dma_start3A_567 = arith.constant 0 : i32
      %dma_start3A_568 = arith.constant 0 : i32
      %dma_start3A_569 = tpu.memref_slice %arg2[%dma_start3A_567, %dma_start3A_568] : memref<204800x128xf32, #tpu.memory_space<hbm>> -> memref<204800x128xf32, #tpu.memory_space<hbm>>
      %dma_start3A_570 = arith.constant -1 : i32
      tpu.enqueue_indirect_dma source(%dma_start3A_569 : memref<204800x128xf32, #tpu.memory_space<hbm>>) target(%dma_start3A_566 : memref<16x128xf32, #tpu.memory_space<vmem>>) offsets(%get3A_563 : vector<16xi32>) offset_filter(%dma_start3A_570) semaphore(%arg11 : memref<!tpu.dma_semaphore, #tpu.memory_space<semaphore_mem>>)
      %get3A_571 = arith.constant 112 : index
      %get3A_572 = tpu.vector_load %arg8[%get3A_571] {strides = array<i32>} : memref<256xi32, #tpu.memory_space<vmem>>, vector<16xi32>,
      %dma_start3A_573 = arith.constant 112 : i32
      %dma_start3A_574 = arith.constant 0 : i32
      %dma_start3A_575 = tpu.memref_slice %arg7[%dma_start3A_573, %dma_start3A_574] : memref<512x128xf32, #tpu.memory_space<vmem>> -> memref<16x128xf32, #tpu.memory_space<vmem>>
      %dma_start3A_576 = arith.constant 0 : i32
      %dma_start3A_577 = arith.constant 0 : i32
      %dma_start3A_578 = tpu.memref_slice %arg2[%dma_start3A_576, %dma_start3A_577] : memref<204800x128xf32, #tpu.memory_space<hbm>> -> memref<204800x128xf32, #tpu.memory_space<hbm>>
      %dma_start3A_579 = arith.constant -1 : i32
      tpu.enqueue_indirect_dma source(%dma_start3A_578 : memref<204800x128xf32, #tpu.memory_space<hbm>>) target(%dma_start3A_575 : memref<16x128xf32, #tpu.memory_space<vmem>>) offsets(%get3A_572 : vector<16xi32>) offset_filter(%dma_start3A_579) semaphore(%arg11 : memref<!tpu.dma_semaphore, #tpu.memory_space<semaphore_mem>>)
      %get3A_580 = arith.constant 128 : index
      %get3A_581 = tpu.vector_load %arg8[%get3A_580] {strides = array<i32>} : memref<256xi32, #tpu.memory_space<vmem>>, vector<16xi32>,
      %dma_start3A_582 = arith.constant 128 : i32
      %dma_start3A_583 = arith.constant 0 : i32
      %dma_start3A_584 = tpu.memref_slice %arg7[%dma_start3A_582, %dma_start3A_583] : memref<512x128xf32, #tpu.memory_space<vmem>> -> memref<16x128xf32, #tpu.memory_space<vmem>>
      %dma_start3A_585 = arith.constant 0 : i32
      %dma_start3A_586 = arith.constant 0 : i32
      %dma_start3A_587 = tpu.memref_slice %arg2[%dma_start3A_585, %dma_start3A_586] : memref<204800x128xf32, #tpu.memory_space<hbm>> -> memref<204800x128xf32, #tpu.memory_space<hbm>>
      %dma_start3A_588 = arith.constant -1 : i32
      tpu.enqueue_indirect_dma source(%dma_start3A_587 : memref<204800x128xf32, #tpu.memory_space<hbm>>) target(%dma_start3A_584 : memref<16x128xf32, #tpu.memory_space<vmem>>) offsets(%get3A_581 : vector<16xi32>) offset_filter(%dma_start3A_588) semaphore(%arg11 : memref<!tpu.dma_semaphore, #tpu.memory_space<semaphore_mem>>)
      %get3A_589 = arith.constant 144 : index
      %get3A_590 = tpu.vector_load %arg8[%get3A_589] {strides = array<i32>} : memref<256xi32, #tpu.memory_space<vmem>>, vector<16xi32>,
      %dma_start3A_591 = arith.constant 144 : i32
      %dma_start3A_592 = arith.constant 0 : i32
      %dma_start3A_593 = tpu.memref_slice %arg7[%dma_start3A_591, %dma_start3A_592] : memref<512x128xf32, #tpu.memory_space<vmem>> -> memref<16x128xf32, #tpu.memory_space<vmem>>
      %dma_start3A_594 = arith.constant 0 : i32
      %dma_start3A_595 = arith.constant 0 : i32
      %dma_start3A_596 = tpu.memref_slice %arg2[%dma_start3A_594, %dma_start3A_595] : memref<204800x128xf32, #tpu.memory_space<hbm>> -> memref<204800x128xf32, #tpu.memory_space<hbm>>
      %dma_start3A_597 = arith.constant -1 : i32
      tpu.enqueue_indirect_dma source(%dma_start3A_596 : memref<204800x128xf32, #tpu.memory_space<hbm>>) target(%dma_start3A_593 : memref<16x128xf32, #tpu.memory_space<vmem>>) offsets(%get3A_590 : vector<16xi32>) offset_filter(%dma_start3A_597) semaphore(%arg11 : memref<!tpu.dma_semaphore, #tpu.memory_space<semaphore_mem>>)
      %get3A_598 = arith.constant 160 : index
      %get3A_599 = tpu.vector_load %arg8[%get3A_598] {strides = array<i32>} : memref<256xi32, #tpu.memory_space<vmem>>, vector<16xi32>,
      %dma_start3A_600 = arith.constant 160 : i32
      %dma_start3A_601 = arith.constant 0 : i32
      %dma_start3A_602 = tpu.memref_slice %arg7[%dma_start3A_600, %dma_start3A_601] : memref<512x128xf32, #tpu.memory_space<vmem>> -> memref<16x128xf32, #tpu.memory_space<vmem>>
      %dma_start3A_603 = arith.constant 0 : i32
      %dma_start3A_604 = arith.constant 0 : i32
      %dma_start3A_605 = tpu.memref_slice %arg2[%dma_start3A_603, %dma_start3A_604] : memref<204800x128xf32, #tpu.memory_space<hbm>> -> memref<204800x128xf32, #tpu.memory_space<hbm>>
      %dma_start3A_606 = arith.constant -1 : i32
      tpu.enqueue_indirect_dma source(%dma_start3A_605 : memref<204800x128xf32, #tpu.memory_space<hbm>>) target(%dma_start3A_602 : memref<16x128xf32, #tpu.memory_space<vmem>>) offsets(%get3A_599 : vector<16xi32>) offset_filter(%dma_start3A_606) semaphore(%arg11 : memref<!tpu.dma_semaphore, #tpu.memory_space<semaphore_mem>>)
      %get3A_607 = arith.constant 176 : index
      %get3A_608 = tpu.vector_load %arg8[%get3A_607] {strides = array<i32>} : memref<256xi32, #tpu.memory_space<vmem>>, vector<16xi32>,
      %dma_start3A_609 = arith.constant 176 : i32
      %dma_start3A_610 = arith.constant 0 : i32
      %dma_start3A_611 = tpu.memref_slice %arg7[%dma_start3A_609, %dma_start3A_610] : memref<512x128xf32, #tpu.memory_space<vmem>> -> memref<16x128xf32, #tpu.memory_space<vmem>>
      %dma_start3A_612 = arith.constant 0 : i32
      %dma_start3A_613 = arith.constant 0 : i32
      %dma_start3A_614 = tpu.memref_slice %arg2[%dma_start3A_612, %dma_start3A_613] : memref<204800x128xf32, #tpu.memory_space<hbm>> -> memref<204800x128xf32, #tpu.memory_space<hbm>>
      %dma_start3A_615 = arith.constant -1 : i32
      tpu.enqueue_indirect_dma source(%dma_start3A_614 : memref<204800x128xf32, #tpu.memory_space<hbm>>) target(%dma_start3A_611 : memref<16x128xf32, #tpu.memory_space<vmem>>) offsets(%get3A_608 : vector<16xi32>) offset_filter(%dma_start3A_615) semaphore(%arg11 : memref<!tpu.dma_semaphore, #tpu.memory_space<semaphore_mem>>)
      %get3A_616 = arith.constant 192 : index
      %get3A_617 = tpu.vector_load %arg8[%get3A_616] {strides = array<i32>} : memref<256xi32, #tpu.memory_space<vmem>>, vector<16xi32>,
      %dma_start3A_618 = arith.constant 192 : i32
      %dma_start3A_619 = arith.constant 0 : i32
      %dma_start3A_620 = tpu.memref_slice %arg7[%dma_start3A_618, %dma_start3A_619] : memref<512x128xf32, #tpu.memory_space<vmem>> -> memref<16x128xf32, #tpu.memory_space<vmem>>
      %dma_start3A_621 = arith.constant 0 : i32
      %dma_start3A_622 = arith.constant 0 : i32
      %dma_start3A_623 = tpu.memref_slice %arg2[%dma_start3A_621, %dma_start3A_622] : memref<204800x128xf32, #tpu.memory_space<hbm>> -> memref<204800x128xf32, #tpu.memory_space<hbm>>
      %dma_start3A_624 = arith.constant -1 : i32
      tpu.enqueue_indirect_dma source(%dma_start3A_623 : memref<204800x128xf32, #tpu.memory_space<hbm>>) target(%dma_start3A_620 : memref<16x128xf32, #tpu.memory_space<vmem>>) offsets(%get3A_617 : vector<16xi32>) offset_filter(%dma_start3A_624) semaphore(%arg11 : memref<!tpu.dma_semaphore, #tpu.memory_space<semaphore_mem>>)
      %get3A_625 = arith.constant 208 : index
      %get3A_626 = tpu.vector_load %arg8[%get3A_625] {strides = array<i32>} : memref<256xi32, #tpu.memory_space<vmem>>, vector<16xi32>,
      %dma_start3A_627 = arith.constant 208 : i32
      %dma_start3A_628 = arith.constant 0 : i32
      %dma_start3A_629 = tpu.memref_slice %arg7[%dma_start3A_627, %dma_start3A_628] : memref<512x128xf32, #tpu.memory_space<vmem>> -> memref<16x128xf32, #tpu.memory_space<vmem>>
      %dma_start3A_630 = arith.constant 0 : i32
      %dma_start3A_631 = arith.constant 0 : i32
      %dma_start3A_632 = tpu.memref_slice %arg2[%dma_start3A_630, %dma_start3A_631] : memref<204800x128xf32, #tpu.memory_space<hbm>> -> memref<204800x128xf32, #tpu.memory_space<hbm>>
      %dma_start3A_633 = arith.constant -1 : i32
      tpu.enqueue_indirect_dma source(%dma_start3A_632 : memref<204800x128xf32, #tpu.memory_space<hbm>>) target(%dma_start3A_629 : memref<16x128xf32, #tpu.memory_space<vmem>>) offsets(%get3A_626 : vector<16xi32>) offset_filter(%dma_start3A_633) semaphore(%arg11 : memref<!tpu.dma_semaphore, #tpu.memory_space<semaphore_mem>>)
      %get3A_634 = arith.constant 224 : index
      %get3A_635 = tpu.vector_load %arg8[%get3A_634] {strides = array<i32>} : memref<256xi32, #tpu.memory_space<vmem>>, vector<16xi32>,
      %dma_start3A_636 = arith.constant 224 : i32
      %dma_start3A_637 = arith.constant 0 : i32
      %dma_start3A_638 = tpu.memref_slice %arg7[%dma_start3A_636, %dma_start3A_637] : memref<512x128xf32, #tpu.memory_space<vmem>> -> memref<16x128xf32, #tpu.memory_space<vmem>>
      %dma_start3A_639 = arith.constant 0 : i32
      %dma_start3A_640 = arith.constant 0 : i32
      %dma_start3A_641 = tpu.memref_slice %arg2[%dma_start3A_639, %dma_start3A_640] : memref<204800x128xf32, #tpu.memory_space<hbm>> -> memref<204800x128xf32, #tpu.memory_space<hbm>>
      %dma_start3A_642 = arith.constant -1 : i32
      tpu.enqueue_indirect_dma source(%dma_start3A_641 : memref<204800x128xf32, #tpu.memory_space<hbm>>) target(%dma_start3A_638 : memref<16x128xf32, #tpu.memory_space<vmem>>) offsets(%get3A_635 : vector<16xi32>) offset_filter(%dma_start3A_642) semaphore(%arg11 : memref<!tpu.dma_semaphore, #tpu.memory_space<semaphore_mem>>)
      %get3A_643 = arith.constant 240 : index
      %get3A_644 = tpu.vector_load %arg8[%get3A_643] {strides = array<i32>} : memref<256xi32, #tpu.memory_space<vmem>>, vector<16xi32>,
      %dma_start3A_645 = arith.constant 240 : i32
      %dma_start3A_646 = arith.constant 0 : i32
      %dma_start3A_647 = tpu.memref_slice %arg7[%dma_start3A_645, %dma_start3A_646] : memref<512x128xf32, #tpu.memory_space<vmem>> -> memref<16x128xf32, #tpu.memory_space<vmem>>
      %dma_start3A_648 = arith.constant 0 : i32
      %dma_start3A_649 = arith.constant 0 : i32
      %dma_start3A_650 = tpu.memref_slice %arg2[%dma_start3A_648, %dma_start3A_649] : memref<204800x128xf32, #tpu.memory_space<hbm>> -> memref<204800x128xf32, #tpu.memory_space<hbm>>
      %dma_start3A_651 = arith.constant -1 : i32
      tpu.enqueue_indirect_dma source(%dma_start3A_650 : memref<204800x128xf32, #tpu.memory_space<hbm>>) target(%dma_start3A_647 : memref<16x128xf32, #tpu.memory_space<vmem>>) offsets(%get3A_644 : vector<16xi32>) offset_filter(%dma_start3A_651) semaphore(%arg11 : memref<!tpu.dma_semaphore, #tpu.memory_space<semaphore_mem>>)
    } else {
    }
    %add3A_203 = arith.constant 32 : i32
    %add3A_204 = arith.addi %add3A, %add3A_203 : i32
    %lt3A_205 = arith.constant 156 : i32
    %lt3A_206 = arith.cmpi slt, %add3A_204, %lt3A_205 : i32
    %jit3A_207 = arith.constant 78 : i32
    %div3A_208 = arith.divsi %add3A_204, %jit3A_207 : i32
    %sign3A_209 = arith.constant 0 : i32
    %sign3A_210 = arith.cmpi sgt, %add3A_204, %sign3A_209 : i32
    %sign3A_211 = arith.extui %sign3A_210 : i1 to i32
    %sign3A_212 = arith.constant 0 : i32
    %sign3A_213 = arith.cmpi slt, %add3A_204, %sign3A_212 : i32
    %sign3A_214 = arith.extui %sign3A_213 : i1 to i32
    %sign3A_215 = arith.subi %sign3A_211, %sign3A_214 : i32
    %sign3A_216 = arith.constant 0 : i32
    %sign3A_217 = arith.cmpi sgt, %jit3A_207, %sign3A_216 : i32
    %sign3A_218 = arith.extui %sign3A_217 : i1 to i32
    %sign3A_219 = arith.constant 0 : i32
    %sign3A_220 = arith.cmpi slt, %jit3A_207, %sign3A_219 : i32
    %sign3A_221 = arith.extui %sign3A_220 : i1 to i32
    %sign3A_222 = arith.subi %sign3A_218, %sign3A_221 : i32
    %ne3A_223 = arith.cmpi ne, %sign3A_215, %sign3A_222 : i32
    %rem3A_224 = arith.remsi %add3A_204, %jit3A_207 : i32
    %ne3A_225 = arith.constant 0 : i32
    %ne3A_226 = arith.cmpi ne, %rem3A_224, %ne3A_225 : i32
    %and3A_227 = arith.andi %ne3A_223, %ne3A_226 : i1
    %sub3A_228 = arith.constant 1 : i32
    %sub3A_229 = arith.subi %div3A_208, %sub3A_228 : i32
    %select_n3A_230 = arith.select %and3A_227, %sub3A_229, %div3A_208 : i32
    %jit3A_231 = arith.constant 78 : i32
    %eq3A_232 = arith.constant 0 : i32
    %eq3A_233 = arith.cmpi eq, %jit3A_231, %eq3A_232 : i32
    %jit3A_234 = arith.constant 1 : i32
    %select_n3A_235 = arith.select %eq3A_233, %jit3A_234, %jit3A_231 : i32
    %rem3A_236 = arith.remsi %add3A_204, %select_n3A_235 : i32
    %ne3A_237 = arith.constant 0 : i32
    %ne3A_238 = arith.cmpi ne, %rem3A_236, %ne3A_237 : i32
    %lt3A_239 = arith.constant 0 : i32
    %lt3A_240 = arith.cmpi slt, %rem3A_236, %lt3A_239 : i32
    %lt3A_241 = arith.constant 0 : i32
    %lt3A_242 = arith.cmpi slt, %select_n3A_235, %lt3A_241 : i32
    %ne3A_243 = arith.xori %lt3A_240, %lt3A_242 : i1
    %and3A_244 = arith.andi %ne3A_243, %ne3A_238 : i1
    %add3A_245 = arith.addi %rem3A_236, %select_n3A_235 : i32
    %select_n3A_246 = arith.select %and3A_244, %add3A_245, %rem3A_236 : i32
    %mul3A_247 = arith.constant 256 : i32
    %mul3A_248 = arith.muli %select_n3A_246, %mul3A_247 : i32
    %multiple_of3A_249 = tpu.assume_multiple %mul3A_248, 256 : i32
    %convert_element_type3A_250 = arith.extui %lt3A_206 : i1 to i32
    %cond3A_251 = arith.constant 0 : i32
    %cond3A_252 = arith.cmpi ne, %convert_element_type3A_250, %cond3A_251 : i32
    scf.if %cond3A_252 {
      %dma_wait3A = arith.constant 256 : i32
      %dma_wait3A_508 = arith.constant 0 : i32
      %dma_wait3A_509 = tpu.memref_slice %arg7[%dma_wait3A, %dma_wait3A_508] : memref<512x128xf32, #tpu.memory_space<vmem>> -> memref<256x128xf32, #tpu.memory_space<vmem>>
      %dma_wait3A_510 = arith.constant 0 : i32
      %dma_wait3A_511 = arith.constant 0 : i32
      %dma_wait3A_512 = tpu.memref_slice %arg2[%dma_wait3A_510, %dma_wait3A_511] : memref<204800x128xf32, #tpu.memory_space<hbm>> -> memref<256x128xf32, #tpu.memory_space<hbm>>
      %dma_wait3A_513 = arith.constant 256 : i32
      %dma_wait3A_514 = arith.constant 0 : i32
      %dma_wait3A_515 = tpu.memref_slice %arg7[%dma_wait3A_513, %dma_wait3A_514] : memref<512x128xf32, #tpu.memory_space<vmem>> -> memref<256x128xf32, #tpu.memory_space<vmem>>
      %dma_wait3A_516 = arith.constant 0 : i32
      %dma_wait3A_517 = arith.constant 0 : i32
      %dma_wait3A_518 = tpu.memref_slice %arg2[%dma_wait3A_516, %dma_wait3A_517] : memref<204800x128xf32, #tpu.memory_space<hbm>> -> memref<256x128xf32, #tpu.memory_space<hbm>>
      tpu.wait_dma2 semaphore(%arg11 : memref<!tpu.dma_semaphore, #tpu.memory_space<semaphore_mem>>) src(%dma_wait3A_518 : memref<256x128xf32, #tpu.memory_space<hbm>>) dst(%dma_wait3A_515 : memref<256x128xf32, #tpu.memory_space<vmem>>)
      %scan3A = arith.constant 0 : i32
      %scan3A_519 = arith.constant 0 : i32
      %scan3A_520 = arith.constant 256 : i32
      %scan3A_521 = arith.addi %scan3A_519, %scan3A_520 : i32
      %scan3A_522 = arith.constant 1 : i32
      %scan3A_523 = scf.for %scan3A_529 = %scan3A_519 to %scan3A_521 step %scan3A_522 iter_args(%scan3A_530 = %scan3A) -> (i32)  : i32 {
        %broadcast_in_dim3A = arith.constant 0 : i32
        %broadcast_in_dim3A_531 = vector.broadcast %broadcast_in_dim3A : i32 to vector<16xi32>
        %add3A_532 = arith.constant 256 : i32
        %add3A_533 = vector.broadcast %add3A_532 : i32 to vector<16xi32>
        %add3A_534 = arith.addi %broadcast_in_dim3A_531, %add3A_533 : vector<16xi32>
        %add3A_535 = vector.broadcast %scan3A_529 : i32 to vector<16xi32>
        %add3A_536 = arith.addi %add3A_534, %add3A_535 : vector<16xi32>
        %gather3A = tpu.vector_load_idx %arg10[%add3A_536] : memref<512xi32, #tpu.memory_space<vmem>>[vector<16xi32>], vector<16xi32>,
        %ne3A_537 = arith.constant 0 : i32
        %ne3A_538 = vector.broadcast %ne3A_537 : i32 to vector<16xi32>
        %ne3A_539 = arith.cmpi ne, %gather3A, %ne3A_538 : vector<16xi32>
        %add3A_540 = arith.constant 256 : i32
        %add3A_541 = arith.addi %add3A_540, %scan3A_529 : i32
        %get3A_542 = arith.index_cast %add3A_541 : i32 to index
        %get3A_543 = arith.constant 0 : index
        %get3A_544 = tpu.vector_load %arg7[%get3A_542, %get3A_543] {strides = array<i32>} : memref<512x128xf32, #tpu.memory_space<vmem>>, vector<16xf32>,
        %select_n3A_545 = arith.select %ne3A_539, %get3A_544, %get3A_1 : vector<16xi1>, vector<16xf32>
        %add3A_546 = arith.constant 256 : i32
        %add3A_547 = arith.addi %add3A_546, %scan3A_529 : i32
        %swap3A = arith.index_cast %add3A_547 : i32 to index
        %swap3A_548 = arith.constant 0 : index
        %swap3A_549 = tpu.vector_load %arg7[%swap3A, %swap3A_548] {strides = array<i32>} : memref<512x128xf32, #tpu.memory_space<vmem>>, vector<16xf32>,
        tpu.vector_store %arg7[%swap3A, %swap3A_548], %select_n3A_545 {strides = array<i32>} : memref<512x128xf32, #tpu.memory_space<vmem>>, vector<16xf32>,
        %add3A_550 = arith.constant 256 : i32
        %add3A_551 = arith.addi %add3A_550, %scan3A_529 : i32
        %get3A_552 = arith.index_cast %add3A_551 : i32 to index
        %get3A_553 = arith.constant 16 : index
        %get3A_554 = tpu.vector_load %arg7[%get3A_552, %get3A_553] {strides = array<i32>} : memref<512x128xf32, #tpu.memory_space<vmem>>, vector<16xf32>,
        %select_n3A_555 = arith.select %ne3A_539, %get3A_554, %get3A_3 : vector<16xi1>, vector<16xf32>
        %add3A_556 = arith.constant 256 : i32
        %add3A_557 = arith.addi %add3A_556, %scan3A_529 : i32
        %swap3A_558 = arith.index_cast %add3A_557 : i32 to index
        %swap3A_559 = arith.constant 16 : index
        %swap3A_560 = tpu.vector_load %arg7[%swap3A_558, %swap3A_559] {strides = array<i32>} : memref<512x128xf32, #tpu.memory_space<vmem>>, vector<16xf32>,
        tpu.vector_store %arg7[%swap3A_558, %swap3A_559], %select_n3A_555 {strides = array<i32>} : memref<512x128xf32, #tpu.memory_space<vmem>>, vector<16xf32>,
        %add3A_561 = arith.constant 256 : i32
        %add3A_562 = arith.addi %add3A_561, %scan3A_529 : i32
        %get3A_563 = arith.index_cast %add3A_562 : i32 to index
        %get3A_564 = arith.constant 32 : index
        %get3A_565 = tpu.vector_load %arg7[%get3A_563, %get3A_564] {strides = array<i32>} : memref<512x128xf32, #tpu.memory_space<vmem>>, vector<16xf32>,
        %select_n3A_566 = arith.select %ne3A_539, %get3A_565, %get3A_5 : vector<16xi1>, vector<16xf32>
        %add3A_567 = arith.constant 256 : i32
        %add3A_568 = arith.addi %add3A_567, %scan3A_529 : i32
        %swap3A_569 = arith.index_cast %add3A_568 : i32 to index
        %swap3A_570 = arith.constant 32 : index
        %swap3A_571 = tpu.vector_load %arg7[%swap3A_569, %swap3A_570] {strides = array<i32>} : memref<512x128xf32, #tpu.memory_space<vmem>>, vector<16xf32>,
        tpu.vector_store %arg7[%swap3A_569, %swap3A_570], %select_n3A_566 {strides = array<i32>} : memref<512x128xf32, #tpu.memory_space<vmem>>, vector<16xf32>,
        %add3A_572 = arith.constant 256 : i32
        %add3A_573 = arith.addi %add3A_572, %scan3A_529 : i32
        %get3A_574 = arith.index_cast %add3A_573 : i32 to index
        %get3A_575 = arith.constant 48 : index
        %get3A_576 = tpu.vector_load %arg7[%get3A_574, %get3A_575] {strides = array<i32>} : memref<512x128xf32, #tpu.memory_space<vmem>>, vector<16xf32>,
        %select_n3A_577 = arith.select %ne3A_539, %get3A_576, %get3A_7 : vector<16xi1>, vector<16xf32>
        %add3A_578 = arith.constant 256 : i32
        %add3A_579 = arith.addi %add3A_578, %scan3A_529 : i32
        %swap3A_580 = arith.index_cast %add3A_579 : i32 to index
        %swap3A_581 = arith.constant 48 : index
        %swap3A_582 = tpu.vector_load %arg7[%swap3A_580, %swap3A_581] {strides = array<i32>} : memref<512x128xf32, #tpu.memory_space<vmem>>, vector<16xf32>,
        tpu.vector_store %arg7[%swap3A_580, %swap3A_581], %select_n3A_577 {strides = array<i32>} : memref<512x128xf32, #tpu.memory_space<vmem>>, vector<16xf32>,
        %add3A_583 = arith.constant 256 : i32
        %add3A_584 = arith.addi %add3A_583, %scan3A_529 : i32
        %get3A_585 = arith.index_cast %add3A_584 : i32 to index
        %get3A_586 = arith.constant 64 : index
        %get3A_587 = tpu.vector_load %arg7[%get3A_585, %get3A_586] {strides = array<i32>} : memref<512x128xf32, #tpu.memory_space<vmem>>, vector<16xf32>,
        %select_n3A_588 = arith.select %ne3A_539, %get3A_587, %get3A_9 : vector<16xi1>, vector<16xf32>
        %add3A_589 = arith.constant 256 : i32
        %add3A_590 = arith.addi %add3A_589, %scan3A_529 : i32
        %swap3A_591 = arith.index_cast %add3A_590 : i32 to index
        %swap3A_592 = arith.constant 64 : index
        %swap3A_593 = tpu.vector_load %arg7[%swap3A_591, %swap3A_592] {strides = array<i32>} : memref<512x128xf32, #tpu.memory_space<vmem>>, vector<16xf32>,
        tpu.vector_store %arg7[%swap3A_591, %swap3A_592], %select_n3A_588 {strides = array<i32>} : memref<512x128xf32, #tpu.memory_space<vmem>>, vector<16xf32>,
        %add3A_594 = arith.constant 256 : i32
        %add3A_595 = arith.addi %add3A_594, %scan3A_529 : i32
        %get3A_596 = arith.index_cast %add3A_595 : i32 to index
        %get3A_597 = arith.constant 80 : index
        %get3A_598 = tpu.vector_load %arg7[%get3A_596, %get3A_597] {strides = array<i32>} : memref<512x128xf32, #tpu.memory_space<vmem>>, vector<16xf32>,
        %select_n3A_599 = arith.select %ne3A_539, %get3A_598, %get3A_11 : vector<16xi1>, vector<16xf32>
        %add3A_600 = arith.constant 256 : i32
        %add3A_601 = arith.addi %add3A_600, %scan3A_529 : i32
        %swap3A_602 = arith.index_cast %add3A_601 : i32 to index
        %swap3A_603 = arith.constant 80 : index
        %swap3A_604 = tpu.vector_load %arg7[%swap3A_602, %swap3A_603] {strides = array<i32>} : memref<512x128xf32, #tpu.memory_space<vmem>>, vector<16xf32>,
        tpu.vector_store %arg7[%swap3A_602, %swap3A_603], %select_n3A_599 {strides = array<i32>} : memref<512x128xf32, #tpu.memory_space<vmem>>, vector<16xf32>,
        %add3A_605 = arith.constant 256 : i32
        %add3A_606 = arith.addi %add3A_605, %scan3A_529 : i32
        %get3A_607 = arith.index_cast %add3A_606 : i32 to index
        %get3A_608 = arith.constant 96 : index
        %get3A_609 = tpu.vector_load %arg7[%get3A_607, %get3A_608] {strides = array<i32>} : memref<512x128xf32, #tpu.memory_space<vmem>>, vector<16xf32>,
        %select_n3A_610 = arith.select %ne3A_539, %get3A_609, %get3A_13 : vector<16xi1>, vector<16xf32>
        %add3A_611 = arith.constant 256 : i32
        %add3A_612 = arith.addi %add3A_611, %scan3A_529 : i32
        %swap3A_613 = arith.index_cast %add3A_612 : i32 to index
        %swap3A_614 = arith.constant 96 : index
        %swap3A_615 = tpu.vector_load %arg7[%swap3A_613, %swap3A_614] {strides = array<i32>} : memref<512x128xf32, #tpu.memory_space<vmem>>, vector<16xf32>,
        tpu.vector_store %arg7[%swap3A_613, %swap3A_614], %select_n3A_610 {strides = array<i32>} : memref<512x128xf32, #tpu.memory_space<vmem>>, vector<16xf32>,
        %add3A_616 = arith.constant 256 : i32
        %add3A_617 = arith.addi %add3A_616, %scan3A_529 : i32
        %get3A_618 = arith.index_cast %add3A_617 : i32 to index
        %get3A_619 = arith.constant 112 : index
        %get3A_620 = tpu.vector_load %arg7[%get3A_618, %get3A_619] {strides = array<i32>} : memref<512x128xf32, #tpu.memory_space<vmem>>, vector<16xf32>,
        %select_n3A_621 = arith.select %ne3A_539, %get3A_620, %get3A_15 : vector<16xi1>, vector<16xf32>
        %add3A_622 = arith.constant 256 : i32
        %add3A_623 = arith.addi %add3A_622, %scan3A_529 : i32
        %swap3A_624 = arith.index_cast %add3A_623 : i32 to index
        %swap3A_625 = arith.constant 112 : index
        %swap3A_626 = tpu.vector_load %arg7[%swap3A_624, %swap3A_625] {strides = array<i32>} : memref<512x128xf32, #tpu.memory_space<vmem>>, vector<16xf32>,
        tpu.vector_store %arg7[%swap3A_624, %swap3A_625], %select_n3A_621 {strides = array<i32>} : memref<512x128xf32, #tpu.memory_space<vmem>>, vector<16xf32>,
        %scan3A_627 = arith.constant 0 : i32
        scf.yield %scan3A_627 : i32
      }
      %scan3A_524 = arith.constant 256 : i32
      %mul3A_525 = arith.constant 20000 : i32
      %mul3A_526 = arith.muli %select_n3A_230, %mul3A_525 : i32
      %multiple_of3A_527 = tpu.assume_multiple %mul3A_526, 8 : i32
      %add3A_528 = arith.addi %multiple_of3A_527, %multiple_of3A_249 : i32
      "tpu.region"() ({
        %run_scoped3A = tpu.sem_alloc : memref<!tpu.dma_semaphore, #tpu.memory_space<semaphore_mem>>
        %dma_start3A = arith.constant 256 : i32
        %dma_start3A_529 = arith.constant 0 : i32
        %dma_start3A_530 = tpu.memref_slice %arg7[%dma_start3A, %dma_start3A_529] : memref<512x128xf32, #tpu.memory_space<vmem>> -> memref<256x128xf32, #tpu.memory_space<vmem>>
        %dma_start3A_531 = arith.constant 0 : i32
        %dma_start3A_532 = tpu.memref_slice %arg6[%add3A_528, %dma_start3A_531] : memref<40000x128xf32, #tpu.memory_space<hbm>> -> memref<256x128xf32, #tpu.memory_space<hbm>>
        %dma_start3A_533 = arith.constant 0 : i32
        %dma_start3A_534 = tpu.memref_slice %arg6[%add3A_528, %dma_start3A_533] : memref<40000x128xf32, #tpu.memory_space<hbm>> -> memref<256x128xf32, #tpu.memory_space<hbm>>
        %dma_start3A_535 = arith.constant 256 : i32
        %dma_start3A_536 = arith.constant 0 : i32
        %dma_start3A_537 = tpu.memref_slice %arg7[%dma_start3A_535, %dma_start3A_536] : memref<512x128xf32, #tpu.memory_space<vmem>> -> memref<256x128xf32, #tpu.memory_space<vmem>>
        tpu.enqueue_dma source(%dma_start3A_537 : memref<256x128xf32, #tpu.memory_space<vmem>>) target(%dma_start3A_534 : memref<256x128xf32, #tpu.memory_space<hbm>>) target_semaphore(%run_scoped3A : memref<!tpu.dma_semaphore, #tpu.memory_space<semaphore_mem>>)
        %dma_wait3A_538 = arith.constant 256 : i32
        %dma_wait3A_539 = arith.constant 0 : i32
        %dma_wait3A_540 = tpu.memref_slice %arg7[%dma_wait3A_538, %dma_wait3A_539] : memref<512x128xf32, #tpu.memory_space<vmem>> -> memref<256x128xf32, #tpu.memory_space<vmem>>
        %dma_wait3A_541 = arith.constant 0 : i32
        %dma_wait3A_542 = tpu.memref_slice %arg6[%add3A_528, %dma_wait3A_541] : memref<40000x128xf32, #tpu.memory_space<hbm>> -> memref<256x128xf32, #tpu.memory_space<hbm>>
        %dma_wait3A_543 = arith.constant 0 : i32
        %dma_wait3A_544 = tpu.memref_slice %arg6[%add3A_528, %dma_wait3A_543] : memref<40000x128xf32, #tpu.memory_space<hbm>> -> memref<256x128xf32, #tpu.memory_space<hbm>>
        %dma_wait3A_545 = arith.constant 256 : i32
        %dma_wait3A_546 = arith.constant 0 : i32
        %dma_wait3A_547 = tpu.memref_slice %arg7[%dma_wait3A_545, %dma_wait3A_546] : memref<512x128xf32, #tpu.memory_space<vmem>> -> memref<256x128xf32, #tpu.memory_space<vmem>>
        tpu.wait_dma2 semaphore(%run_scoped3A : memref<!tpu.dma_semaphore, #tpu.memory_space<semaphore_mem>>) src(%dma_wait3A_547 : memref<256x128xf32, #tpu.memory_space<vmem>>) dst(%dma_wait3A_544 : memref<256x128xf32, #tpu.memory_space<hbm>>)
        tpu.yield
      }) : () -> ()
    } else {
    }
    %add3A_253 = arith.constant 96 : i32
    %add3A_254 = arith.addi %add3A, %add3A_253 : i32
    %lt3A_255 = arith.constant 156 : i32
    %lt3A_256 = arith.cmpi slt, %add3A_254, %lt3A_255 : i32
    %jit3A_257 = arith.constant 78 : i32
    %div3A_258 = arith.divsi %add3A_254, %jit3A_257 : i32
    %sign3A_259 = arith.constant 0 : i32
    %sign3A_260 = arith.cmpi sgt, %add3A_254, %sign3A_259 : i32
    %sign3A_261 = arith.extui %sign3A_260 : i1 to i32
    %sign3A_262 = arith.constant 0 : i32
    %sign3A_263 = arith.cmpi slt, %add3A_254, %sign3A_262 : i32
    %sign3A_264 = arith.extui %sign3A_263 : i1 to i32
    %sign3A_265 = arith.subi %sign3A_261, %sign3A_264 : i32
    %sign3A_266 = arith.constant 0 : i32
    %sign3A_267 = arith.cmpi sgt, %jit3A_257, %sign3A_266 : i32
    %sign3A_268 = arith.extui %sign3A_267 : i1 to i32
    %sign3A_269 = arith.constant 0 : i32
    %sign3A_270 = arith.cmpi slt, %jit3A_257, %sign3A_269 : i32
    %sign3A_271 = arith.extui %sign3A_270 : i1 to i32
    %sign3A_272 = arith.subi %sign3A_268, %sign3A_271 : i32
    %ne3A_273 = arith.cmpi ne, %sign3A_265, %sign3A_272 : i32
    %rem3A_274 = arith.remsi %add3A_254, %jit3A_257 : i32
    %ne3A_275 = arith.constant 0 : i32
    %ne3A_276 = arith.cmpi ne, %rem3A_274, %ne3A_275 : i32
    %and3A_277 = arith.andi %ne3A_273, %ne3A_276 : i1
    %sub3A_278 = arith.constant 1 : i32
    %sub3A_279 = arith.subi %div3A_258, %sub3A_278 : i32
    %select_n3A_280 = arith.select %and3A_277, %sub3A_279, %div3A_258 : i32
    %jit3A_281 = arith.constant 78 : i32
    %eq3A_282 = arith.constant 0 : i32
    %eq3A_283 = arith.cmpi eq, %jit3A_281, %eq3A_282 : i32
    %jit3A_284 = arith.constant 1 : i32
    %select_n3A_285 = arith.select %eq3A_283, %jit3A_284, %jit3A_281 : i32
    %rem3A_286 = arith.remsi %add3A_254, %select_n3A_285 : i32
    %ne3A_287 = arith.constant 0 : i32
    %ne3A_288 = arith.cmpi ne, %rem3A_286, %ne3A_287 : i32
    %lt3A_289 = arith.constant 0 : i32
    %lt3A_290 = arith.cmpi slt, %rem3A_286, %lt3A_289 : i32
    %lt3A_291 = arith.constant 0 : i32
    %lt3A_292 = arith.cmpi slt, %select_n3A_285, %lt3A_291 : i32
    %ne3A_293 = arith.xori %lt3A_290, %lt3A_292 : i1
    %and3A_294 = arith.andi %ne3A_293, %ne3A_288 : i1
    %add3A_295 = arith.addi %rem3A_286, %select_n3A_285 : i32
    %select_n3A_296 = arith.select %and3A_294, %add3A_295, %rem3A_286 : i32
    %mul3A_297 = arith.constant 256 : i32
    %mul3A_298 = arith.muli %select_n3A_296, %mul3A_297 : i32
    %multiple_of3A_299 = tpu.assume_multiple %mul3A_298, 256 : i32
    %convert_element_type3A_300 = arith.extui %lt3A_256 : i1 to i32
    %cond3A_301 = arith.constant 0 : i32
    %cond3A_302 = arith.cmpi ne, %convert_element_type3A_300, %cond3A_301 : i32
    scf.if %cond3A_302 {
      %run_scoped3A = arith.constant 0 : i32
      "tpu.region"() ({
        %run_scoped3A_652 = tpu.sem_alloc : memref<!tpu.dma_semaphore, #tpu.memory_space<semaphore_mem>>
        %dma_start3A_653 = arith.constant 0 : i32
        %dma_start3A_654 = tpu.memref_slice %arg8[%dma_start3A_653] : memref<256xi32, #tpu.memory_space<vmem>> -> memref<256xi32, #tpu.memory_space<vmem>>
        %dma_start3A_655 = tpu.memref_slice %arg3[%select_n3A_280, %run_scoped3A, %multiple_of3A_299] : memref<2x1x20480xi32, #tpu.memory_space<hbm>> -> memref<1x1x256xi32, #tpu.memory_space<hbm>>
        %dma_start3A_656 = tpu.memref_squeeze %dma_start3A_655 : memref<1x1x256xi32, #tpu.memory_space<hbm>> -> memref<256xi32, #tpu.memory_space<hbm>>
        %dma_start3A_657 = arith.constant 0 : i32
        %dma_start3A_658 = tpu.memref_slice %arg8[%dma_start3A_657] : memref<256xi32, #tpu.memory_space<vmem>> -> memref<256xi32, #tpu.memory_space<vmem>>
        %dma_start3A_659 = tpu.memref_slice %arg3[%select_n3A_280, %run_scoped3A, %multiple_of3A_299] : memref<2x1x20480xi32, #tpu.memory_space<hbm>> -> memref<1x1x256xi32, #tpu.memory_space<hbm>>
        %dma_start3A_660 = tpu.memref_squeeze %dma_start3A_659 : memref<1x1x256xi32, #tpu.memory_space<hbm>> -> memref<256xi32, #tpu.memory_space<hbm>>
        tpu.enqueue_dma source(%dma_start3A_660 : memref<256xi32, #tpu.memory_space<hbm>>) target(%dma_start3A_658 : memref<256xi32, #tpu.memory_space<vmem>>) target_semaphore(%run_scoped3A_652 : memref<!tpu.dma_semaphore, #tpu.memory_space<semaphore_mem>>)
        %dma_wait3A = arith.constant 0 : i32
        %dma_wait3A_661 = tpu.memref_slice %arg8[%dma_wait3A] : memref<256xi32, #tpu.memory_space<vmem>> -> memref<256xi32, #tpu.memory_space<vmem>>
        %dma_wait3A_662 = tpu.memref_slice %arg3[%select_n3A_280, %run_scoped3A, %multiple_of3A_299] : memref<2x1x20480xi32, #tpu.memory_space<hbm>> -> memref<1x1x256xi32, #tpu.memory_space<hbm>>
        %dma_wait3A_663 = tpu.memref_squeeze %dma_wait3A_662 : memref<1x1x256xi32, #tpu.memory_space<hbm>> -> memref<256xi32, #tpu.memory_space<hbm>>
        %dma_wait3A_664 = arith.constant 0 : i32
        %dma_wait3A_665 = tpu.memref_slice %arg8[%dma_wait3A_664] : memref<256xi32, #tpu.memory_space<vmem>> -> memref<256xi32, #tpu.memory_space<vmem>>
        %dma_wait3A_666 = tpu.memref_slice %arg3[%select_n3A_280, %run_scoped3A, %multiple_of3A_299] : memref<2x1x20480xi32, #tpu.memory_space<hbm>> -> memref<1x1x256xi32, #tpu.memory_space<hbm>>
        %dma_wait3A_667 = tpu.memref_squeeze %dma_wait3A_666 : memref<1x1x256xi32, #tpu.memory_space<hbm>> -> memref<256xi32, #tpu.memory_space<hbm>>
        tpu.wait_dma2 semaphore(%run_scoped3A_652 : memref<!tpu.dma_semaphore, #tpu.memory_space<semaphore_mem>>) src(%dma_wait3A_667 : memref<256xi32, #tpu.memory_space<hbm>>) dst(%dma_wait3A_665 : memref<256xi32, #tpu.memory_space<vmem>>)
        tpu.yield
      }) : () -> ()
      %run_scoped3A_508 = arith.constant 0 : i32
      "tpu.region"() ({
        %run_scoped3A_652 = tpu.sem_alloc : memref<!tpu.dma_semaphore, #tpu.memory_space<semaphore_mem>>
        %dma_start3A_653 = arith.constant 256 : i32
        %dma_start3A_654 = tpu.memref_slice %arg10[%dma_start3A_653] : memref<512xi32, #tpu.memory_space<vmem>> -> memref<256xi32, #tpu.memory_space<vmem>>
        %dma_start3A_655 = tpu.memref_slice %arg4[%select_n3A_280, %run_scoped3A_508, %multiple_of3A_299] : memref<2x1x20480xi32, #tpu.memory_space<hbm>> -> memref<1x1x256xi32, #tpu.memory_space<hbm>>
        %dma_start3A_656 = tpu.memref_squeeze %dma_start3A_655 : memref<1x1x256xi32, #tpu.memory_space<hbm>> -> memref<256xi32, #tpu.memory_space<hbm>>
        %dma_start3A_657 = arith.constant 256 : i32
        %dma_start3A_658 = tpu.memref_slice %arg10[%dma_start3A_657] : memref<512xi32, #tpu.memory_space<vmem>> -> memref<256xi32, #tpu.memory_space<vmem>>
        %dma_start3A_659 = tpu.memref_slice %arg4[%select_n3A_280, %run_scoped3A_508, %multiple_of3A_299] : memref<2x1x20480xi32, #tpu.memory_space<hbm>> -> memref<1x1x256xi32, #tpu.memory_space<hbm>>
        %dma_start3A_660 = tpu.memref_squeeze %dma_start3A_659 : memref<1x1x256xi32, #tpu.memory_space<hbm>> -> memref<256xi32, #tpu.memory_space<hbm>>
        tpu.enqueue_dma source(%dma_start3A_660 : memref<256xi32, #tpu.memory_space<hbm>>) target(%dma_start3A_658 : memref<256xi32, #tpu.memory_space<vmem>>) target_semaphore(%run_scoped3A_652 : memref<!tpu.dma_semaphore, #tpu.memory_space<semaphore_mem>>)
        %dma_wait3A = arith.constant 256 : i32
        %dma_wait3A_661 = tpu.memref_slice %arg10[%dma_wait3A] : memref<512xi32, #tpu.memory_space<vmem>> -> memref<256xi32, #tpu.memory_space<vmem>>
        %dma_wait3A_662 = tpu.memref_slice %arg4[%select_n3A_280, %run_scoped3A_508, %multiple_of3A_299] : memref<2x1x20480xi32, #tpu.memory_space<hbm>> -> memref<1x1x256xi32, #tpu.memory_space<hbm>>
        %dma_wait3A_663 = tpu.memref_squeeze %dma_wait3A_662 : memref<1x1x256xi32, #tpu.memory_space<hbm>> -> memref<256xi32, #tpu.memory_space<hbm>>
        %dma_wait3A_664 = arith.constant 256 : i32
        %dma_wait3A_665 = tpu.memref_slice %arg10[%dma_wait3A_664] : memref<512xi32, #tpu.memory_space<vmem>> -> memref<256xi32, #tpu.memory_space<vmem>>
        %dma_wait3A_666 = tpu.memref_slice %arg4[%select_n3A_280, %run_scoped3A_508, %multiple_of3A_299] : memref<2x1x20480xi32, #tpu.memory_space<hbm>> -> memref<1x1x256xi32, #tpu.memory_space<hbm>>
        %dma_wait3A_667 = tpu.memref_squeeze %dma_wait3A_666 : memref<1x1x256xi32, #tpu.memory_space<hbm>> -> memref<256xi32, #tpu.memory_space<hbm>>
        tpu.wait_dma2 semaphore(%run_scoped3A_652 : memref<!tpu.dma_semaphore, #tpu.memory_space<semaphore_mem>>) src(%dma_wait3A_667 : memref<256xi32, #tpu.memory_space<hbm>>) dst(%dma_wait3A_665 : memref<256xi32, #tpu.memory_space<vmem>>)
        tpu.yield
      }) : () -> ()
      %get3A_509 = arith.constant 0 : index
      %get3A_510 = tpu.vector_load %arg8[%get3A_509] {strides = array<i32>} : memref<256xi32, #tpu.memory_space<vmem>>, vector<16xi32>,
      %dma_start3A = arith.constant 256 : i32
      %dma_start3A_511 = arith.constant 0 : i32
      %dma_start3A_512 = tpu.memref_slice %arg7[%dma_start3A, %dma_start3A_511] : memref<512x128xf32, #tpu.memory_space<vmem>> -> memref<16x128xf32, #tpu.memory_space<vmem>>
      %dma_start3A_513 = arith.constant 0 : i32
      %dma_start3A_514 = arith.constant 0 : i32
      %dma_start3A_515 = tpu.memref_slice %arg2[%dma_start3A_513, %dma_start3A_514] : memref<204800x128xf32, #tpu.memory_space<hbm>> -> memref<204800x128xf32, #tpu.memory_space<hbm>>
      %dma_start3A_516 = arith.constant -1 : i32
      tpu.enqueue_indirect_dma source(%dma_start3A_515 : memref<204800x128xf32, #tpu.memory_space<hbm>>) target(%dma_start3A_512 : memref<16x128xf32, #tpu.memory_space<vmem>>) offsets(%get3A_510 : vector<16xi32>) offset_filter(%dma_start3A_516) semaphore(%arg11 : memref<!tpu.dma_semaphore, #tpu.memory_space<semaphore_mem>>)
      %get3A_517 = arith.constant 16 : index
      %get3A_518 = tpu.vector_load %arg8[%get3A_517] {strides = array<i32>} : memref<256xi32, #tpu.memory_space<vmem>>, vector<16xi32>,
      %dma_start3A_519 = arith.constant 272 : i32
      %dma_start3A_520 = arith.constant 0 : i32
      %dma_start3A_521 = tpu.memref_slice %arg7[%dma_start3A_519, %dma_start3A_520] : memref<512x128xf32, #tpu.memory_space<vmem>> -> memref<16x128xf32, #tpu.memory_space<vmem>>
      %dma_start3A_522 = arith.constant 0 : i32
      %dma_start3A_523 = arith.constant 0 : i32
      %dma_start3A_524 = tpu.memref_slice %arg2[%dma_start3A_522, %dma_start3A_523] : memref<204800x128xf32, #tpu.memory_space<hbm>> -> memref<204800x128xf32, #tpu.memory_space<hbm>>
      %dma_start3A_525 = arith.constant -1 : i32
      tpu.enqueue_indirect_dma source(%dma_start3A_524 : memref<204800x128xf32, #tpu.memory_space<hbm>>) target(%dma_start3A_521 : memref<16x128xf32, #tpu.memory_space<vmem>>) offsets(%get3A_518 : vector<16xi32>) offset_filter(%dma_start3A_525) semaphore(%arg11 : memref<!tpu.dma_semaphore, #tpu.memory_space<semaphore_mem>>)
      %get3A_526 = arith.constant 32 : index
      %get3A_527 = tpu.vector_load %arg8[%get3A_526] {strides = array<i32>} : memref<256xi32, #tpu.memory_space<vmem>>, vector<16xi32>,
      %dma_start3A_528 = arith.constant 288 : i32
      %dma_start3A_529 = arith.constant 0 : i32
      %dma_start3A_530 = tpu.memref_slice %arg7[%dma_start3A_528, %dma_start3A_529] : memref<512x128xf32, #tpu.memory_space<vmem>> -> memref<16x128xf32, #tpu.memory_space<vmem>>
      %dma_start3A_531 = arith.constant 0 : i32
      %dma_start3A_532 = arith.constant 0 : i32
      %dma_start3A_533 = tpu.memref_slice %arg2[%dma_start3A_531, %dma_start3A_532] : memref<204800x128xf32, #tpu.memory_space<hbm>> -> memref<204800x128xf32, #tpu.memory_space<hbm>>
      %dma_start3A_534 = arith.constant -1 : i32
      tpu.enqueue_indirect_dma source(%dma_start3A_533 : memref<204800x128xf32, #tpu.memory_space<hbm>>) target(%dma_start3A_530 : memref<16x128xf32, #tpu.memory_space<vmem>>) offsets(%get3A_527 : vector<16xi32>) offset_filter(%dma_start3A_534) semaphore(%arg11 : memref<!tpu.dma_semaphore, #tpu.memory_space<semaphore_mem>>)
      %get3A_535 = arith.constant 48 : index
      %get3A_536 = tpu.vector_load %arg8[%get3A_535] {strides = array<i32>} : memref<256xi32, #tpu.memory_space<vmem>>, vector<16xi32>,
      %dma_start3A_537 = arith.constant 304 : i32
      %dma_start3A_538 = arith.constant 0 : i32
      %dma_start3A_539 = tpu.memref_slice %arg7[%dma_start3A_537, %dma_start3A_538] : memref<512x128xf32, #tpu.memory_space<vmem>> -> memref<16x128xf32, #tpu.memory_space<vmem>>
      %dma_start3A_540 = arith.constant 0 : i32
      %dma_start3A_541 = arith.constant 0 : i32
      %dma_start3A_542 = tpu.memref_slice %arg2[%dma_start3A_540, %dma_start3A_541] : memref<204800x128xf32, #tpu.memory_space<hbm>> -> memref<204800x128xf32, #tpu.memory_space<hbm>>
      %dma_start3A_543 = arith.constant -1 : i32
      tpu.enqueue_indirect_dma source(%dma_start3A_542 : memref<204800x128xf32, #tpu.memory_space<hbm>>) target(%dma_start3A_539 : memref<16x128xf32, #tpu.memory_space<vmem>>) offsets(%get3A_536 : vector<16xi32>) offset_filter(%dma_start3A_543) semaphore(%arg11 : memref<!tpu.dma_semaphore, #tpu.memory_space<semaphore_mem>>)
      %get3A_544 = arith.constant 64 : index
      %get3A_545 = tpu.vector_load %arg8[%get3A_544] {strides = array<i32>} : memref<256xi32, #tpu.memory_space<vmem>>, vector<16xi32>,
      %dma_start3A_546 = arith.constant 320 : i32
      %dma_start3A_547 = arith.constant 0 : i32
      %dma_start3A_548 = tpu.memref_slice %arg7[%dma_start3A_546, %dma_start3A_547] : memref<512x128xf32, #tpu.memory_space<vmem>> -> memref<16x128xf32, #tpu.memory_space<vmem>>
      %dma_start3A_549 = arith.constant 0 : i32
      %dma_start3A_550 = arith.constant 0 : i32
      %dma_start3A_551 = tpu.memref_slice %arg2[%dma_start3A_549, %dma_start3A_550] : memref<204800x128xf32, #tpu.memory_space<hbm>> -> memref<204800x128xf32, #tpu.memory_space<hbm>>
      %dma_start3A_552 = arith.constant -1 : i32
      tpu.enqueue_indirect_dma source(%dma_start3A_551 : memref<204800x128xf32, #tpu.memory_space<hbm>>) target(%dma_start3A_548 : memref<16x128xf32, #tpu.memory_space<vmem>>) offsets(%get3A_545 : vector<16xi32>) offset_filter(%dma_start3A_552) semaphore(%arg11 : memref<!tpu.dma_semaphore, #tpu.memory_space<semaphore_mem>>)
      %get3A_553 = arith.constant 80 : index
      %get3A_554 = tpu.vector_load %arg8[%get3A_553] {strides = array<i32>} : memref<256xi32, #tpu.memory_space<vmem>>, vector<16xi32>,
      %dma_start3A_555 = arith.constant 336 : i32
      %dma_start3A_556 = arith.constant 0 : i32
      %dma_start3A_557 = tpu.memref_slice %arg7[%dma_start3A_555, %dma_start3A_556] : memref<512x128xf32, #tpu.memory_space<vmem>> -> memref<16x128xf32, #tpu.memory_space<vmem>>
      %dma_start3A_558 = arith.constant 0 : i32
      %dma_start3A_559 = arith.constant 0 : i32
      %dma_start3A_560 = tpu.memref_slice %arg2[%dma_start3A_558, %dma_start3A_559] : memref<204800x128xf32, #tpu.memory_space<hbm>> -> memref<204800x128xf32, #tpu.memory_space<hbm>>
      %dma_start3A_561 = arith.constant -1 : i32
      tpu.enqueue_indirect_dma source(%dma_start3A_560 : memref<204800x128xf32, #tpu.memory_space<hbm>>) target(%dma_start3A_557 : memref<16x128xf32, #tpu.memory_space<vmem>>) offsets(%get3A_554 : vector<16xi32>) offset_filter(%dma_start3A_561) semaphore(%arg11 : memref<!tpu.dma_semaphore, #tpu.memory_space<semaphore_mem>>)
      %get3A_562 = arith.constant 96 : index
      %get3A_563 = tpu.vector_load %arg8[%get3A_562] {strides = array<i32>} : memref<256xi32, #tpu.memory_space<vmem>>, vector<16xi32>,
      %dma_start3A_564 = arith.constant 352 : i32
      %dma_start3A_565 = arith.constant 0 : i32
      %dma_start3A_566 = tpu.memref_slice %arg7[%dma_start3A_564, %dma_start3A_565] : memref<512x128xf32, #tpu.memory_space<vmem>> -> memref<16x128xf32, #tpu.memory_space<vmem>>
      %dma_start3A_567 = arith.constant 0 : i32
      %dma_start3A_568 = arith.constant 0 : i32
      %dma_start3A_569 = tpu.memref_slice %arg2[%dma_start3A_567, %dma_start3A_568] : memref<204800x128xf32, #tpu.memory_space<hbm>> -> memref<204800x128xf32, #tpu.memory_space<hbm>>
      %dma_start3A_570 = arith.constant -1 : i32
      tpu.enqueue_indirect_dma source(%dma_start3A_569 : memref<204800x128xf32, #tpu.memory_space<hbm>>) target(%dma_start3A_566 : memref<16x128xf32, #tpu.memory_space<vmem>>) offsets(%get3A_563 : vector<16xi32>) offset_filter(%dma_start3A_570) semaphore(%arg11 : memref<!tpu.dma_semaphore, #tpu.memory_space<semaphore_mem>>)
      %get3A_571 = arith.constant 112 : index
      %get3A_572 = tpu.vector_load %arg8[%get3A_571] {strides = array<i32>} : memref<256xi32, #tpu.memory_space<vmem>>, vector<16xi32>,
      %dma_start3A_573 = arith.constant 368 : i32
      %dma_start3A_574 = arith.constant 0 : i32
      %dma_start3A_575 = tpu.memref_slice %arg7[%dma_start3A_573, %dma_start3A_574] : memref<512x128xf32, #tpu.memory_space<vmem>> -> memref<16x128xf32, #tpu.memory_space<vmem>>
      %dma_start3A_576 = arith.constant 0 : i32
      %dma_start3A_577 = arith.constant 0 : i32
      %dma_start3A_578 = tpu.memref_slice %arg2[%dma_start3A_576, %dma_start3A_577] : memref<204800x128xf32, #tpu.memory_space<hbm>> -> memref<204800x128xf32, #tpu.memory_space<hbm>>
      %dma_start3A_579 = arith.constant -1 : i32
      tpu.enqueue_indirect_dma source(%dma_start3A_578 : memref<204800x128xf32, #tpu.memory_space<hbm>>) target(%dma_start3A_575 : memref<16x128xf32, #tpu.memory_space<vmem>>) offsets(%get3A_572 : vector<16xi32>) offset_filter(%dma_start3A_579) semaphore(%arg11 : memref<!tpu.dma_semaphore, #tpu.memory_space<semaphore_mem>>)
      %get3A_580 = arith.constant 128 : index
      %get3A_581 = tpu.vector_load %arg8[%get3A_580] {strides = array<i32>} : memref<256xi32, #tpu.memory_space<vmem>>, vector<16xi32>,
      %dma_start3A_582 = arith.constant 384 : i32
      %dma_start3A_583 = arith.constant 0 : i32
      %dma_start3A_584 = tpu.memref_slice %arg7[%dma_start3A_582, %dma_start3A_583] : memref<512x128xf32, #tpu.memory_space<vmem>> -> memref<16x128xf32, #tpu.memory_space<vmem>>
      %dma_start3A_585 = arith.constant 0 : i32
      %dma_start3A_586 = arith.constant 0 : i32
      %dma_start3A_587 = tpu.memref_slice %arg2[%dma_start3A_585, %dma_start3A_586] : memref<204800x128xf32, #tpu.memory_space<hbm>> -> memref<204800x128xf32, #tpu.memory_space<hbm>>
      %dma_start3A_588 = arith.constant -1 : i32
      tpu.enqueue_indirect_dma source(%dma_start3A_587 : memref<204800x128xf32, #tpu.memory_space<hbm>>) target(%dma_start3A_584 : memref<16x128xf32, #tpu.memory_space<vmem>>) offsets(%get3A_581 : vector<16xi32>) offset_filter(%dma_start3A_588) semaphore(%arg11 : memref<!tpu.dma_semaphore, #tpu.memory_space<semaphore_mem>>)
      %get3A_589 = arith.constant 144 : index
      %get3A_590 = tpu.vector_load %arg8[%get3A_589] {strides = array<i32>} : memref<256xi32, #tpu.memory_space<vmem>>, vector<16xi32>,
      %dma_start3A_591 = arith.constant 400 : i32
      %dma_start3A_592 = arith.constant 0 : i32
      %dma_start3A_593 = tpu.memref_slice %arg7[%dma_start3A_591, %dma_start3A_592] : memref<512x128xf32, #tpu.memory_space<vmem>> -> memref<16x128xf32, #tpu.memory_space<vmem>>
      %dma_start3A_594 = arith.constant 0 : i32
      %dma_start3A_595 = arith.constant 0 : i32
      %dma_start3A_596 = tpu.memref_slice %arg2[%dma_start3A_594, %dma_start3A_595] : memref<204800x128xf32, #tpu.memory_space<hbm>> -> memref<204800x128xf32, #tpu.memory_space<hbm>>
      %dma_start3A_597 = arith.constant -1 : i32
      tpu.enqueue_indirect_dma source(%dma_start3A_596 : memref<204800x128xf32, #tpu.memory_space<hbm>>) target(%dma_start3A_593 : memref<16x128xf32, #tpu.memory_space<vmem>>) offsets(%get3A_590 : vector<16xi32>) offset_filter(%dma_start3A_597) semaphore(%arg11 : memref<!tpu.dma_semaphore, #tpu.memory_space<semaphore_mem>>)
      %get3A_598 = arith.constant 160 : index
      %get3A_599 = tpu.vector_load %arg8[%get3A_598] {strides = array<i32>} : memref<256xi32, #tpu.memory_space<vmem>>, vector<16xi32>,
      %dma_start3A_600 = arith.constant 416 : i32
      %dma_start3A_601 = arith.constant 0 : i32
      %dma_start3A_602 = tpu.memref_slice %arg7[%dma_start3A_600, %dma_start3A_601] : memref<512x128xf32, #tpu.memory_space<vmem>> -> memref<16x128xf32, #tpu.memory_space<vmem>>
      %dma_start3A_603 = arith.constant 0 : i32
      %dma_start3A_604 = arith.constant 0 : i32
      %dma_start3A_605 = tpu.memref_slice %arg2[%dma_start3A_603, %dma_start3A_604] : memref<204800x128xf32, #tpu.memory_space<hbm>> -> memref<204800x128xf32, #tpu.memory_space<hbm>>
      %dma_start3A_606 = arith.constant -1 : i32
      tpu.enqueue_indirect_dma source(%dma_start3A_605 : memref<204800x128xf32, #tpu.memory_space<hbm>>) target(%dma_start3A_602 : memref<16x128xf32, #tpu.memory_space<vmem>>) offsets(%get3A_599 : vector<16xi32>) offset_filter(%dma_start3A_606) semaphore(%arg11 : memref<!tpu.dma_semaphore, #tpu.memory_space<semaphore_mem>>)
      %get3A_607 = arith.constant 176 : index
      %get3A_608 = tpu.vector_load %arg8[%get3A_607] {strides = array<i32>} : memref<256xi32, #tpu.memory_space<vmem>>, vector<16xi32>,
      %dma_start3A_609 = arith.constant 432 : i32
      %dma_start3A_610 = arith.constant 0 : i32
      %dma_start3A_611 = tpu.memref_slice %arg7[%dma_start3A_609, %dma_start3A_610] : memref<512x128xf32, #tpu.memory_space<vmem>> -> memref<16x128xf32, #tpu.memory_space<vmem>>
      %dma_start3A_612 = arith.constant 0 : i32
      %dma_start3A_613 = arith.constant 0 : i32
      %dma_start3A_614 = tpu.memref_slice %arg2[%dma_start3A_612, %dma_start3A_613] : memref<204800x128xf32, #tpu.memory_space<hbm>> -> memref<204800x128xf32, #tpu.memory_space<hbm>>
      %dma_start3A_615 = arith.constant -1 : i32
      tpu.enqueue_indirect_dma source(%dma_start3A_614 : memref<204800x128xf32, #tpu.memory_space<hbm>>) target(%dma_start3A_611 : memref<16x128xf32, #tpu.memory_space<vmem>>) offsets(%get3A_608 : vector<16xi32>) offset_filter(%dma_start3A_615) semaphore(%arg11 : memref<!tpu.dma_semaphore, #tpu.memory_space<semaphore_mem>>)
      %get3A_616 = arith.constant 192 : index
      %get3A_617 = tpu.vector_load %arg8[%get3A_616] {strides = array<i32>} : memref<256xi32, #tpu.memory_space<vmem>>, vector<16xi32>,
      %dma_start3A_618 = arith.constant 448 : i32
      %dma_start3A_619 = arith.constant 0 : i32
      %dma_start3A_620 = tpu.memref_slice %arg7[%dma_start3A_618, %dma_start3A_619] : memref<512x128xf32, #tpu.memory_space<vmem>> -> memref<16x128xf32, #tpu.memory_space<vmem>>
      %dma_start3A_621 = arith.constant 0 : i32
      %dma_start3A_622 = arith.constant 0 : i32
      %dma_start3A_623 = tpu.memref_slice %arg2[%dma_start3A_621, %dma_start3A_622] : memref<204800x128xf32, #tpu.memory_space<hbm>> -> memref<204800x128xf32, #tpu.memory_space<hbm>>
      %dma_start3A_624 = arith.constant -1 : i32
      tpu.enqueue_indirect_dma source(%dma_start3A_623 : memref<204800x128xf32, #tpu.memory_space<hbm>>) target(%dma_start3A_620 : memref<16x128xf32, #tpu.memory_space<vmem>>) offsets(%get3A_617 : vector<16xi32>) offset_filter(%dma_start3A_624) semaphore(%arg11 : memref<!tpu.dma_semaphore, #tpu.memory_space<semaphore_mem>>)
      %get3A_625 = arith.constant 208 : index
      %get3A_626 = tpu.vector_load %arg8[%get3A_625] {strides = array<i32>} : memref<256xi32, #tpu.memory_space<vmem>>, vector<16xi32>,
      %dma_start3A_627 = arith.constant 464 : i32
      %dma_start3A_628 = arith.constant 0 : i32
      %dma_start3A_629 = tpu.memref_slice %arg7[%dma_start3A_627, %dma_start3A_628] : memref<512x128xf32, #tpu.memory_space<vmem>> -> memref<16x128xf32, #tpu.memory_space<vmem>>
      %dma_start3A_630 = arith.constant 0 : i32
      %dma_start3A_631 = arith.constant 0 : i32
      %dma_start3A_632 = tpu.memref_slice %arg2[%dma_start3A_630, %dma_start3A_631] : memref<204800x128xf32, #tpu.memory_space<hbm>> -> memref<204800x128xf32, #tpu.memory_space<hbm>>
      %dma_start3A_633 = arith.constant -1 : i32
      tpu.enqueue_indirect_dma source(%dma_start3A_632 : memref<204800x128xf32, #tpu.memory_space<hbm>>) target(%dma_start3A_629 : memref<16x128xf32, #tpu.memory_space<vmem>>) offsets(%get3A_626 : vector<16xi32>) offset_filter(%dma_start3A_633) semaphore(%arg11 : memref<!tpu.dma_semaphore, #tpu.memory_space<semaphore_mem>>)
      %get3A_634 = arith.constant 224 : index
      %get3A_635 = tpu.vector_load %arg8[%get3A_634] {strides = array<i32>} : memref<256xi32, #tpu.memory_space<vmem>>, vector<16xi32>,
      %dma_start3A_636 = arith.constant 480 : i32
      %dma_start3A_637 = arith.constant 0 : i32
      %dma_start3A_638 = tpu.memref_slice %arg7[%dma_start3A_636, %dma_start3A_637] : memref<512x128xf32, #tpu.memory_space<vmem>> -> memref<16x128xf32, #tpu.memory_space<vmem>>
      %dma_start3A_639 = arith.constant 0 : i32
      %dma_start3A_640 = arith.constant 0 : i32
      %dma_start3A_641 = tpu.memref_slice %arg2[%dma_start3A_639, %dma_start3A_640] : memref<204800x128xf32, #tpu.memory_space<hbm>> -> memref<204800x128xf32, #tpu.memory_space<hbm>>
      %dma_start3A_642 = arith.constant -1 : i32
      tpu.enqueue_indirect_dma source(%dma_start3A_641 : memref<204800x128xf32, #tpu.memory_space<hbm>>) target(%dma_start3A_638 : memref<16x128xf32, #tpu.memory_space<vmem>>) offsets(%get3A_635 : vector<16xi32>) offset_filter(%dma_start3A_642) semaphore(%arg11 : memref<!tpu.dma_semaphore, #tpu.memory_space<semaphore_mem>>)
      %get3A_643 = arith.constant 240 : index
      %get3A_644 = tpu.vector_load %arg8[%get3A_643] {strides = array<i32>} : memref<256xi32, #tpu.memory_space<vmem>>, vector<16xi32>,
      %dma_start3A_645 = arith.constant 496 : i32
      %dma_start3A_646 = arith.constant 0 : i32
      %dma_start3A_647 = tpu.memref_slice %arg7[%dma_start3A_645, %dma_start3A_646] : memref<512x128xf32, #tpu.memory_space<vmem>> -> memref<16x128xf32, #tpu.memory_space<vmem>>
      %dma_start3A_648 = arith.constant 0 : i32
      %dma_start3A_649 = arith.constant 0 : i32
      %dma_start3A_650 = tpu.memref_slice %arg2[%dma_start3A_648, %dma_start3A_649] : memref<204800x128xf32, #tpu.memory_space<hbm>> -> memref<204800x128xf32, #tpu.memory_space<hbm>>
      %dma_start3A_651 = arith.constant -1 : i32
      tpu.enqueue_indirect_dma source(%dma_start3A_650 : memref<204800x128xf32, #tpu.memory_space<hbm>>) target(%dma_start3A_647 : memref<16x128xf32, #tpu.memory_space<vmem>>) offsets(%get3A_644 : vector<16xi32>) offset_filter(%dma_start3A_651) semaphore(%arg11 : memref<!tpu.dma_semaphore, #tpu.memory_space<semaphore_mem>>)
    } else {
    }
    %add3A_303 = arith.constant 64 : i32
    %add3A_304 = arith.addi %add3A, %add3A_303 : i32
    %lt3A_305 = arith.constant 156 : i32
    %lt3A_306 = arith.cmpi slt, %add3A_304, %lt3A_305 : i32
    %jit3A_307 = arith.constant 78 : i32
    %div3A_308 = arith.divsi %add3A_304, %jit3A_307 : i32
    %sign3A_309 = arith.constant 0 : i32
    %sign3A_310 = arith.cmpi sgt, %add3A_304, %sign3A_309 : i32
    %sign3A_311 = arith.extui %sign3A_310 : i1 to i32
    %sign3A_312 = arith.constant 0 : i32
    %sign3A_313 = arith.cmpi slt, %add3A_304, %sign3A_312 : i32
    %sign3A_314 = arith.extui %sign3A_313 : i1 to i32
    %sign3A_315 = arith.subi %sign3A_311, %sign3A_314 : i32
    %sign3A_316 = arith.constant 0 : i32
    %sign3A_317 = arith.cmpi sgt, %jit3A_307, %sign3A_316 : i32
    %sign3A_318 = arith.extui %sign3A_317 : i1 to i32
    %sign3A_319 = arith.constant 0 : i32
    %sign3A_320 = arith.cmpi slt, %jit3A_307, %sign3A_319 : i32
    %sign3A_321 = arith.extui %sign3A_320 : i1 to i32
    %sign3A_322 = arith.subi %sign3A_318, %sign3A_321 : i32
    %ne3A_323 = arith.cmpi ne, %sign3A_315, %sign3A_322 : i32
    %rem3A_324 = arith.remsi %add3A_304, %jit3A_307 : i32
    %ne3A_325 = arith.constant 0 : i32
    %ne3A_326 = arith.cmpi ne, %rem3A_324, %ne3A_325 : i32
    %and3A_327 = arith.andi %ne3A_323, %ne3A_326 : i1
    %sub3A_328 = arith.constant 1 : i32
    %sub3A_329 = arith.subi %div3A_308, %sub3A_328 : i32
    %select_n3A_330 = arith.select %and3A_327, %sub3A_329, %div3A_308 : i32
    %jit3A_331 = arith.constant 78 : i32
    %eq3A_332 = arith.constant 0 : i32
    %eq3A_333 = arith.cmpi eq, %jit3A_331, %eq3A_332 : i32
    %jit3A_334 = arith.constant 1 : i32
    %select_n3A_335 = arith.select %eq3A_333, %jit3A_334, %jit3A_331 : i32
    %rem3A_336 = arith.remsi %add3A_304, %select_n3A_335 : i32
    %ne3A_337 = arith.constant 0 : i32
    %ne3A_338 = arith.cmpi ne, %rem3A_336, %ne3A_337 : i32
    %lt3A_339 = arith.constant 0 : i32
    %lt3A_340 = arith.cmpi slt, %rem3A_336, %lt3A_339 : i32
    %lt3A_341 = arith.constant 0 : i32
    %lt3A_342 = arith.cmpi slt, %select_n3A_335, %lt3A_341 : i32
    %ne3A_343 = arith.xori %lt3A_340, %lt3A_342 : i1
    %and3A_344 = arith.andi %ne3A_343, %ne3A_338 : i1
    %add3A_345 = arith.addi %rem3A_336, %select_n3A_335 : i32
    %select_n3A_346 = arith.select %and3A_344, %add3A_345, %rem3A_336 : i32
    %mul3A_347 = arith.constant 256 : i32
    %mul3A_348 = arith.muli %select_n3A_346, %mul3A_347 : i32
    %multiple_of3A_349 = tpu.assume_multiple %mul3A_348, 256 : i32
    %convert_element_type3A_350 = arith.extui %lt3A_306 : i1 to i32
    %cond3A_351 = arith.constant 0 : i32
    %cond3A_352 = arith.cmpi ne, %convert_element_type3A_350, %cond3A_351 : i32
    scf.if %cond3A_352 {
      %dma_wait3A = arith.constant 0 : i32
      %dma_wait3A_508 = arith.constant 0 : i32
      %dma_wait3A_509 = tpu.memref_slice %arg7[%dma_wait3A, %dma_wait3A_508] : memref<512x128xf32, #tpu.memory_space<vmem>> -> memref<256x128xf32, #tpu.memory_space<vmem>>
      %dma_wait3A_510 = arith.constant 0 : i32
      %dma_wait3A_511 = arith.constant 0 : i32
      %dma_wait3A_512 = tpu.memref_slice %arg2[%dma_wait3A_510, %dma_wait3A_511] : memref<204800x128xf32, #tpu.memory_space<hbm>> -> memref<256x128xf32, #tpu.memory_space<hbm>>
      %dma_wait3A_513 = arith.constant 0 : i32
      %dma_wait3A_514 = arith.constant 0 : i32
      %dma_wait3A_515 = tpu.memref_slice %arg7[%dma_wait3A_513, %dma_wait3A_514] : memref<512x128xf32, #tpu.memory_space<vmem>> -> memref<256x128xf32, #tpu.memory_space<vmem>>
      %dma_wait3A_516 = arith.constant 0 : i32
      %dma_wait3A_517 = arith.constant 0 : i32
      %dma_wait3A_518 = tpu.memref_slice %arg2[%dma_wait3A_516, %dma_wait3A_517] : memref<204800x128xf32, #tpu.memory_space<hbm>> -> memref<256x128xf32, #tpu.memory_space<hbm>>
      tpu.wait_dma2 semaphore(%arg11 : memref<!tpu.dma_semaphore, #tpu.memory_space<semaphore_mem>>) src(%dma_wait3A_518 : memref<256x128xf32, #tpu.memory_space<hbm>>) dst(%dma_wait3A_515 : memref<256x128xf32, #tpu.memory_space<vmem>>)
      %scan3A = arith.constant 0 : i32
      %scan3A_519 = arith.constant 0 : i32
      %scan3A_520 = arith.constant 256 : i32
      %scan3A_521 = arith.addi %scan3A_519, %scan3A_520 : i32
      %scan3A_522 = arith.constant 1 : i32
      %scan3A_523 = scf.for %scan3A_529 = %scan3A_519 to %scan3A_521 step %scan3A_522 iter_args(%scan3A_530 = %scan3A) -> (i32)  : i32 {
        %broadcast_in_dim3A = arith.constant 0 : i32
        %broadcast_in_dim3A_531 = vector.broadcast %broadcast_in_dim3A : i32 to vector<16xi32>
        %add3A_532 = arith.constant 0 : i32
        %add3A_533 = vector.broadcast %add3A_532 : i32 to vector<16xi32>
        %add3A_534 = arith.addi %broadcast_in_dim3A_531, %add3A_533 : vector<16xi32>
        %add3A_535 = vector.broadcast %scan3A_529 : i32 to vector<16xi32>
        %add3A_536 = arith.addi %add3A_534, %add3A_535 : vector<16xi32>
        %gather3A = tpu.vector_load_idx %arg10[%add3A_536] : memref<512xi32, #tpu.memory_space<vmem>>[vector<16xi32>], vector<16xi32>,
        %ne3A_537 = arith.constant 0 : i32
        %ne3A_538 = vector.broadcast %ne3A_537 : i32 to vector<16xi32>
        %ne3A_539 = arith.cmpi ne, %gather3A, %ne3A_538 : vector<16xi32>
        %add3A_540 = arith.constant 0 : i32
        %add3A_541 = arith.addi %add3A_540, %scan3A_529 : i32
        %get3A_542 = arith.index_cast %add3A_541 : i32 to index
        %get3A_543 = arith.constant 0 : index
        %get3A_544 = tpu.vector_load %arg7[%get3A_542, %get3A_543] {strides = array<i32>} : memref<512x128xf32, #tpu.memory_space<vmem>>, vector<16xf32>,
        %select_n3A_545 = arith.select %ne3A_539, %get3A_544, %get3A_1 : vector<16xi1>, vector<16xf32>
        %add3A_546 = arith.constant 0 : i32
        %add3A_547 = arith.addi %add3A_546, %scan3A_529 : i32
        %swap3A = arith.index_cast %add3A_547 : i32 to index
        %swap3A_548 = arith.constant 0 : index
        %swap3A_549 = tpu.vector_load %arg7[%swap3A, %swap3A_548] {strides = array<i32>} : memref<512x128xf32, #tpu.memory_space<vmem>>, vector<16xf32>,
        tpu.vector_store %arg7[%swap3A, %swap3A_548], %select_n3A_545 {strides = array<i32>} : memref<512x128xf32, #tpu.memory_space<vmem>>, vector<16xf32>,
        %add3A_550 = arith.constant 0 : i32
        %add3A_551 = arith.addi %add3A_550, %scan3A_529 : i32
        %get3A_552 = arith.index_cast %add3A_551 : i32 to index
        %get3A_553 = arith.constant 16 : index
        %get3A_554 = tpu.vector_load %arg7[%get3A_552, %get3A_553] {strides = array<i32>} : memref<512x128xf32, #tpu.memory_space<vmem>>, vector<16xf32>,
        %select_n3A_555 = arith.select %ne3A_539, %get3A_554, %get3A_3 : vector<16xi1>, vector<16xf32>
        %add3A_556 = arith.constant 0 : i32
        %add3A_557 = arith.addi %add3A_556, %scan3A_529 : i32
        %swap3A_558 = arith.index_cast %add3A_557 : i32 to index
        %swap3A_559 = arith.constant 16 : index
        %swap3A_560 = tpu.vector_load %arg7[%swap3A_558, %swap3A_559] {strides = array<i32>} : memref<512x128xf32, #tpu.memory_space<vmem>>, vector<16xf32>,
        tpu.vector_store %arg7[%swap3A_558, %swap3A_559], %select_n3A_555 {strides = array<i32>} : memref<512x128xf32, #tpu.memory_space<vmem>>, vector<16xf32>,
        %add3A_561 = arith.constant 0 : i32
        %add3A_562 = arith.addi %add3A_561, %scan3A_529 : i32
        %get3A_563 = arith.index_cast %add3A_562 : i32 to index
        %get3A_564 = arith.constant 32 : index
        %get3A_565 = tpu.vector_load %arg7[%get3A_563, %get3A_564] {strides = array<i32>} : memref<512x128xf32, #tpu.memory_space<vmem>>, vector<16xf32>,
        %select_n3A_566 = arith.select %ne3A_539, %get3A_565, %get3A_5 : vector<16xi1>, vector<16xf32>
        %add3A_567 = arith.constant 0 : i32
        %add3A_568 = arith.addi %add3A_567, %scan3A_529 : i32
        %swap3A_569 = arith.index_cast %add3A_568 : i32 to index
        %swap3A_570 = arith.constant 32 : index
        %swap3A_571 = tpu.vector_load %arg7[%swap3A_569, %swap3A_570] {strides = array<i32>} : memref<512x128xf32, #tpu.memory_space<vmem>>, vector<16xf32>,
        tpu.vector_store %arg7[%swap3A_569, %swap3A_570], %select_n3A_566 {strides = array<i32>} : memref<512x128xf32, #tpu.memory_space<vmem>>, vector<16xf32>,
        %add3A_572 = arith.constant 0 : i32
        %add3A_573 = arith.addi %add3A_572, %scan3A_529 : i32
        %get3A_574 = arith.index_cast %add3A_573 : i32 to index
        %get3A_575 = arith.constant 48 : index
        %get3A_576 = tpu.vector_load %arg7[%get3A_574, %get3A_575] {strides = array<i32>} : memref<512x128xf32, #tpu.memory_space<vmem>>, vector<16xf32>,
        %select_n3A_577 = arith.select %ne3A_539, %get3A_576, %get3A_7 : vector<16xi1>, vector<16xf32>
        %add3A_578 = arith.constant 0 : i32
        %add3A_579 = arith.addi %add3A_578, %scan3A_529 : i32
        %swap3A_580 = arith.index_cast %add3A_579 : i32 to index
        %swap3A_581 = arith.constant 48 : index
        %swap3A_582 = tpu.vector_load %arg7[%swap3A_580, %swap3A_581] {strides = array<i32>} : memref<512x128xf32, #tpu.memory_space<vmem>>, vector<16xf32>,
        tpu.vector_store %arg7[%swap3A_580, %swap3A_581], %select_n3A_577 {strides = array<i32>} : memref<512x128xf32, #tpu.memory_space<vmem>>, vector<16xf32>,
        %add3A_583 = arith.constant 0 : i32
        %add3A_584 = arith.addi %add3A_583, %scan3A_529 : i32
        %get3A_585 = arith.index_cast %add3A_584 : i32 to index
        %get3A_586 = arith.constant 64 : index
        %get3A_587 = tpu.vector_load %arg7[%get3A_585, %get3A_586] {strides = array<i32>} : memref<512x128xf32, #tpu.memory_space<vmem>>, vector<16xf32>,
        %select_n3A_588 = arith.select %ne3A_539, %get3A_587, %get3A_9 : vector<16xi1>, vector<16xf32>
        %add3A_589 = arith.constant 0 : i32
        %add3A_590 = arith.addi %add3A_589, %scan3A_529 : i32
        %swap3A_591 = arith.index_cast %add3A_590 : i32 to index
        %swap3A_592 = arith.constant 64 : index
        %swap3A_593 = tpu.vector_load %arg7[%swap3A_591, %swap3A_592] {strides = array<i32>} : memref<512x128xf32, #tpu.memory_space<vmem>>, vector<16xf32>,
        tpu.vector_store %arg7[%swap3A_591, %swap3A_592], %select_n3A_588 {strides = array<i32>} : memref<512x128xf32, #tpu.memory_space<vmem>>, vector<16xf32>,
        %add3A_594 = arith.constant 0 : i32
        %add3A_595 = arith.addi %add3A_594, %scan3A_529 : i32
        %get3A_596 = arith.index_cast %add3A_595 : i32 to index
        %get3A_597 = arith.constant 80 : index
        %get3A_598 = tpu.vector_load %arg7[%get3A_596, %get3A_597] {strides = array<i32>} : memref<512x128xf32, #tpu.memory_space<vmem>>, vector<16xf32>,
        %select_n3A_599 = arith.select %ne3A_539, %get3A_598, %get3A_11 : vector<16xi1>, vector<16xf32>
        %add3A_600 = arith.constant 0 : i32
        %add3A_601 = arith.addi %add3A_600, %scan3A_529 : i32
        %swap3A_602 = arith.index_cast %add3A_601 : i32 to index
        %swap3A_603 = arith.constant 80 : index
        %swap3A_604 = tpu.vector_load %arg7[%swap3A_602, %swap3A_603] {strides = array<i32>} : memref<512x128xf32, #tpu.memory_space<vmem>>, vector<16xf32>,
        tpu.vector_store %arg7[%swap3A_602, %swap3A_603], %select_n3A_599 {strides = array<i32>} : memref<512x128xf32, #tpu.memory_space<vmem>>, vector<16xf32>,
        %add3A_605 = arith.constant 0 : i32
        %add3A_606 = arith.addi %add3A_605, %scan3A_529 : i32
        %get3A_607 = arith.index_cast %add3A_606 : i32 to index
        %get3A_608 = arith.constant 96 : index
        %get3A_609 = tpu.vector_load %arg7[%get3A_607, %get3A_608] {strides = array<i32>} : memref<512x128xf32, #tpu.memory_space<vmem>>, vector<16xf32>,
        %select_n3A_610 = arith.select %ne3A_539, %get3A_609, %get3A_13 : vector<16xi1>, vector<16xf32>
        %add3A_611 = arith.constant 0 : i32
        %add3A_612 = arith.addi %add3A_611, %scan3A_529 : i32
        %swap3A_613 = arith.index_cast %add3A_612 : i32 to index
        %swap3A_614 = arith.constant 96 : index
        %swap3A_615 = tpu.vector_load %arg7[%swap3A_613, %swap3A_614] {strides = array<i32>} : memref<512x128xf32, #tpu.memory_space<vmem>>, vector<16xf32>,
        tpu.vector_store %arg7[%swap3A_613, %swap3A_614], %select_n3A_610 {strides = array<i32>} : memref<512x128xf32, #tpu.memory_space<vmem>>, vector<16xf32>,
        %add3A_616 = arith.constant 0 : i32
        %add3A_617 = arith.addi %add3A_616, %scan3A_529 : i32
        %get3A_618 = arith.index_cast %add3A_617 : i32 to index
        %get3A_619 = arith.constant 112 : index
        %get3A_620 = tpu.vector_load %arg7[%get3A_618, %get3A_619] {strides = array<i32>} : memref<512x128xf32, #tpu.memory_space<vmem>>, vector<16xf32>,
        %select_n3A_621 = arith.select %ne3A_539, %get3A_620, %get3A_15 : vector<16xi1>, vector<16xf32>
        %add3A_622 = arith.constant 0 : i32
        %add3A_623 = arith.addi %add3A_622, %scan3A_529 : i32
        %swap3A_624 = arith.index_cast %add3A_623 : i32 to index
        %swap3A_625 = arith.constant 112 : index
        %swap3A_626 = tpu.vector_load %arg7[%swap3A_624, %swap3A_625] {strides = array<i32>} : memref<512x128xf32, #tpu.memory_space<vmem>>, vector<16xf32>,
        tpu.vector_store %arg7[%swap3A_624, %swap3A_625], %select_n3A_621 {strides = array<i32>} : memref<512x128xf32, #tpu.memory_space<vmem>>, vector<16xf32>,
        %scan3A_627 = arith.constant 0 : i32
        scf.yield %scan3A_627 : i32
      }
      %scan3A_524 = arith.constant 256 : i32
      %mul3A_525 = arith.constant 20000 : i32
      %mul3A_526 = arith.muli %select_n3A_330, %mul3A_525 : i32
      %multiple_of3A_527 = tpu.assume_multiple %mul3A_526, 8 : i32
      %add3A_528 = arith.addi %multiple_of3A_527, %multiple_of3A_349 : i32
      "tpu.region"() ({
        %run_scoped3A = tpu.sem_alloc : memref<!tpu.dma_semaphore, #tpu.memory_space<semaphore_mem>>
        %dma_start3A = arith.constant 0 : i32
        %dma_start3A_529 = arith.constant 0 : i32
        %dma_start3A_530 = tpu.memref_slice %arg7[%dma_start3A, %dma_start3A_529] : memref<512x128xf32, #tpu.memory_space<vmem>> -> memref<256x128xf32, #tpu.memory_space<vmem>>
        %dma_start3A_531 = arith.constant 0 : i32
        %dma_start3A_532 = tpu.memref_slice %arg6[%add3A_528, %dma_start3A_531] : memref<40000x128xf32, #tpu.memory_space<hbm>> -> memref<256x128xf32, #tpu.memory_space<hbm>>
        %dma_start3A_533 = arith.constant 0 : i32
        %dma_start3A_534 = tpu.memref_slice %arg6[%add3A_528, %dma_start3A_533] : memref<40000x128xf32, #tpu.memory_space<hbm>> -> memref<256x128xf32, #tpu.memory_space<hbm>>
        %dma_start3A_535 = arith.constant 0 : i32
        %dma_start3A_536 = arith.constant 0 : i32
        %dma_start3A_537 = tpu.memref_slice %arg7[%dma_start3A_535, %dma_start3A_536] : memref<512x128xf32, #tpu.memory_space<vmem>> -> memref<256x128xf32, #tpu.memory_space<vmem>>
        tpu.enqueue_dma source(%dma_start3A_537 : memref<256x128xf32, #tpu.memory_space<vmem>>) target(%dma_start3A_534 : memref<256x128xf32, #tpu.memory_space<hbm>>) target_semaphore(%run_scoped3A : memref<!tpu.dma_semaphore, #tpu.memory_space<semaphore_mem>>)
        %dma_wait3A_538 = arith.constant 0 : i32
        %dma_wait3A_539 = arith.constant 0 : i32
        %dma_wait3A_540 = tpu.memref_slice %arg7[%dma_wait3A_538, %dma_wait3A_539] : memref<512x128xf32, #tpu.memory_space<vmem>> -> memref<256x128xf32, #tpu.memory_space<vmem>>
        %dma_wait3A_541 = arith.constant 0 : i32
        %dma_wait3A_542 = tpu.memref_slice %arg6[%add3A_528, %dma_wait3A_541] : memref<40000x128xf32, #tpu.memory_space<hbm>> -> memref<256x128xf32, #tpu.memory_space<hbm>>
        %dma_wait3A_543 = arith.constant 0 : i32
        %dma_wait3A_544 = tpu.memref_slice %arg6[%add3A_528, %dma_wait3A_543] : memref<40000x128xf32, #tpu.memory_space<hbm>> -> memref<256x128xf32, #tpu.memory_space<hbm>>
        %dma_wait3A_545 = arith.constant 0 : i32
        %dma_wait3A_546 = arith.constant 0 : i32
        %dma_wait3A_547 = tpu.memref_slice %arg7[%dma_wait3A_545, %dma_wait3A_546] : memref<512x128xf32, #tpu.memory_space<vmem>> -> memref<256x128xf32, #tpu.memory_space<vmem>>
        tpu.wait_dma2 semaphore(%run_scoped3A : memref<!tpu.dma_semaphore, #tpu.memory_space<semaphore_mem>>) src(%dma_wait3A_547 : memref<256x128xf32, #tpu.memory_space<vmem>>) dst(%dma_wait3A_544 : memref<256x128xf32, #tpu.memory_space<hbm>>)
        tpu.yield
      }) : () -> ()
    } else {
    }
    %add3A_353 = arith.constant 128 : i32
    %add3A_354 = arith.addi %add3A, %add3A_353 : i32
    %lt3A_355 = arith.constant 156 : i32
    %lt3A_356 = arith.cmpi slt, %add3A_354, %lt3A_355 : i32
    %jit3A_357 = arith.constant 78 : i32
    %div3A_358 = arith.divsi %add3A_354, %jit3A_357 : i32
    %sign3A_359 = arith.constant 0 : i32
    %sign3A_360 = arith.cmpi sgt, %add3A_354, %sign3A_359 : i32
    %sign3A_361 = arith.extui %sign3A_360 : i1 to i32
    %sign3A_362 = arith.constant 0 : i32
    %sign3A_363 = arith.cmpi slt, %add3A_354, %sign3A_362 : i32
    %sign3A_364 = arith.extui %sign3A_363 : i1 to i32
    %sign3A_365 = arith.subi %sign3A_361, %sign3A_364 : i32
    %sign3A_366 = arith.constant 0 : i32
    %sign3A_367 = arith.cmpi sgt, %jit3A_357, %sign3A_366 : i32
    %sign3A_368 = arith.extui %sign3A_367 : i1 to i32
    %sign3A_369 = arith.constant 0 : i32
    %sign3A_370 = arith.cmpi slt, %jit3A_357, %sign3A_369 : i32
    %sign3A_371 = arith.extui %sign3A_370 : i1 to i32
    %sign3A_372 = arith.subi %sign3A_368, %sign3A_371 : i32
    %ne3A_373 = arith.cmpi ne, %sign3A_365, %sign3A_372 : i32
    %rem3A_374 = arith.remsi %add3A_354, %jit3A_357 : i32
    %ne3A_375 = arith.constant 0 : i32
    %ne3A_376 = arith.cmpi ne, %rem3A_374, %ne3A_375 : i32
    %and3A_377 = arith.andi %ne3A_373, %ne3A_376 : i1
    %sub3A_378 = arith.constant 1 : i32
    %sub3A_379 = arith.subi %div3A_358, %sub3A_378 : i32
    %select_n3A_380 = arith.select %and3A_377, %sub3A_379, %div3A_358 : i32
    %jit3A_381 = arith.constant 78 : i32
    %eq3A_382 = arith.constant 0 : i32
    %eq3A_383 = arith.cmpi eq, %jit3A_381, %eq3A_382 : i32
    %jit3A_384 = arith.constant 1 : i32
    %select_n3A_385 = arith.select %eq3A_383, %jit3A_384, %jit3A_381 : i32
    %rem3A_386 = arith.remsi %add3A_354, %select_n3A_385 : i32
    %ne3A_387 = arith.constant 0 : i32
    %ne3A_388 = arith.cmpi ne, %rem3A_386, %ne3A_387 : i32
    %lt3A_389 = arith.constant 0 : i32
    %lt3A_390 = arith.cmpi slt, %rem3A_386, %lt3A_389 : i32
    %lt3A_391 = arith.constant 0 : i32
    %lt3A_392 = arith.cmpi slt, %select_n3A_385, %lt3A_391 : i32
    %ne3A_393 = arith.xori %lt3A_390, %lt3A_392 : i1
    %and3A_394 = arith.andi %ne3A_393, %ne3A_388 : i1
    %add3A_395 = arith.addi %rem3A_386, %select_n3A_385 : i32
    %select_n3A_396 = arith.select %and3A_394, %add3A_395, %rem3A_386 : i32
    %mul3A_397 = arith.constant 256 : i32
    %mul3A_398 = arith.muli %select_n3A_396, %mul3A_397 : i32
    %multiple_of3A_399 = tpu.assume_multiple %mul3A_398, 256 : i32
    %convert_element_type3A_400 = arith.extui %lt3A_356 : i1 to i32
    %cond3A_401 = arith.constant 0 : i32
    %cond3A_402 = arith.cmpi ne, %convert_element_type3A_400, %cond3A_401 : i32
    scf.if %cond3A_402 {
      %run_scoped3A = arith.constant 0 : i32
      "tpu.region"() ({
        %run_scoped3A_652 = tpu.sem_alloc : memref<!tpu.dma_semaphore, #tpu.memory_space<semaphore_mem>>
        %dma_start3A_653 = arith.constant 0 : i32
        %dma_start3A_654 = tpu.memref_slice %arg8[%dma_start3A_653] : memref<256xi32, #tpu.memory_space<vmem>> -> memref<256xi32, #tpu.memory_space<vmem>>
        %dma_start3A_655 = tpu.memref_slice %arg3[%select_n3A_380, %run_scoped3A, %multiple_of3A_399] : memref<2x1x20480xi32, #tpu.memory_space<hbm>> -> memref<1x1x256xi32, #tpu.memory_space<hbm>>
        %dma_start3A_656 = tpu.memref_squeeze %dma_start3A_655 : memref<1x1x256xi32, #tpu.memory_space<hbm>> -> memref<256xi32, #tpu.memory_space<hbm>>
        %dma_start3A_657 = arith.constant 0 : i32
        %dma_start3A_658 = tpu.memref_slice %arg8[%dma_start3A_657] : memref<256xi32, #tpu.memory_space<vmem>> -> memref<256xi32, #tpu.memory_space<vmem>>
        %dma_start3A_659 = tpu.memref_slice %arg3[%select_n3A_380, %run_scoped3A, %multiple_of3A_399] : memref<2x1x20480xi32, #tpu.memory_space<hbm>> -> memref<1x1x256xi32, #tpu.memory_space<hbm>>
        %dma_start3A_660 = tpu.memref_squeeze %dma_start3A_659 : memref<1x1x256xi32, #tpu.memory_space<hbm>> -> memref<256xi32, #tpu.memory_space<hbm>>
        tpu.enqueue_dma source(%dma_start3A_660 : memref<256xi32, #tpu.memory_space<hbm>>) target(%dma_start3A_658 : memref<256xi32, #tpu.memory_space<vmem>>) target_semaphore(%run_scoped3A_652 : memref<!tpu.dma_semaphore, #tpu.memory_space<semaphore_mem>>)
        %dma_wait3A = arith.constant 0 : i32
        %dma_wait3A_661 = tpu.memref_slice %arg8[%dma_wait3A] : memref<256xi32, #tpu.memory_space<vmem>> -> memref<256xi32, #tpu.memory_space<vmem>>
        %dma_wait3A_662 = tpu.memref_slice %arg3[%select_n3A_380, %run_scoped3A, %multiple_of3A_399] : memref<2x1x20480xi32, #tpu.memory_space<hbm>> -> memref<1x1x256xi32, #tpu.memory_space<hbm>>
        %dma_wait3A_663 = tpu.memref_squeeze %dma_wait3A_662 : memref<1x1x256xi32, #tpu.memory_space<hbm>> -> memref<256xi32, #tpu.memory_space<hbm>>
        %dma_wait3A_664 = arith.constant 0 : i32
        %dma_wait3A_665 = tpu.memref_slice %arg8[%dma_wait3A_664] : memref<256xi32, #tpu.memory_space<vmem>> -> memref<256xi32, #tpu.memory_space<vmem>>
        %dma_wait3A_666 = tpu.memref_slice %arg3[%select_n3A_380, %run_scoped3A, %multiple_of3A_399] : memref<2x1x20480xi32, #tpu.memory_space<hbm>> -> memref<1x1x256xi32, #tpu.memory_space<hbm>>
        %dma_wait3A_667 = tpu.memref_squeeze %dma_wait3A_666 : memref<1x1x256xi32, #tpu.memory_space<hbm>> -> memref<256xi32, #tpu.memory_space<hbm>>
        tpu.wait_dma2 semaphore(%run_scoped3A_652 : memref<!tpu.dma_semaphore, #tpu.memory_space<semaphore_mem>>) src(%dma_wait3A_667 : memref<256xi32, #tpu.memory_space<hbm>>) dst(%dma_wait3A_665 : memref<256xi32, #tpu.memory_space<vmem>>)
        tpu.yield
      }) : () -> ()
      %run_scoped3A_508 = arith.constant 0 : i32
      "tpu.region"() ({
        %run_scoped3A_652 = tpu.sem_alloc : memref<!tpu.dma_semaphore, #tpu.memory_space<semaphore_mem>>
        %dma_start3A_653 = arith.constant 0 : i32
        %dma_start3A_654 = tpu.memref_slice %arg10[%dma_start3A_653] : memref<512xi32, #tpu.memory_space<vmem>> -> memref<256xi32, #tpu.memory_space<vmem>>
        %dma_start3A_655 = tpu.memref_slice %arg4[%select_n3A_380, %run_scoped3A_508, %multiple_of3A_399] : memref<2x1x20480xi32, #tpu.memory_space<hbm>> -> memref<1x1x256xi32, #tpu.memory_space<hbm>>
        %dma_start3A_656 = tpu.memref_squeeze %dma_start3A_655 : memref<1x1x256xi32, #tpu.memory_space<hbm>> -> memref<256xi32, #tpu.memory_space<hbm>>
        %dma_start3A_657 = arith.constant 0 : i32
        %dma_start3A_658 = tpu.memref_slice %arg10[%dma_start3A_657] : memref<512xi32, #tpu.memory_space<vmem>> -> memref<256xi32, #tpu.memory_space<vmem>>
        %dma_start3A_659 = tpu.memref_slice %arg4[%select_n3A_380, %run_scoped3A_508, %multiple_of3A_399] : memref<2x1x20480xi32, #tpu.memory_space<hbm>> -> memref<1x1x256xi32, #tpu.memory_space<hbm>>
        %dma_start3A_660 = tpu.memref_squeeze %dma_start3A_659 : memref<1x1x256xi32, #tpu.memory_space<hbm>> -> memref<256xi32, #tpu.memory_space<hbm>>
        tpu.enqueue_dma source(%dma_start3A_660 : memref<256xi32, #tpu.memory_space<hbm>>) target(%dma_start3A_658 : memref<256xi32, #tpu.memory_space<vmem>>) target_semaphore(%run_scoped3A_652 : memref<!tpu.dma_semaphore, #tpu.memory_space<semaphore_mem>>)
        %dma_wait3A = arith.constant 0 : i32
        %dma_wait3A_661 = tpu.memref_slice %arg10[%dma_wait3A] : memref<512xi32, #tpu.memory_space<vmem>> -> memref<256xi32, #tpu.memory_space<vmem>>
        %dma_wait3A_662 = tpu.memref_slice %arg4[%select_n3A_380, %run_scoped3A_508, %multiple_of3A_399] : memref<2x1x20480xi32, #tpu.memory_space<hbm>> -> memref<1x1x256xi32, #tpu.memory_space<hbm>>
        %dma_wait3A_663 = tpu.memref_squeeze %dma_wait3A_662 : memref<1x1x256xi32, #tpu.memory_space<hbm>> -> memref<256xi32, #tpu.memory_space<hbm>>
        %dma_wait3A_664 = arith.constant 0 : i32
        %dma_wait3A_665 = tpu.memref_slice %arg10[%dma_wait3A_664] : memref<512xi32, #tpu.memory_space<vmem>> -> memref<256xi32, #tpu.memory_space<vmem>>
        %dma_wait3A_666 = tpu.memref_slice %arg4[%select_n3A_380, %run_scoped3A_508, %multiple_of3A_399] : memref<2x1x20480xi32, #tpu.memory_space<hbm>> -> memref<1x1x256xi32, #tpu.memory_space<hbm>>
        %dma_wait3A_667 = tpu.memref_squeeze %dma_wait3A_666 : memref<1x1x256xi32, #tpu.memory_space<hbm>> -> memref<256xi32, #tpu.memory_space<hbm>>
        tpu.wait_dma2 semaphore(%run_scoped3A_652 : memref<!tpu.dma_semaphore, #tpu.memory_space<semaphore_mem>>) src(%dma_wait3A_667 : memref<256xi32, #tpu.memory_space<hbm>>) dst(%dma_wait3A_665 : memref<256xi32, #tpu.memory_space<vmem>>)
        tpu.yield
      }) : () -> ()
      %get3A_509 = arith.constant 0 : index
      %get3A_510 = tpu.vector_load %arg8[%get3A_509] {strides = array<i32>} : memref<256xi32, #tpu.memory_space<vmem>>, vector<16xi32>,
      %dma_start3A = arith.constant 0 : i32
      %dma_start3A_511 = arith.constant 0 : i32
      %dma_start3A_512 = tpu.memref_slice %arg7[%dma_start3A, %dma_start3A_511] : memref<512x128xf32, #tpu.memory_space<vmem>> -> memref<16x128xf32, #tpu.memory_space<vmem>>
      %dma_start3A_513 = arith.constant 0 : i32
      %dma_start3A_514 = arith.constant 0 : i32
      %dma_start3A_515 = tpu.memref_slice %arg2[%dma_start3A_513, %dma_start3A_514] : memref<204800x128xf32, #tpu.memory_space<hbm>> -> memref<204800x128xf32, #tpu.memory_space<hbm>>
      %dma_start3A_516 = arith.constant -1 : i32
      tpu.enqueue_indirect_dma source(%dma_start3A_515 : memref<204800x128xf32, #tpu.memory_space<hbm>>) target(%dma_start3A_512 : memref<16x128xf32, #tpu.memory_space<vmem>>) offsets(%get3A_510 : vector<16xi32>) offset_filter(%dma_start3A_516) semaphore(%arg11 : memref<!tpu.dma_semaphore, #tpu.memory_space<semaphore_mem>>)
      %get3A_517 = arith.constant 16 : index
      %get3A_518 = tpu.vector_load %arg8[%get3A_517] {strides = array<i32>} : memref<256xi32, #tpu.memory_space<vmem>>, vector<16xi32>,
      %dma_start3A_519 = arith.constant 16 : i32
      %dma_start3A_520 = arith.constant 0 : i32
      %dma_start3A_521 = tpu.memref_slice %arg7[%dma_start3A_519, %dma_start3A_520] : memref<512x128xf32, #tpu.memory_space<vmem>> -> memref<16x128xf32, #tpu.memory_space<vmem>>
      %dma_start3A_522 = arith.constant 0 : i32
      %dma_start3A_523 = arith.constant 0 : i32
      %dma_start3A_524 = tpu.memref_slice %arg2[%dma_start3A_522, %dma_start3A_523] : memref<204800x128xf32, #tpu.memory_space<hbm>> -> memref<204800x128xf32, #tpu.memory_space<hbm>>
      %dma_start3A_525 = arith.constant -1 : i32
      tpu.enqueue_indirect_dma source(%dma_start3A_524 : memref<204800x128xf32, #tpu.memory_space<hbm>>) target(%dma_start3A_521 : memref<16x128xf32, #tpu.memory_space<vmem>>) offsets(%get3A_518 : vector<16xi32>) offset_filter(%dma_start3A_525) semaphore(%arg11 : memref<!tpu.dma_semaphore, #tpu.memory_space<semaphore_mem>>)
      %get3A_526 = arith.constant 32 : index
      %get3A_527 = tpu.vector_load %arg8[%get3A_526] {strides = array<i32>} : memref<256xi32, #tpu.memory_space<vmem>>, vector<16xi32>,
      %dma_start3A_528 = arith.constant 32 : i32
      %dma_start3A_529 = arith.constant 0 : i32
      %dma_start3A_530 = tpu.memref_slice %arg7[%dma_start3A_528, %dma_start3A_529] : memref<512x128xf32, #tpu.memory_space<vmem>> -> memref<16x128xf32, #tpu.memory_space<vmem>>
      %dma_start3A_531 = arith.constant 0 : i32
      %dma_start3A_532 = arith.constant 0 : i32
      %dma_start3A_533 = tpu.memref_slice %arg2[%dma_start3A_531, %dma_start3A_532] : memref<204800x128xf32, #tpu.memory_space<hbm>> -> memref<204800x128xf32, #tpu.memory_space<hbm>>
      %dma_start3A_534 = arith.constant -1 : i32
      tpu.enqueue_indirect_dma source(%dma_start3A_533 : memref<204800x128xf32, #tpu.memory_space<hbm>>) target(%dma_start3A_530 : memref<16x128xf32, #tpu.memory_space<vmem>>) offsets(%get3A_527 : vector<16xi32>) offset_filter(%dma_start3A_534) semaphore(%arg11 : memref<!tpu.dma_semaphore, #tpu.memory_space<semaphore_mem>>)
      %get3A_535 = arith.constant 48 : index
      %get3A_536 = tpu.vector_load %arg8[%get3A_535] {strides = array<i32>} : memref<256xi32, #tpu.memory_space<vmem>>, vector<16xi32>,
      %dma_start3A_537 = arith.constant 48 : i32
      %dma_start3A_538 = arith.constant 0 : i32
      %dma_start3A_539 = tpu.memref_slice %arg7[%dma_start3A_537, %dma_start3A_538] : memref<512x128xf32, #tpu.memory_space<vmem>> -> memref<16x128xf32, #tpu.memory_space<vmem>>
      %dma_start3A_540 = arith.constant 0 : i32
      %dma_start3A_541 = arith.constant 0 : i32
      %dma_start3A_542 = tpu.memref_slice %arg2[%dma_start3A_540, %dma_start3A_541] : memref<204800x128xf32, #tpu.memory_space<hbm>> -> memref<204800x128xf32, #tpu.memory_space<hbm>>
      %dma_start3A_543 = arith.constant -1 : i32
      tpu.enqueue_indirect_dma source(%dma_start3A_542 : memref<204800x128xf32, #tpu.memory_space<hbm>>) target(%dma_start3A_539 : memref<16x128xf32, #tpu.memory_space<vmem>>) offsets(%get3A_536 : vector<16xi32>) offset_filter(%dma_start3A_543) semaphore(%arg11 : memref<!tpu.dma_semaphore, #tpu.memory_space<semaphore_mem>>)
      %get3A_544 = arith.constant 64 : index
      %get3A_545 = tpu.vector_load %arg8[%get3A_544] {strides = array<i32>} : memref<256xi32, #tpu.memory_space<vmem>>, vector<16xi32>,
      %dma_start3A_546 = arith.constant 64 : i32
      %dma_start3A_547 = arith.constant 0 : i32
      %dma_start3A_548 = tpu.memref_slice %arg7[%dma_start3A_546, %dma_start3A_547] : memref<512x128xf32, #tpu.memory_space<vmem>> -> memref<16x128xf32, #tpu.memory_space<vmem>>
      %dma_start3A_549 = arith.constant 0 : i32
      %dma_start3A_550 = arith.constant 0 : i32
      %dma_start3A_551 = tpu.memref_slice %arg2[%dma_start3A_549, %dma_start3A_550] : memref<204800x128xf32, #tpu.memory_space<hbm>> -> memref<204800x128xf32, #tpu.memory_space<hbm>>
      %dma_start3A_552 = arith.constant -1 : i32
      tpu.enqueue_indirect_dma source(%dma_start3A_551 : memref<204800x128xf32, #tpu.memory_space<hbm>>) target(%dma_start3A_548 : memref<16x128xf32, #tpu.memory_space<vmem>>) offsets(%get3A_545 : vector<16xi32>) offset_filter(%dma_start3A_552) semaphore(%arg11 : memref<!tpu.dma_semaphore, #tpu.memory_space<semaphore_mem>>)
      %get3A_553 = arith.constant 80 : index
      %get3A_554 = tpu.vector_load %arg8[%get3A_553] {strides = array<i32>} : memref<256xi32, #tpu.memory_space<vmem>>, vector<16xi32>,
      %dma_start3A_555 = arith.constant 80 : i32
      %dma_start3A_556 = arith.constant 0 : i32
      %dma_start3A_557 = tpu.memref_slice %arg7[%dma_start3A_555, %dma_start3A_556] : memref<512x128xf32, #tpu.memory_space<vmem>> -> memref<16x128xf32, #tpu.memory_space<vmem>>
      %dma_start3A_558 = arith.constant 0 : i32
      %dma_start3A_559 = arith.constant 0 : i32
      %dma_start3A_560 = tpu.memref_slice %arg2[%dma_start3A_558, %dma_start3A_559] : memref<204800x128xf32, #tpu.memory_space<hbm>> -> memref<204800x128xf32, #tpu.memory_space<hbm>>
      %dma_start3A_561 = arith.constant -1 : i32
      tpu.enqueue_indirect_dma source(%dma_start3A_560 : memref<204800x128xf32, #tpu.memory_space<hbm>>) target(%dma_start3A_557 : memref<16x128xf32, #tpu.memory_space<vmem>>) offsets(%get3A_554 : vector<16xi32>) offset_filter(%dma_start3A_561) semaphore(%arg11 : memref<!tpu.dma_semaphore, #tpu.memory_space<semaphore_mem>>)
      %get3A_562 = arith.constant 96 : index
      %get3A_563 = tpu.vector_load %arg8[%get3A_562] {strides = array<i32>} : memref<256xi32, #tpu.memory_space<vmem>>, vector<16xi32>,
      %dma_start3A_564 = arith.constant 96 : i32
      %dma_start3A_565 = arith.constant 0 : i32
      %dma_start3A_566 = tpu.memref_slice %arg7[%dma_start3A_564, %dma_start3A_565] : memref<512x128xf32, #tpu.memory_space<vmem>> -> memref<16x128xf32, #tpu.memory_space<vmem>>
      %dma_start3A_567 = arith.constant 0 : i32
      %dma_start3A_568 = arith.constant 0 : i32
      %dma_start3A_569 = tpu.memref_slice %arg2[%dma_start3A_567, %dma_start3A_568] : memref<204800x128xf32, #tpu.memory_space<hbm>> -> memref<204800x128xf32, #tpu.memory_space<hbm>>
      %dma_start3A_570 = arith.constant -1 : i32
      tpu.enqueue_indirect_dma source(%dma_start3A_569 : memref<204800x128xf32, #tpu.memory_space<hbm>>) target(%dma_start3A_566 : memref<16x128xf32, #tpu.memory_space<vmem>>) offsets(%get3A_563 : vector<16xi32>) offset_filter(%dma_start3A_570) semaphore(%arg11 : memref<!tpu.dma_semaphore, #tpu.memory_space<semaphore_mem>>)
      %get3A_571 = arith.constant 112 : index
      %get3A_572 = tpu.vector_load %arg8[%get3A_571] {strides = array<i32>} : memref<256xi32, #tpu.memory_space<vmem>>, vector<16xi32>,
      %dma_start3A_573 = arith.constant 112 : i32
      %dma_start3A_574 = arith.constant 0 : i32
      %dma_start3A_575 = tpu.memref_slice %arg7[%dma_start3A_573, %dma_start3A_574] : memref<512x128xf32, #tpu.memory_space<vmem>> -> memref<16x128xf32, #tpu.memory_space<vmem>>
      %dma_start3A_576 = arith.constant 0 : i32
      %dma_start3A_577 = arith.constant 0 : i32
      %dma_start3A_578 = tpu.memref_slice %arg2[%dma_start3A_576, %dma_start3A_577] : memref<204800x128xf32, #tpu.memory_space<hbm>> -> memref<204800x128xf32, #tpu.memory_space<hbm>>
      %dma_start3A_579 = arith.constant -1 : i32
      tpu.enqueue_indirect_dma source(%dma_start3A_578 : memref<204800x128xf32, #tpu.memory_space<hbm>>) target(%dma_start3A_575 : memref<16x128xf32, #tpu.memory_space<vmem>>) offsets(%get3A_572 : vector<16xi32>) offset_filter(%dma_start3A_579) semaphore(%arg11 : memref<!tpu.dma_semaphore, #tpu.memory_space<semaphore_mem>>)
      %get3A_580 = arith.constant 128 : index
      %get3A_581 = tpu.vector_load %arg8[%get3A_580] {strides = array<i32>} : memref<256xi32, #tpu.memory_space<vmem>>, vector<16xi32>,
      %dma_start3A_582 = arith.constant 128 : i32
      %dma_start3A_583 = arith.constant 0 : i32
      %dma_start3A_584 = tpu.memref_slice %arg7[%dma_start3A_582, %dma_start3A_583] : memref<512x128xf32, #tpu.memory_space<vmem>> -> memref<16x128xf32, #tpu.memory_space<vmem>>
      %dma_start3A_585 = arith.constant 0 : i32
      %dma_start3A_586 = arith.constant 0 : i32
      %dma_start3A_587 = tpu.memref_slice %arg2[%dma_start3A_585, %dma_start3A_586] : memref<204800x128xf32, #tpu.memory_space<hbm>> -> memref<204800x128xf32, #tpu.memory_space<hbm>>
      %dma_start3A_588 = arith.constant -1 : i32
      tpu.enqueue_indirect_dma source(%dma_start3A_587 : memref<204800x128xf32, #tpu.memory_space<hbm>>) target(%dma_start3A_584 : memref<16x128xf32, #tpu.memory_space<vmem>>) offsets(%get3A_581 : vector<16xi32>) offset_filter(%dma_start3A_588) semaphore(%arg11 : memref<!tpu.dma_semaphore, #tpu.memory_space<semaphore_mem>>)
      %get3A_589 = arith.constant 144 : index
      %get3A_590 = tpu.vector_load %arg8[%get3A_589] {strides = array<i32>} : memref<256xi32, #tpu.memory_space<vmem>>, vector<16xi32>,
      %dma_start3A_591 = arith.constant 144 : i32
      %dma_start3A_592 = arith.constant 0 : i32
      %dma_start3A_593 = tpu.memref_slice %arg7[%dma_start3A_591, %dma_start3A_592] : memref<512x128xf32, #tpu.memory_space<vmem>> -> memref<16x128xf32, #tpu.memory_space<vmem>>
      %dma_start3A_594 = arith.constant 0 : i32
      %dma_start3A_595 = arith.constant 0 : i32
      %dma_start3A_596 = tpu.memref_slice %arg2[%dma_start3A_594, %dma_start3A_595] : memref<204800x128xf32, #tpu.memory_space<hbm>> -> memref<204800x128xf32, #tpu.memory_space<hbm>>
      %dma_start3A_597 = arith.constant -1 : i32
      tpu.enqueue_indirect_dma source(%dma_start3A_596 : memref<204800x128xf32, #tpu.memory_space<hbm>>) target(%dma_start3A_593 : memref<16x128xf32, #tpu.memory_space<vmem>>) offsets(%get3A_590 : vector<16xi32>) offset_filter(%dma_start3A_597) semaphore(%arg11 : memref<!tpu.dma_semaphore, #tpu.memory_space<semaphore_mem>>)
      %get3A_598 = arith.constant 160 : index
      %get3A_599 = tpu.vector_load %arg8[%get3A_598] {strides = array<i32>} : memref<256xi32, #tpu.memory_space<vmem>>, vector<16xi32>,
      %dma_start3A_600 = arith.constant 160 : i32
      %dma_start3A_601 = arith.constant 0 : i32
      %dma_start3A_602 = tpu.memref_slice %arg7[%dma_start3A_600, %dma_start3A_601] : memref<512x128xf32, #tpu.memory_space<vmem>> -> memref<16x128xf32, #tpu.memory_space<vmem>>
      %dma_start3A_603 = arith.constant 0 : i32
      %dma_start3A_604 = arith.constant 0 : i32
      %dma_start3A_605 = tpu.memref_slice %arg2[%dma_start3A_603, %dma_start3A_604] : memref<204800x128xf32, #tpu.memory_space<hbm>> -> memref<204800x128xf32, #tpu.memory_space<hbm>>
      %dma_start3A_606 = arith.constant -1 : i32
      tpu.enqueue_indirect_dma source(%dma_start3A_605 : memref<204800x128xf32, #tpu.memory_space<hbm>>) target(%dma_start3A_602 : memref<16x128xf32, #tpu.memory_space<vmem>>) offsets(%get3A_599 : vector<16xi32>) offset_filter(%dma_start3A_606) semaphore(%arg11 : memref<!tpu.dma_semaphore, #tpu.memory_space<semaphore_mem>>)
      %get3A_607 = arith.constant 176 : index
      %get3A_608 = tpu.vector_load %arg8[%get3A_607] {strides = array<i32>} : memref<256xi32, #tpu.memory_space<vmem>>, vector<16xi32>,
      %dma_start3A_609 = arith.constant 176 : i32
      %dma_start3A_610 = arith.constant 0 : i32
      %dma_start3A_611 = tpu.memref_slice %arg7[%dma_start3A_609, %dma_start3A_610] : memref<512x128xf32, #tpu.memory_space<vmem>> -> memref<16x128xf32, #tpu.memory_space<vmem>>
      %dma_start3A_612 = arith.constant 0 : i32
      %dma_start3A_613 = arith.constant 0 : i32
      %dma_start3A_614 = tpu.memref_slice %arg2[%dma_start3A_612, %dma_start3A_613] : memref<204800x128xf32, #tpu.memory_space<hbm>> -> memref<204800x128xf32, #tpu.memory_space<hbm>>
      %dma_start3A_615 = arith.constant -1 : i32
      tpu.enqueue_indirect_dma source(%dma_start3A_614 : memref<204800x128xf32, #tpu.memory_space<hbm>>) target(%dma_start3A_611 : memref<16x128xf32, #tpu.memory_space<vmem>>) offsets(%get3A_608 : vector<16xi32>) offset_filter(%dma_start3A_615) semaphore(%arg11 : memref<!tpu.dma_semaphore, #tpu.memory_space<semaphore_mem>>)
      %get3A_616 = arith.constant 192 : index
      %get3A_617 = tpu.vector_load %arg8[%get3A_616] {strides = array<i32>} : memref<256xi32, #tpu.memory_space<vmem>>, vector<16xi32>,
      %dma_start3A_618 = arith.constant 192 : i32
      %dma_start3A_619 = arith.constant 0 : i32
      %dma_start3A_620 = tpu.memref_slice %arg7[%dma_start3A_618, %dma_start3A_619] : memref<512x128xf32, #tpu.memory_space<vmem>> -> memref<16x128xf32, #tpu.memory_space<vmem>>
      %dma_start3A_621 = arith.constant 0 : i32
      %dma_start3A_622 = arith.constant 0 : i32
      %dma_start3A_623 = tpu.memref_slice %arg2[%dma_start3A_621, %dma_start3A_622] : memref<204800x128xf32, #tpu.memory_space<hbm>> -> memref<204800x128xf32, #tpu.memory_space<hbm>>
      %dma_start3A_624 = arith.constant -1 : i32
      tpu.enqueue_indirect_dma source(%dma_start3A_623 : memref<204800x128xf32, #tpu.memory_space<hbm>>) target(%dma_start3A_620 : memref<16x128xf32, #tpu.memory_space<vmem>>) offsets(%get3A_617 : vector<16xi32>) offset_filter(%dma_start3A_624) semaphore(%arg11 : memref<!tpu.dma_semaphore, #tpu.memory_space<semaphore_mem>>)
      %get3A_625 = arith.constant 208 : index
      %get3A_626 = tpu.vector_load %arg8[%get3A_625] {strides = array<i32>} : memref<256xi32, #tpu.memory_space<vmem>>, vector<16xi32>,
      %dma_start3A_627 = arith.constant 208 : i32
      %dma_start3A_628 = arith.constant 0 : i32
      %dma_start3A_629 = tpu.memref_slice %arg7[%dma_start3A_627, %dma_start3A_628] : memref<512x128xf32, #tpu.memory_space<vmem>> -> memref<16x128xf32, #tpu.memory_space<vmem>>
      %dma_start3A_630 = arith.constant 0 : i32
      %dma_start3A_631 = arith.constant 0 : i32
      %dma_start3A_632 = tpu.memref_slice %arg2[%dma_start3A_630, %dma_start3A_631] : memref<204800x128xf32, #tpu.memory_space<hbm>> -> memref<204800x128xf32, #tpu.memory_space<hbm>>
      %dma_start3A_633 = arith.constant -1 : i32
      tpu.enqueue_indirect_dma source(%dma_start3A_632 : memref<204800x128xf32, #tpu.memory_space<hbm>>) target(%dma_start3A_629 : memref<16x128xf32, #tpu.memory_space<vmem>>) offsets(%get3A_626 : vector<16xi32>) offset_filter(%dma_start3A_633) semaphore(%arg11 : memref<!tpu.dma_semaphore, #tpu.memory_space<semaphore_mem>>)
      %get3A_634 = arith.constant 224 : index
      %get3A_635 = tpu.vector_load %arg8[%get3A_634] {strides = array<i32>} : memref<256xi32, #tpu.memory_space<vmem>>, vector<16xi32>,
      %dma_start3A_636 = arith.constant 224 : i32
      %dma_start3A_637 = arith.constant 0 : i32
      %dma_start3A_638 = tpu.memref_slice %arg7[%dma_start3A_636, %dma_start3A_637] : memref<512x128xf32, #tpu.memory_space<vmem>> -> memref<16x128xf32, #tpu.memory_space<vmem>>
      %dma_start3A_639 = arith.constant 0 : i32
      %dma_start3A_640 = arith.constant 0 : i32
      %dma_start3A_641 = tpu.memref_slice %arg2[%dma_start3A_639, %dma_start3A_640] : memref<204800x128xf32, #tpu.memory_space<hbm>> -> memref<204800x128xf32, #tpu.memory_space<hbm>>
      %dma_start3A_642 = arith.constant -1 : i32
      tpu.enqueue_indirect_dma source(%dma_start3A_641 : memref<204800x128xf32, #tpu.memory_space<hbm>>) target(%dma_start3A_638 : memref<16x128xf32, #tpu.memory_space<vmem>>) offsets(%get3A_635 : vector<16xi32>) offset_filter(%dma_start3A_642) semaphore(%arg11 : memref<!tpu.dma_semaphore, #tpu.memory_space<semaphore_mem>>)
      %get3A_643 = arith.constant 240 : index
      %get3A_644 = tpu.vector_load %arg8[%get3A_643] {strides = array<i32>} : memref<256xi32, #tpu.memory_space<vmem>>, vector<16xi32>,
      %dma_start3A_645 = arith.constant 240 : i32
      %dma_start3A_646 = arith.constant 0 : i32
      %dma_start3A_647 = tpu.memref_slice %arg7[%dma_start3A_645, %dma_start3A_646] : memref<512x128xf32, #tpu.memory_space<vmem>> -> memref<16x128xf32, #tpu.memory_space<vmem>>
      %dma_start3A_648 = arith.constant 0 : i32
      %dma_start3A_649 = arith.constant 0 : i32
      %dma_start3A_650 = tpu.memref_slice %arg2[%dma_start3A_648, %dma_start3A_649] : memref<204800x128xf32, #tpu.memory_space<hbm>> -> memref<204800x128xf32, #tpu.memory_space<hbm>>
      %dma_start3A_651 = arith.constant -1 : i32
      tpu.enqueue_indirect_dma source(%dma_start3A_650 : memref<204800x128xf32, #tpu.memory_space<hbm>>) target(%dma_start3A_647 : memref<16x128xf32, #tpu.memory_space<vmem>>) offsets(%get3A_644 : vector<16xi32>) offset_filter(%dma_start3A_651) semaphore(%arg11 : memref<!tpu.dma_semaphore, #tpu.memory_space<semaphore_mem>>)
    } else {
    }
    %add3A_403 = arith.constant 96 : i32
    %add3A_404 = arith.addi %add3A, %add3A_403 : i32
    %lt3A_405 = arith.constant 156 : i32
    %lt3A_406 = arith.cmpi slt, %add3A_404, %lt3A_405 : i32
    %jit3A_407 = arith.constant 78 : i32
    %div3A_408 = arith.divsi %add3A_404, %jit3A_407 : i32
    %sign3A_409 = arith.constant 0 : i32
    %sign3A_410 = arith.cmpi sgt, %add3A_404, %sign3A_409 : i32
    %sign3A_411 = arith.extui %sign3A_410 : i1 to i32
    %sign3A_412 = arith.constant 0 : i32
    %sign3A_413 = arith.cmpi slt, %add3A_404, %sign3A_412 : i32
    %sign3A_414 = arith.extui %sign3A_413 : i1 to i32
    %sign3A_415 = arith.subi %sign3A_411, %sign3A_414 : i32
    %sign3A_416 = arith.constant 0 : i32
    %sign3A_417 = arith.cmpi sgt, %jit3A_407, %sign3A_416 : i32
    %sign3A_418 = arith.extui %sign3A_417 : i1 to i32
    %sign3A_419 = arith.constant 0 : i32
    %sign3A_420 = arith.cmpi slt, %jit3A_407, %sign3A_419 : i32
    %sign3A_421 = arith.extui %sign3A_420 : i1 to i32
    %sign3A_422 = arith.subi %sign3A_418, %sign3A_421 : i32
    %ne3A_423 = arith.cmpi ne, %sign3A_415, %sign3A_422 : i32
    %rem3A_424 = arith.remsi %add3A_404, %jit3A_407 : i32
    %ne3A_425 = arith.constant 0 : i32
    %ne3A_426 = arith.cmpi ne, %rem3A_424, %ne3A_425 : i32
    %and3A_427 = arith.andi %ne3A_423, %ne3A_426 : i1
    %sub3A_428 = arith.constant 1 : i32
    %sub3A_429 = arith.subi %div3A_408, %sub3A_428 : i32
    %select_n3A_430 = arith.select %and3A_427, %sub3A_429, %div3A_408 : i32
    %jit3A_431 = arith.constant 78 : i32
    %eq3A_432 = arith.constant 0 : i32
    %eq3A_433 = arith.cmpi eq, %jit3A_431, %eq3A_432 : i32
    %jit3A_434 = arith.constant 1 : i32
    %select_n3A_435 = arith.select %eq3A_433, %jit3A_434, %jit3A_431 : i32
    %rem3A_436 = arith.remsi %add3A_404, %select_n3A_435 : i32
    %ne3A_437 = arith.constant 0 : i32
    %ne3A_438 = arith.cmpi ne, %rem3A_436, %ne3A_437 : i32
    %lt3A_439 = arith.constant 0 : i32
    %lt3A_440 = arith.cmpi slt, %rem3A_436, %lt3A_439 : i32
    %lt3A_441 = arith.constant 0 : i32
    %lt3A_442 = arith.cmpi slt, %select_n3A_435, %lt3A_441 : i32
    %ne3A_443 = arith.xori %lt3A_440, %lt3A_442 : i1
    %and3A_444 = arith.andi %ne3A_443, %ne3A_438 : i1
    %add3A_445 = arith.addi %rem3A_436, %select_n3A_435 : i32
    %select_n3A_446 = arith.select %and3A_444, %add3A_445, %rem3A_436 : i32
    %mul3A_447 = arith.constant 256 : i32
    %mul3A_448 = arith.muli %select_n3A_446, %mul3A_447 : i32
    %multiple_of3A_449 = tpu.assume_multiple %mul3A_448, 256 : i32
    %convert_element_type3A_450 = arith.extui %lt3A_406 : i1 to i32
    %cond3A_451 = arith.constant 0 : i32
    %cond3A_452 = arith.cmpi ne, %convert_element_type3A_450, %cond3A_451 : i32
    scf.if %cond3A_452 {
      %dma_wait3A = arith.constant 256 : i32
      %dma_wait3A_508 = arith.constant 0 : i32
      %dma_wait3A_509 = tpu.memref_slice %arg7[%dma_wait3A, %dma_wait3A_508] : memref<512x128xf32, #tpu.memory_space<vmem>> -> memref<256x128xf32, #tpu.memory_space<vmem>>
      %dma_wait3A_510 = arith.constant 0 : i32
      %dma_wait3A_511 = arith.constant 0 : i32
      %dma_wait3A_512 = tpu.memref_slice %arg2[%dma_wait3A_510, %dma_wait3A_511] : memref<204800x128xf32, #tpu.memory_space<hbm>> -> memref<256x128xf32, #tpu.memory_space<hbm>>
      %dma_wait3A_513 = arith.constant 256 : i32
      %dma_wait3A_514 = arith.constant 0 : i32
      %dma_wait3A_515 = tpu.memref_slice %arg7[%dma_wait3A_513, %dma_wait3A_514] : memref<512x128xf32, #tpu.memory_space<vmem>> -> memref<256x128xf32, #tpu.memory_space<vmem>>
      %dma_wait3A_516 = arith.constant 0 : i32
      %dma_wait3A_517 = arith.constant 0 : i32
      %dma_wait3A_518 = tpu.memref_slice %arg2[%dma_wait3A_516, %dma_wait3A_517] : memref<204800x128xf32, #tpu.memory_space<hbm>> -> memref<256x128xf32, #tpu.memory_space<hbm>>
      tpu.wait_dma2 semaphore(%arg11 : memref<!tpu.dma_semaphore, #tpu.memory_space<semaphore_mem>>) src(%dma_wait3A_518 : memref<256x128xf32, #tpu.memory_space<hbm>>) dst(%dma_wait3A_515 : memref<256x128xf32, #tpu.memory_space<vmem>>)
      %scan3A = arith.constant 0 : i32
      %scan3A_519 = arith.constant 0 : i32
      %scan3A_520 = arith.constant 256 : i32
      %scan3A_521 = arith.addi %scan3A_519, %scan3A_520 : i32
      %scan3A_522 = arith.constant 1 : i32
      %scan3A_523 = scf.for %scan3A_529 = %scan3A_519 to %scan3A_521 step %scan3A_522 iter_args(%scan3A_530 = %scan3A) -> (i32)  : i32 {
        %broadcast_in_dim3A = arith.constant 0 : i32
        %broadcast_in_dim3A_531 = vector.broadcast %broadcast_in_dim3A : i32 to vector<16xi32>
        %add3A_532 = arith.constant 256 : i32
        %add3A_533 = vector.broadcast %add3A_532 : i32 to vector<16xi32>
        %add3A_534 = arith.addi %broadcast_in_dim3A_531, %add3A_533 : vector<16xi32>
        %add3A_535 = vector.broadcast %scan3A_529 : i32 to vector<16xi32>
        %add3A_536 = arith.addi %add3A_534, %add3A_535 : vector<16xi32>
        %gather3A = tpu.vector_load_idx %arg10[%add3A_536] : memref<512xi32, #tpu.memory_space<vmem>>[vector<16xi32>], vector<16xi32>,
        %ne3A_537 = arith.constant 0 : i32
        %ne3A_538 = vector.broadcast %ne3A_537 : i32 to vector<16xi32>
        %ne3A_539 = arith.cmpi ne, %gather3A, %ne3A_538 : vector<16xi32>
        %add3A_540 = arith.constant 256 : i32
        %add3A_541 = arith.addi %add3A_540, %scan3A_529 : i32
        %get3A_542 = arith.index_cast %add3A_541 : i32 to index
        %get3A_543 = arith.constant 0 : index
        %get3A_544 = tpu.vector_load %arg7[%get3A_542, %get3A_543] {strides = array<i32>} : memref<512x128xf32, #tpu.memory_space<vmem>>, vector<16xf32>,
        %select_n3A_545 = arith.select %ne3A_539, %get3A_544, %get3A_1 : vector<16xi1>, vector<16xf32>
        %add3A_546 = arith.constant 256 : i32
        %add3A_547 = arith.addi %add3A_546, %scan3A_529 : i32
        %swap3A = arith.index_cast %add3A_547 : i32 to index
        %swap3A_548 = arith.constant 0 : index
        %swap3A_549 = tpu.vector_load %arg7[%swap3A, %swap3A_548] {strides = array<i32>} : memref<512x128xf32, #tpu.memory_space<vmem>>, vector<16xf32>,
        tpu.vector_store %arg7[%swap3A, %swap3A_548], %select_n3A_545 {strides = array<i32>} : memref<512x128xf32, #tpu.memory_space<vmem>>, vector<16xf32>,
        %add3A_550 = arith.constant 256 : i32
        %add3A_551 = arith.addi %add3A_550, %scan3A_529 : i32
        %get3A_552 = arith.index_cast %add3A_551 : i32 to index
        %get3A_553 = arith.constant 16 : index
        %get3A_554 = tpu.vector_load %arg7[%get3A_552, %get3A_553] {strides = array<i32>} : memref<512x128xf32, #tpu.memory_space<vmem>>, vector<16xf32>,
        %select_n3A_555 = arith.select %ne3A_539, %get3A_554, %get3A_3 : vector<16xi1>, vector<16xf32>
        %add3A_556 = arith.constant 256 : i32
        %add3A_557 = arith.addi %add3A_556, %scan3A_529 : i32
        %swap3A_558 = arith.index_cast %add3A_557 : i32 to index
        %swap3A_559 = arith.constant 16 : index
        %swap3A_560 = tpu.vector_load %arg7[%swap3A_558, %swap3A_559] {strides = array<i32>} : memref<512x128xf32, #tpu.memory_space<vmem>>, vector<16xf32>,
        tpu.vector_store %arg7[%swap3A_558, %swap3A_559], %select_n3A_555 {strides = array<i32>} : memref<512x128xf32, #tpu.memory_space<vmem>>, vector<16xf32>,
        %add3A_561 = arith.constant 256 : i32
        %add3A_562 = arith.addi %add3A_561, %scan3A_529 : i32
        %get3A_563 = arith.index_cast %add3A_562 : i32 to index
        %get3A_564 = arith.constant 32 : index
        %get3A_565 = tpu.vector_load %arg7[%get3A_563, %get3A_564] {strides = array<i32>} : memref<512x128xf32, #tpu.memory_space<vmem>>, vector<16xf32>,
        %select_n3A_566 = arith.select %ne3A_539, %get3A_565, %get3A_5 : vector<16xi1>, vector<16xf32>
        %add3A_567 = arith.constant 256 : i32
        %add3A_568 = arith.addi %add3A_567, %scan3A_529 : i32
        %swap3A_569 = arith.index_cast %add3A_568 : i32 to index
        %swap3A_570 = arith.constant 32 : index
        %swap3A_571 = tpu.vector_load %arg7[%swap3A_569, %swap3A_570] {strides = array<i32>} : memref<512x128xf32, #tpu.memory_space<vmem>>, vector<16xf32>,
        tpu.vector_store %arg7[%swap3A_569, %swap3A_570], %select_n3A_566 {strides = array<i32>} : memref<512x128xf32, #tpu.memory_space<vmem>>, vector<16xf32>,
        %add3A_572 = arith.constant 256 : i32
        %add3A_573 = arith.addi %add3A_572, %scan3A_529 : i32
        %get3A_574 = arith.index_cast %add3A_573 : i32 to index
        %get3A_575 = arith.constant 48 : index
        %get3A_576 = tpu.vector_load %arg7[%get3A_574, %get3A_575] {strides = array<i32>} : memref<512x128xf32, #tpu.memory_space<vmem>>, vector<16xf32>,
        %select_n3A_577 = arith.select %ne3A_539, %get3A_576, %get3A_7 : vector<16xi1>, vector<16xf32>
        %add3A_578 = arith.constant 256 : i32
        %add3A_579 = arith.addi %add3A_578, %scan3A_529 : i32
        %swap3A_580 = arith.index_cast %add3A_579 : i32 to index
        %swap3A_581 = arith.constant 48 : index
        %swap3A_582 = tpu.vector_load %arg7[%swap3A_580, %swap3A_581] {strides = array<i32>} : memref<512x128xf32, #tpu.memory_space<vmem>>, vector<16xf32>,
        tpu.vector_store %arg7[%swap3A_580, %swap3A_581], %select_n3A_577 {strides = array<i32>} : memref<512x128xf32, #tpu.memory_space<vmem>>, vector<16xf32>,
        %add3A_583 = arith.constant 256 : i32
        %add3A_584 = arith.addi %add3A_583, %scan3A_529 : i32
        %get3A_585 = arith.index_cast %add3A_584 : i32 to index
        %get3A_586 = arith.constant 64 : index
        %get3A_587 = tpu.vector_load %arg7[%get3A_585, %get3A_586] {strides = array<i32>} : memref<512x128xf32, #tpu.memory_space<vmem>>, vector<16xf32>,
        %select_n3A_588 = arith.select %ne3A_539, %get3A_587, %get3A_9 : vector<16xi1>, vector<16xf32>
        %add3A_589 = arith.constant 256 : i32
        %add3A_590 = arith.addi %add3A_589, %scan3A_529 : i32
        %swap3A_591 = arith.index_cast %add3A_590 : i32 to index
        %swap3A_592 = arith.constant 64 : index
        %swap3A_593 = tpu.vector_load %arg7[%swap3A_591, %swap3A_592] {strides = array<i32>} : memref<512x128xf32, #tpu.memory_space<vmem>>, vector<16xf32>,
        tpu.vector_store %arg7[%swap3A_591, %swap3A_592], %select_n3A_588 {strides = array<i32>} : memref<512x128xf32, #tpu.memory_space<vmem>>, vector<16xf32>,
        %add3A_594 = arith.constant 256 : i32
        %add3A_595 = arith.addi %add3A_594, %scan3A_529 : i32
        %get3A_596 = arith.index_cast %add3A_595 : i32 to index
        %get3A_597 = arith.constant 80 : index
        %get3A_598 = tpu.vector_load %arg7[%get3A_596, %get3A_597] {strides = array<i32>} : memref<512x128xf32, #tpu.memory_space<vmem>>, vector<16xf32>,
        %select_n3A_599 = arith.select %ne3A_539, %get3A_598, %get3A_11 : vector<16xi1>, vector<16xf32>
        %add3A_600 = arith.constant 256 : i32
        %add3A_601 = arith.addi %add3A_600, %scan3A_529 : i32
        %swap3A_602 = arith.index_cast %add3A_601 : i32 to index
        %swap3A_603 = arith.constant 80 : index
        %swap3A_604 = tpu.vector_load %arg7[%swap3A_602, %swap3A_603] {strides = array<i32>} : memref<512x128xf32, #tpu.memory_space<vmem>>, vector<16xf32>,
        tpu.vector_store %arg7[%swap3A_602, %swap3A_603], %select_n3A_599 {strides = array<i32>} : memref<512x128xf32, #tpu.memory_space<vmem>>, vector<16xf32>,
        %add3A_605 = arith.constant 256 : i32
        %add3A_606 = arith.addi %add3A_605, %scan3A_529 : i32
        %get3A_607 = arith.index_cast %add3A_606 : i32 to index
        %get3A_608 = arith.constant 96 : index
        %get3A_609 = tpu.vector_load %arg7[%get3A_607, %get3A_608] {strides = array<i32>} : memref<512x128xf32, #tpu.memory_space<vmem>>, vector<16xf32>,
        %select_n3A_610 = arith.select %ne3A_539, %get3A_609, %get3A_13 : vector<16xi1>, vector<16xf32>
        %add3A_611 = arith.constant 256 : i32
        %add3A_612 = arith.addi %add3A_611, %scan3A_529 : i32
        %swap3A_613 = arith.index_cast %add3A_612 : i32 to index
        %swap3A_614 = arith.constant 96 : index
        %swap3A_615 = tpu.vector_load %arg7[%swap3A_613, %swap3A_614] {strides = array<i32>} : memref<512x128xf32, #tpu.memory_space<vmem>>, vector<16xf32>,
        tpu.vector_store %arg7[%swap3A_613, %swap3A_614], %select_n3A_610 {strides = array<i32>} : memref<512x128xf32, #tpu.memory_space<vmem>>, vector<16xf32>,
        %add3A_616 = arith.constant 256 : i32
        %add3A_617 = arith.addi %add3A_616, %scan3A_529 : i32
        %get3A_618 = arith.index_cast %add3A_617 : i32 to index
        %get3A_619 = arith.constant 112 : index
        %get3A_620 = tpu.vector_load %arg7[%get3A_618, %get3A_619] {strides = array<i32>} : memref<512x128xf32, #tpu.memory_space<vmem>>, vector<16xf32>,
        %select_n3A_621 = arith.select %ne3A_539, %get3A_620, %get3A_15 : vector<16xi1>, vector<16xf32>
        %add3A_622 = arith.constant 256 : i32
        %add3A_623 = arith.addi %add3A_622, %scan3A_529 : i32
        %swap3A_624 = arith.index_cast %add3A_623 : i32 to index
        %swap3A_625 = arith.constant 112 : index
        %swap3A_626 = tpu.vector_load %arg7[%swap3A_624, %swap3A_625] {strides = array<i32>} : memref<512x128xf32, #tpu.memory_space<vmem>>, vector<16xf32>,
        tpu.vector_store %arg7[%swap3A_624, %swap3A_625], %select_n3A_621 {strides = array<i32>} : memref<512x128xf32, #tpu.memory_space<vmem>>, vector<16xf32>,
        %scan3A_627 = arith.constant 0 : i32
        scf.yield %scan3A_627 : i32
      }
      %scan3A_524 = arith.constant 256 : i32
      %mul3A_525 = arith.constant 20000 : i32
      %mul3A_526 = arith.muli %select_n3A_430, %mul3A_525 : i32
      %multiple_of3A_527 = tpu.assume_multiple %mul3A_526, 8 : i32
      %add3A_528 = arith.addi %multiple_of3A_527, %multiple_of3A_449 : i32
      "tpu.region"() ({
        %run_scoped3A = tpu.sem_alloc : memref<!tpu.dma_semaphore, #tpu.memory_space<semaphore_mem>>
        %dma_start3A = arith.constant 256 : i32
        %dma_start3A_529 = arith.constant 0 : i32
        %dma_start3A_530 = tpu.memref_slice %arg7[%dma_start3A, %dma_start3A_529] : memref<512x128xf32, #tpu.memory_space<vmem>> -> memref<256x128xf32, #tpu.memory_space<vmem>>
        %dma_start3A_531 = arith.constant 0 : i32
        %dma_start3A_532 = tpu.memref_slice %arg6[%add3A_528, %dma_start3A_531] : memref<40000x128xf32, #tpu.memory_space<hbm>> -> memref<256x128xf32, #tpu.memory_space<hbm>>
        %dma_start3A_533 = arith.constant 0 : i32
        %dma_start3A_534 = tpu.memref_slice %arg6[%add3A_528, %dma_start3A_533] : memref<40000x128xf32, #tpu.memory_space<hbm>> -> memref<256x128xf32, #tpu.memory_space<hbm>>
        %dma_start3A_535 = arith.constant 256 : i32
        %dma_start3A_536 = arith.constant 0 : i32
        %dma_start3A_537 = tpu.memref_slice %arg7[%dma_start3A_535, %dma_start3A_536] : memref<512x128xf32, #tpu.memory_space<vmem>> -> memref<256x128xf32, #tpu.memory_space<vmem>>
        tpu.enqueue_dma source(%dma_start3A_537 : memref<256x128xf32, #tpu.memory_space<vmem>>) target(%dma_start3A_534 : memref<256x128xf32, #tpu.memory_space<hbm>>) target_semaphore(%run_scoped3A : memref<!tpu.dma_semaphore, #tpu.memory_space<semaphore_mem>>)
        %dma_wait3A_538 = arith.constant 256 : i32
        %dma_wait3A_539 = arith.constant 0 : i32
        %dma_wait3A_540 = tpu.memref_slice %arg7[%dma_wait3A_538, %dma_wait3A_539] : memref<512x128xf32, #tpu.memory_space<vmem>> -> memref<256x128xf32, #tpu.memory_space<vmem>>
        %dma_wait3A_541 = arith.constant 0 : i32
        %dma_wait3A_542 = tpu.memref_slice %arg6[%add3A_528, %dma_wait3A_541] : memref<40000x128xf32, #tpu.memory_space<hbm>> -> memref<256x128xf32, #tpu.memory_space<hbm>>
        %dma_wait3A_543 = arith.constant 0 : i32
        %dma_wait3A_544 = tpu.memref_slice %arg6[%add3A_528, %dma_wait3A_543] : memref<40000x128xf32, #tpu.memory_space<hbm>> -> memref<256x128xf32, #tpu.memory_space<hbm>>
        %dma_wait3A_545 = arith.constant 256 : i32
        %dma_wait3A_546 = arith.constant 0 : i32
        %dma_wait3A_547 = tpu.memref_slice %arg7[%dma_wait3A_545, %dma_wait3A_546] : memref<512x128xf32, #tpu.memory_space<vmem>> -> memref<256x128xf32, #tpu.memory_space<vmem>>
        tpu.wait_dma2 semaphore(%run_scoped3A : memref<!tpu.dma_semaphore, #tpu.memory_space<semaphore_mem>>) src(%dma_wait3A_547 : memref<256x128xf32, #tpu.memory_space<vmem>>) dst(%dma_wait3A_544 : memref<256x128xf32, #tpu.memory_space<hbm>>)
        tpu.yield
      }) : () -> ()
    } else {
    }
    %add3A_453 = arith.constant 128 : i32
    %add3A_454 = arith.addi %add3A, %add3A_453 : i32
    %lt3A_455 = arith.constant 156 : i32
    %lt3A_456 = arith.cmpi slt, %add3A_454, %lt3A_455 : i32
    %jit3A_457 = arith.constant 78 : i32
    %div3A_458 = arith.divsi %add3A_454, %jit3A_457 : i32
    %sign3A_459 = arith.constant 0 : i32
    %sign3A_460 = arith.cmpi sgt, %add3A_454, %sign3A_459 : i32
    %sign3A_461 = arith.extui %sign3A_460 : i1 to i32
    %sign3A_462 = arith.constant 0 : i32
    %sign3A_463 = arith.cmpi slt, %add3A_454, %sign3A_462 : i32
    %sign3A_464 = arith.extui %sign3A_463 : i1 to i32
    %sign3A_465 = arith.subi %sign3A_461, %sign3A_464 : i32
    %sign3A_466 = arith.constant 0 : i32
    %sign3A_467 = arith.cmpi sgt, %jit3A_457, %sign3A_466 : i32
    %sign3A_468 = arith.extui %sign3A_467 : i1 to i32
    %sign3A_469 = arith.constant 0 : i32
    %sign3A_470 = arith.cmpi slt, %jit3A_457, %sign3A_469 : i32
    %sign3A_471 = arith.extui %sign3A_470 : i1 to i32
    %sign3A_472 = arith.subi %sign3A_468, %sign3A_471 : i32
    %ne3A_473 = arith.cmpi ne, %sign3A_465, %sign3A_472 : i32
    %rem3A_474 = arith.remsi %add3A_454, %jit3A_457 : i32
    %ne3A_475 = arith.constant 0 : i32
    %ne3A_476 = arith.cmpi ne, %rem3A_474, %ne3A_475 : i32
    %and3A_477 = arith.andi %ne3A_473, %ne3A_476 : i1
    %sub3A_478 = arith.constant 1 : i32
    %sub3A_479 = arith.subi %div3A_458, %sub3A_478 : i32
    %select_n3A_480 = arith.select %and3A_477, %sub3A_479, %div3A_458 : i32
    %jit3A_481 = arith.constant 78 : i32
    %eq3A_482 = arith.constant 0 : i32
    %eq3A_483 = arith.cmpi eq, %jit3A_481, %eq3A_482 : i32
    %jit3A_484 = arith.constant 1 : i32
    %select_n3A_485 = arith.select %eq3A_483, %jit3A_484, %jit3A_481 : i32
    %rem3A_486 = arith.remsi %add3A_454, %select_n3A_485 : i32
    %ne3A_487 = arith.constant 0 : i32
    %ne3A_488 = arith.cmpi ne, %rem3A_486, %ne3A_487 : i32
    %lt3A_489 = arith.constant 0 : i32
    %lt3A_490 = arith.cmpi slt, %rem3A_486, %lt3A_489 : i32
    %lt3A_491 = arith.constant 0 : i32
    %lt3A_492 = arith.cmpi slt, %select_n3A_485, %lt3A_491 : i32
    %ne3A_493 = arith.xori %lt3A_490, %lt3A_492 : i1
    %and3A_494 = arith.andi %ne3A_493, %ne3A_488 : i1
    %add3A_495 = arith.addi %rem3A_486, %select_n3A_485 : i32
    %select_n3A_496 = arith.select %and3A_494, %add3A_495, %rem3A_486 : i32
    %mul3A_497 = arith.constant 256 : i32
    %mul3A_498 = arith.muli %select_n3A_496, %mul3A_497 : i32
    %multiple_of3A_499 = tpu.assume_multiple %mul3A_498, 256 : i32
    %convert_element_type3A_500 = arith.extui %lt3A_456 : i1 to i32
    %cond3A_501 = arith.constant 0 : i32
    %cond3A_502 = arith.cmpi ne, %convert_element_type3A_500, %cond3A_501 : i32
    scf.if %cond3A_502 {
      %dma_wait3A = arith.constant 0 : i32
      %dma_wait3A_508 = arith.constant 0 : i32
      %dma_wait3A_509 = tpu.memref_slice %arg7[%dma_wait3A, %dma_wait3A_508] : memref<512x128xf32, #tpu.memory_space<vmem>> -> memref<256x128xf32, #tpu.memory_space<vmem>>
      %dma_wait3A_510 = arith.constant 0 : i32
      %dma_wait3A_511 = arith.constant 0 : i32
      %dma_wait3A_512 = tpu.memref_slice %arg2[%dma_wait3A_510, %dma_wait3A_511] : memref<204800x128xf32, #tpu.memory_space<hbm>> -> memref<256x128xf32, #tpu.memory_space<hbm>>
      %dma_wait3A_513 = arith.constant 0 : i32
      %dma_wait3A_514 = arith.constant 0 : i32
      %dma_wait3A_515 = tpu.memref_slice %arg7[%dma_wait3A_513, %dma_wait3A_514] : memref<512x128xf32, #tpu.memory_space<vmem>> -> memref<256x128xf32, #tpu.memory_space<vmem>>
      %dma_wait3A_516 = arith.constant 0 : i32
      %dma_wait3A_517 = arith.constant 0 : i32
      %dma_wait3A_518 = tpu.memref_slice %arg2[%dma_wait3A_516, %dma_wait3A_517] : memref<204800x128xf32, #tpu.memory_space<hbm>> -> memref<256x128xf32, #tpu.memory_space<hbm>>
      tpu.wait_dma2 semaphore(%arg11 : memref<!tpu.dma_semaphore, #tpu.memory_space<semaphore_mem>>) src(%dma_wait3A_518 : memref<256x128xf32, #tpu.memory_space<hbm>>) dst(%dma_wait3A_515 : memref<256x128xf32, #tpu.memory_space<vmem>>)
      %scan3A = arith.constant 0 : i32
      %scan3A_519 = arith.constant 0 : i32
      %scan3A_520 = arith.constant 256 : i32
      %scan3A_521 = arith.addi %scan3A_519, %scan3A_520 : i32
      %scan3A_522 = arith.constant 1 : i32
      %scan3A_523 = scf.for %scan3A_529 = %scan3A_519 to %scan3A_521 step %scan3A_522 iter_args(%scan3A_530 = %scan3A) -> (i32)  : i32 {
        %broadcast_in_dim3A = arith.constant 0 : i32
        %broadcast_in_dim3A_531 = vector.broadcast %broadcast_in_dim3A : i32 to vector<16xi32>
        %add3A_532 = arith.constant 0 : i32
        %add3A_533 = vector.broadcast %add3A_532 : i32 to vector<16xi32>
        %add3A_534 = arith.addi %broadcast_in_dim3A_531, %add3A_533 : vector<16xi32>
        %add3A_535 = vector.broadcast %scan3A_529 : i32 to vector<16xi32>
        %add3A_536 = arith.addi %add3A_534, %add3A_535 : vector<16xi32>
        %gather3A = tpu.vector_load_idx %arg10[%add3A_536] : memref<512xi32, #tpu.memory_space<vmem>>[vector<16xi32>], vector<16xi32>,
        %ne3A_537 = arith.constant 0 : i32
        %ne3A_538 = vector.broadcast %ne3A_537 : i32 to vector<16xi32>
        %ne3A_539 = arith.cmpi ne, %gather3A, %ne3A_538 : vector<16xi32>
        %add3A_540 = arith.constant 0 : i32
        %add3A_541 = arith.addi %add3A_540, %scan3A_529 : i32
        %get3A_542 = arith.index_cast %add3A_541 : i32 to index
        %get3A_543 = arith.constant 0 : index
        %get3A_544 = tpu.vector_load %arg7[%get3A_542, %get3A_543] {strides = array<i32>} : memref<512x128xf32, #tpu.memory_space<vmem>>, vector<16xf32>,
        %select_n3A_545 = arith.select %ne3A_539, %get3A_544, %get3A_1 : vector<16xi1>, vector<16xf32>
        %add3A_546 = arith.constant 0 : i32
        %add3A_547 = arith.addi %add3A_546, %scan3A_529 : i32
        %swap3A = arith.index_cast %add3A_547 : i32 to index
        %swap3A_548 = arith.constant 0 : index
        %swap3A_549 = tpu.vector_load %arg7[%swap3A, %swap3A_548] {strides = array<i32>} : memref<512x128xf32, #tpu.memory_space<vmem>>, vector<16xf32>,
        tpu.vector_store %arg7[%swap3A, %swap3A_548], %select_n3A_545 {strides = array<i32>} : memref<512x128xf32, #tpu.memory_space<vmem>>, vector<16xf32>,
        %add3A_550 = arith.constant 0 : i32
        %add3A_551 = arith.addi %add3A_550, %scan3A_529 : i32
        %get3A_552 = arith.index_cast %add3A_551 : i32 to index
        %get3A_553 = arith.constant 16 : index
        %get3A_554 = tpu.vector_load %arg7[%get3A_552, %get3A_553] {strides = array<i32>} : memref<512x128xf32, #tpu.memory_space<vmem>>, vector<16xf32>,
        %select_n3A_555 = arith.select %ne3A_539, %get3A_554, %get3A_3 : vector<16xi1>, vector<16xf32>
        %add3A_556 = arith.constant 0 : i32
        %add3A_557 = arith.addi %add3A_556, %scan3A_529 : i32
        %swap3A_558 = arith.index_cast %add3A_557 : i32 to index
        %swap3A_559 = arith.constant 16 : index
        %swap3A_560 = tpu.vector_load %arg7[%swap3A_558, %swap3A_559] {strides = array<i32>} : memref<512x128xf32, #tpu.memory_space<vmem>>, vector<16xf32>,
        tpu.vector_store %arg7[%swap3A_558, %swap3A_559], %select_n3A_555 {strides = array<i32>} : memref<512x128xf32, #tpu.memory_space<vmem>>, vector<16xf32>,
        %add3A_561 = arith.constant 0 : i32
        %add3A_562 = arith.addi %add3A_561, %scan3A_529 : i32
        %get3A_563 = arith.index_cast %add3A_562 : i32 to index
        %get3A_564 = arith.constant 32 : index
        %get3A_565 = tpu.vector_load %arg7[%get3A_563, %get3A_564] {strides = array<i32>} : memref<512x128xf32, #tpu.memory_space<vmem>>, vector<16xf32>,
        %select_n3A_566 = arith.select %ne3A_539, %get3A_565, %get3A_5 : vector<16xi1>, vector<16xf32>
        %add3A_567 = arith.constant 0 : i32
        %add3A_568 = arith.addi %add3A_567, %scan3A_529 : i32
        %swap3A_569 = arith.index_cast %add3A_568 : i32 to index
        %swap3A_570 = arith.constant 32 : index
        %swap3A_571 = tpu.vector_load %arg7[%swap3A_569, %swap3A_570] {strides = array<i32>} : memref<512x128xf32, #tpu.memory_space<vmem>>, vector<16xf32>,
        tpu.vector_store %arg7[%swap3A_569, %swap3A_570], %select_n3A_566 {strides = array<i32>} : memref<512x128xf32, #tpu.memory_space<vmem>>, vector<16xf32>,
        %add3A_572 = arith.constant 0 : i32
        %add3A_573 = arith.addi %add3A_572, %scan3A_529 : i32
        %get3A_574 = arith.index_cast %add3A_573 : i32 to index
        %get3A_575 = arith.constant 48 : index
        %get3A_576 = tpu.vector_load %arg7[%get3A_574, %get3A_575] {strides = array<i32>} : memref<512x128xf32, #tpu.memory_space<vmem>>, vector<16xf32>,
        %select_n3A_577 = arith.select %ne3A_539, %get3A_576, %get3A_7 : vector<16xi1>, vector<16xf32>
        %add3A_578 = arith.constant 0 : i32
        %add3A_579 = arith.addi %add3A_578, %scan3A_529 : i32
        %swap3A_580 = arith.index_cast %add3A_579 : i32 to index
        %swap3A_581 = arith.constant 48 : index
        %swap3A_582 = tpu.vector_load %arg7[%swap3A_580, %swap3A_581] {strides = array<i32>} : memref<512x128xf32, #tpu.memory_space<vmem>>, vector<16xf32>,
        tpu.vector_store %arg7[%swap3A_580, %swap3A_581], %select_n3A_577 {strides = array<i32>} : memref<512x128xf32, #tpu.memory_space<vmem>>, vector<16xf32>,
        %add3A_583 = arith.constant 0 : i32
        %add3A_584 = arith.addi %add3A_583, %scan3A_529 : i32
        %get3A_585 = arith.index_cast %add3A_584 : i32 to index
        %get3A_586 = arith.constant 64 : index
        %get3A_587 = tpu.vector_load %arg7[%get3A_585, %get3A_586] {strides = array<i32>} : memref<512x128xf32, #tpu.memory_space<vmem>>, vector<16xf32>,
        %select_n3A_588 = arith.select %ne3A_539, %get3A_587, %get3A_9 : vector<16xi1>, vector<16xf32>
        %add3A_589 = arith.constant 0 : i32
        %add3A_590 = arith.addi %add3A_589, %scan3A_529 : i32
        %swap3A_591 = arith.index_cast %add3A_590 : i32 to index
        %swap3A_592 = arith.constant 64 : index
        %swap3A_593 = tpu.vector_load %arg7[%swap3A_591, %swap3A_592] {strides = array<i32>} : memref<512x128xf32, #tpu.memory_space<vmem>>, vector<16xf32>,
        tpu.vector_store %arg7[%swap3A_591, %swap3A_592], %select_n3A_588 {strides = array<i32>} : memref<512x128xf32, #tpu.memory_space<vmem>>, vector<16xf32>,
        %add3A_594 = arith.constant 0 : i32
        %add3A_595 = arith.addi %add3A_594, %scan3A_529 : i32
        %get3A_596 = arith.index_cast %add3A_595 : i32 to index
        %get3A_597 = arith.constant 80 : index
        %get3A_598 = tpu.vector_load %arg7[%get3A_596, %get3A_597] {strides = array<i32>} : memref<512x128xf32, #tpu.memory_space<vmem>>, vector<16xf32>,
        %select_n3A_599 = arith.select %ne3A_539, %get3A_598, %get3A_11 : vector<16xi1>, vector<16xf32>
        %add3A_600 = arith.constant 0 : i32
        %add3A_601 = arith.addi %add3A_600, %scan3A_529 : i32
        %swap3A_602 = arith.index_cast %add3A_601 : i32 to index
        %swap3A_603 = arith.constant 80 : index
        %swap3A_604 = tpu.vector_load %arg7[%swap3A_602, %swap3A_603] {strides = array<i32>} : memref<512x128xf32, #tpu.memory_space<vmem>>, vector<16xf32>,
        tpu.vector_store %arg7[%swap3A_602, %swap3A_603], %select_n3A_599 {strides = array<i32>} : memref<512x128xf32, #tpu.memory_space<vmem>>, vector<16xf32>,
        %add3A_605 = arith.constant 0 : i32
        %add3A_606 = arith.addi %add3A_605, %scan3A_529 : i32
        %get3A_607 = arith.index_cast %add3A_606 : i32 to index
        %get3A_608 = arith.constant 96 : index
        %get3A_609 = tpu.vector_load %arg7[%get3A_607, %get3A_608] {strides = array<i32>} : memref<512x128xf32, #tpu.memory_space<vmem>>, vector<16xf32>,
        %select_n3A_610 = arith.select %ne3A_539, %get3A_609, %get3A_13 : vector<16xi1>, vector<16xf32>
        %add3A_611 = arith.constant 0 : i32
        %add3A_612 = arith.addi %add3A_611, %scan3A_529 : i32
        %swap3A_613 = arith.index_cast %add3A_612 : i32 to index
        %swap3A_614 = arith.constant 96 : index
        %swap3A_615 = tpu.vector_load %arg7[%swap3A_613, %swap3A_614] {strides = array<i32>} : memref<512x128xf32, #tpu.memory_space<vmem>>, vector<16xf32>,
        tpu.vector_store %arg7[%swap3A_613, %swap3A_614], %select_n3A_610 {strides = array<i32>} : memref<512x128xf32, #tpu.memory_space<vmem>>, vector<16xf32>,
        %add3A_616 = arith.constant 0 : i32
        %add3A_617 = arith.addi %add3A_616, %scan3A_529 : i32
        %get3A_618 = arith.index_cast %add3A_617 : i32 to index
        %get3A_619 = arith.constant 112 : index
        %get3A_620 = tpu.vector_load %arg7[%get3A_618, %get3A_619] {strides = array<i32>} : memref<512x128xf32, #tpu.memory_space<vmem>>, vector<16xf32>,
        %select_n3A_621 = arith.select %ne3A_539, %get3A_620, %get3A_15 : vector<16xi1>, vector<16xf32>
        %add3A_622 = arith.constant 0 : i32
        %add3A_623 = arith.addi %add3A_622, %scan3A_529 : i32
        %swap3A_624 = arith.index_cast %add3A_623 : i32 to index
        %swap3A_625 = arith.constant 112 : index
        %swap3A_626 = tpu.vector_load %arg7[%swap3A_624, %swap3A_625] {strides = array<i32>} : memref<512x128xf32, #tpu.memory_space<vmem>>, vector<16xf32>,
        tpu.vector_store %arg7[%swap3A_624, %swap3A_625], %select_n3A_621 {strides = array<i32>} : memref<512x128xf32, #tpu.memory_space<vmem>>, vector<16xf32>,
        %scan3A_627 = arith.constant 0 : i32
        scf.yield %scan3A_627 : i32
      }
      %scan3A_524 = arith.constant 256 : i32
      %mul3A_525 = arith.constant 20000 : i32
      %mul3A_526 = arith.muli %select_n3A_480, %mul3A_525 : i32
      %multiple_of3A_527 = tpu.assume_multiple %mul3A_526, 8 : i32
      %add3A_528 = arith.addi %multiple_of3A_527, %multiple_of3A_499 : i32
      "tpu.region"() ({
        %run_scoped3A = tpu.sem_alloc : memref<!tpu.dma_semaphore, #tpu.memory_space<semaphore_mem>>
        %dma_start3A = arith.constant 0 : i32
        %dma_start3A_529 = arith.constant 0 : i32
        %dma_start3A_530 = tpu.memref_slice %arg7[%dma_start3A, %dma_start3A_529] : memref<512x128xf32, #tpu.memory_space<vmem>> -> memref<256x128xf32, #tpu.memory_space<vmem>>
        %dma_start3A_531 = arith.constant 0 : i32
        %dma_start3A_532 = tpu.memref_slice %arg6[%add3A_528, %dma_start3A_531] : memref<40000x128xf32, #tpu.memory_space<hbm>> -> memref<256x128xf32, #tpu.memory_space<hbm>>
        %dma_start3A_533 = arith.constant 0 : i32
        %dma_start3A_534 = tpu.memref_slice %arg6[%add3A_528, %dma_start3A_533] : memref<40000x128xf32, #tpu.memory_space<hbm>> -> memref<256x128xf32, #tpu.memory_space<hbm>>
        %dma_start3A_535 = arith.constant 0 : i32
        %dma_start3A_536 = arith.constant 0 : i32
        %dma_start3A_537 = tpu.memref_slice %arg7[%dma_start3A_535, %dma_start3A_536] : memref<512x128xf32, #tpu.memory_space<vmem>> -> memref<256x128xf32, #tpu.memory_space<vmem>>
        tpu.enqueue_dma source(%dma_start3A_537 : memref<256x128xf32, #tpu.memory_space<vmem>>) target(%dma_start3A_534 : memref<256x128xf32, #tpu.memory_space<hbm>>) target_semaphore(%run_scoped3A : memref<!tpu.dma_semaphore, #tpu.memory_space<semaphore_mem>>)
        %dma_wait3A_538 = arith.constant 0 : i32
        %dma_wait3A_539 = arith.constant 0 : i32
        %dma_wait3A_540 = tpu.memref_slice %arg7[%dma_wait3A_538, %dma_wait3A_539] : memref<512x128xf32, #tpu.memory_space<vmem>> -> memref<256x128xf32, #tpu.memory_space<vmem>>
        %dma_wait3A_541 = arith.constant 0 : i32
        %dma_wait3A_542 = tpu.memref_slice %arg6[%add3A_528, %dma_wait3A_541] : memref<40000x128xf32, #tpu.memory_space<hbm>> -> memref<256x128xf32, #tpu.memory_space<hbm>>
        %dma_wait3A_543 = arith.constant 0 : i32
        %dma_wait3A_544 = tpu.memref_slice %arg6[%add3A_528, %dma_wait3A_543] : memref<40000x128xf32, #tpu.memory_space<hbm>> -> memref<256x128xf32, #tpu.memory_space<hbm>>
        %dma_wait3A_545 = arith.constant 0 : i32
        %dma_wait3A_546 = arith.constant 0 : i32
        %dma_wait3A_547 = tpu.memref_slice %arg7[%dma_wait3A_545, %dma_wait3A_546] : memref<512x128xf32, #tpu.memory_space<vmem>> -> memref<256x128xf32, #tpu.memory_space<vmem>>
        tpu.wait_dma2 semaphore(%run_scoped3A : memref<!tpu.dma_semaphore, #tpu.memory_space<semaphore_mem>>) src(%dma_wait3A_547 : memref<256x128xf32, #tpu.memory_space<vmem>>) dst(%dma_wait3A_544 : memref<256x128xf32, #tpu.memory_space<hbm>>)
        tpu.yield
      }) : () -> ()
    } else {
    }
    %lt3A_503 = arith.constant 2 : i32
    %lt3A_504 = arith.cmpi slt, %add3A, %lt3A_503 : i32
    %convert_element_type3A_505 = arith.extui %lt3A_504 : i1 to i32
    %cond3A_506 = arith.constant 0 : i32
    %cond3A_507 = arith.cmpi ne, %convert_element_type3A_505, %cond3A_506 : i32
    scf.if %cond3A_507 {
      %run_scoped3A = arith.constant 0 : i32
      "tpu.region"() ({
        %run_scoped3A_548 = tpu.sem_alloc : memref<!tpu.dma_semaphore, #tpu.memory_space<semaphore_mem>>
        %dma_start3A_549 = arith.constant 0 : i32
        %dma_start3A_550 = tpu.memref_slice %arg8[%dma_start3A_549] : memref<256xi32, #tpu.memory_space<vmem>> -> memref<32xi32, #tpu.memory_space<vmem>>
        %dma_start3A_551 = arith.constant 19968 : i32
        %dma_start3A_552 = tpu.memref_slice %arg3[%add3A, %run_scoped3A, %dma_start3A_551] : memref<2x1x20480xi32, #tpu.memory_space<hbm>> -> memref<1x1x32xi32, #tpu.memory_space<hbm>>
        %dma_start3A_553 = tpu.memref_squeeze %dma_start3A_552 : memref<1x1x32xi32, #tpu.memory_space<hbm>> -> memref<32xi32, #tpu.memory_space<hbm>>
        %dma_start3A_554 = arith.constant 0 : i32
        %dma_start3A_555 = tpu.memref_slice %arg8[%dma_start3A_554] : memref<256xi32, #tpu.memory_space<vmem>> -> memref<32xi32, #tpu.memory_space<vmem>>
        %dma_start3A_556 = arith.constant 19968 : i32
        %dma_start3A_557 = tpu.memref_slice %arg3[%add3A, %run_scoped3A, %dma_start3A_556] : memref<2x1x20480xi32, #tpu.memory_space<hbm>> -> memref<1x1x32xi32, #tpu.memory_space<hbm>>
        %dma_start3A_558 = tpu.memref_squeeze %dma_start3A_557 : memref<1x1x32xi32, #tpu.memory_space<hbm>> -> memref<32xi32, #tpu.memory_space<hbm>>
        tpu.enqueue_dma source(%dma_start3A_558 : memref<32xi32, #tpu.memory_space<hbm>>) target(%dma_start3A_555 : memref<32xi32, #tpu.memory_space<vmem>>) target_semaphore(%run_scoped3A_548 : memref<!tpu.dma_semaphore, #tpu.memory_space<semaphore_mem>>)
        %dma_wait3A_559 = arith.constant 0 : i32
        %dma_wait3A_560 = tpu.memref_slice %arg8[%dma_wait3A_559] : memref<256xi32, #tpu.memory_space<vmem>> -> memref<32xi32, #tpu.memory_space<vmem>>
        %dma_wait3A_561 = arith.constant 19968 : i32
        %dma_wait3A_562 = tpu.memref_slice %arg3[%add3A, %run_scoped3A, %dma_wait3A_561] : memref<2x1x20480xi32, #tpu.memory_space<hbm>> -> memref<1x1x32xi32, #tpu.memory_space<hbm>>
        %dma_wait3A_563 = tpu.memref_squeeze %dma_wait3A_562 : memref<1x1x32xi32, #tpu.memory_space<hbm>> -> memref<32xi32, #tpu.memory_space<hbm>>
        %dma_wait3A_564 = arith.constant 0 : i32
        %dma_wait3A_565 = tpu.memref_slice %arg8[%dma_wait3A_564] : memref<256xi32, #tpu.memory_space<vmem>> -> memref<32xi32, #tpu.memory_space<vmem>>
        %dma_wait3A_566 = arith.constant 19968 : i32
        %dma_wait3A_567 = tpu.memref_slice %arg3[%add3A, %run_scoped3A, %dma_wait3A_566] : memref<2x1x20480xi32, #tpu.memory_space<hbm>> -> memref<1x1x32xi32, #tpu.memory_space<hbm>>
        %dma_wait3A_568 = tpu.memref_squeeze %dma_wait3A_567 : memref<1x1x32xi32, #tpu.memory_space<hbm>> -> memref<32xi32, #tpu.memory_space<hbm>>
        tpu.wait_dma2 semaphore(%run_scoped3A_548 : memref<!tpu.dma_semaphore, #tpu.memory_space<semaphore_mem>>) src(%dma_wait3A_568 : memref<32xi32, #tpu.memory_space<hbm>>) dst(%dma_wait3A_565 : memref<32xi32, #tpu.memory_space<vmem>>)
        tpu.yield
      }) : () -> ()
      %run_scoped3A_508 = arith.constant 0 : i32
      "tpu.region"() ({
        %run_scoped3A_548 = tpu.sem_alloc : memref<!tpu.dma_semaphore, #tpu.memory_space<semaphore_mem>>
        %dma_start3A_549 = arith.constant 0 : i32
        %dma_start3A_550 = tpu.memref_slice %arg10[%dma_start3A_549] : memref<512xi32, #tpu.memory_space<vmem>> -> memref<32xi32, #tpu.memory_space<vmem>>
        %dma_start3A_551 = arith.constant 19968 : i32
        %dma_start3A_552 = tpu.memref_slice %arg4[%add3A, %run_scoped3A_508, %dma_start3A_551] : memref<2x1x20480xi32, #tpu.memory_space<hbm>> -> memref<1x1x32xi32, #tpu.memory_space<hbm>>
        %dma_start3A_553 = tpu.memref_squeeze %dma_start3A_552 : memref<1x1x32xi32, #tpu.memory_space<hbm>> -> memref<32xi32, #tpu.memory_space<hbm>>
        %dma_start3A_554 = arith.constant 0 : i32
        %dma_start3A_555 = tpu.memref_slice %arg10[%dma_start3A_554] : memref<512xi32, #tpu.memory_space<vmem>> -> memref<32xi32, #tpu.memory_space<vmem>>
        %dma_start3A_556 = arith.constant 19968 : i32
        %dma_start3A_557 = tpu.memref_slice %arg4[%add3A, %run_scoped3A_508, %dma_start3A_556] : memref<2x1x20480xi32, #tpu.memory_space<hbm>> -> memref<1x1x32xi32, #tpu.memory_space<hbm>>
        %dma_start3A_558 = tpu.memref_squeeze %dma_start3A_557 : memref<1x1x32xi32, #tpu.memory_space<hbm>> -> memref<32xi32, #tpu.memory_space<hbm>>
        tpu.enqueue_dma source(%dma_start3A_558 : memref<32xi32, #tpu.memory_space<hbm>>) target(%dma_start3A_555 : memref<32xi32, #tpu.memory_space<vmem>>) target_semaphore(%run_scoped3A_548 : memref<!tpu.dma_semaphore, #tpu.memory_space<semaphore_mem>>)
        %dma_wait3A_559 = arith.constant 0 : i32
        %dma_wait3A_560 = tpu.memref_slice %arg10[%dma_wait3A_559] : memref<512xi32, #tpu.memory_space<vmem>> -> memref<32xi32, #tpu.memory_space<vmem>>
        %dma_wait3A_561 = arith.constant 19968 : i32
        %dma_wait3A_562 = tpu.memref_slice %arg4[%add3A, %run_scoped3A_508, %dma_wait3A_561] : memref<2x1x20480xi32, #tpu.memory_space<hbm>> -> memref<1x1x32xi32, #tpu.memory_space<hbm>>
        %dma_wait3A_563 = tpu.memref_squeeze %dma_wait3A_562 : memref<1x1x32xi32, #tpu.memory_space<hbm>> -> memref<32xi32, #tpu.memory_space<hbm>>
        %dma_wait3A_564 = arith.constant 0 : i32
        %dma_wait3A_565 = tpu.memref_slice %arg10[%dma_wait3A_564] : memref<512xi32, #tpu.memory_space<vmem>> -> memref<32xi32, #tpu.memory_space<vmem>>
        %dma_wait3A_566 = arith.constant 19968 : i32
        %dma_wait3A_567 = tpu.memref_slice %arg4[%add3A, %run_scoped3A_508, %dma_wait3A_566] : memref<2x1x20480xi32, #tpu.memory_space<hbm>> -> memref<1x1x32xi32, #tpu.memory_space<hbm>>
        %dma_wait3A_568 = tpu.memref_squeeze %dma_wait3A_567 : memref<1x1x32xi32, #tpu.memory_space<hbm>> -> memref<32xi32, #tpu.memory_space<hbm>>
        tpu.wait_dma2 semaphore(%run_scoped3A_548 : memref<!tpu.dma_semaphore, #tpu.memory_space<semaphore_mem>>) src(%dma_wait3A_568 : memref<32xi32, #tpu.memory_space<hbm>>) dst(%dma_wait3A_565 : memref<32xi32, #tpu.memory_space<vmem>>)
        tpu.yield
      }) : () -> ()
      %get3A_509 = arith.constant 0 : index
      %get3A_510 = tpu.vector_load %arg8[%get3A_509] {strides = array<i32>} : memref<256xi32, #tpu.memory_space<vmem>>, vector<16xi32>,
      %dma_start3A = arith.constant 0 : i32
      %dma_start3A_511 = arith.constant 0 : i32
      %dma_start3A_512 = tpu.memref_slice %arg7[%dma_start3A, %dma_start3A_511] : memref<512x128xf32, #tpu.memory_space<vmem>> -> memref<16x128xf32, #tpu.memory_space<vmem>>
      %dma_start3A_513 = arith.constant 0 : i32
      %dma_start3A_514 = arith.constant 0 : i32
      %dma_start3A_515 = tpu.memref_slice %arg2[%dma_start3A_513, %dma_start3A_514] : memref<204800x128xf32, #tpu.memory_space<hbm>> -> memref<204800x128xf32, #tpu.memory_space<hbm>>
      %dma_start3A_516 = arith.constant -1 : i32
      tpu.enqueue_indirect_dma source(%dma_start3A_515 : memref<204800x128xf32, #tpu.memory_space<hbm>>) target(%dma_start3A_512 : memref<16x128xf32, #tpu.memory_space<vmem>>) offsets(%get3A_510 : vector<16xi32>) offset_filter(%dma_start3A_516) semaphore(%arg11 : memref<!tpu.dma_semaphore, #tpu.memory_space<semaphore_mem>>)
      %get3A_517 = arith.constant 16 : index
      %get3A_518 = tpu.vector_load %arg8[%get3A_517] {strides = array<i32>} : memref<256xi32, #tpu.memory_space<vmem>>, vector<16xi32>,
      %dma_start3A_519 = arith.constant 16 : i32
      %dma_start3A_520 = arith.constant 0 : i32
      %dma_start3A_521 = tpu.memref_slice %arg7[%dma_start3A_519, %dma_start3A_520] : memref<512x128xf32, #tpu.memory_space<vmem>> -> memref<16x128xf32, #tpu.memory_space<vmem>>
      %dma_start3A_522 = arith.constant 0 : i32
      %dma_start3A_523 = arith.constant 0 : i32
      %dma_start3A_524 = tpu.memref_slice %arg2[%dma_start3A_522, %dma_start3A_523] : memref<204800x128xf32, #tpu.memory_space<hbm>> -> memref<204800x128xf32, #tpu.memory_space<hbm>>
      %dma_start3A_525 = arith.constant -1 : i32
      tpu.enqueue_indirect_dma source(%dma_start3A_524 : memref<204800x128xf32, #tpu.memory_space<hbm>>) target(%dma_start3A_521 : memref<16x128xf32, #tpu.memory_space<vmem>>) offsets(%get3A_518 : vector<16xi32>) offset_filter(%dma_start3A_525) semaphore(%arg11 : memref<!tpu.dma_semaphore, #tpu.memory_space<semaphore_mem>>)
      %dma_wait3A = arith.constant 0 : i32
      %dma_wait3A_526 = arith.constant 0 : i32
      %dma_wait3A_527 = tpu.memref_slice %arg7[%dma_wait3A, %dma_wait3A_526] : memref<512x128xf32, #tpu.memory_space<vmem>> -> memref<32x128xf32, #tpu.memory_space<vmem>>
      %dma_wait3A_528 = arith.constant 0 : i32
      %dma_wait3A_529 = arith.constant 0 : i32
      %dma_wait3A_530 = tpu.memref_slice %arg2[%dma_wait3A_528, %dma_wait3A_529] : memref<204800x128xf32, #tpu.memory_space<hbm>> -> memref<32x128xf32, #tpu.memory_space<hbm>>
      %dma_wait3A_531 = arith.constant 0 : i32
      %dma_wait3A_532 = arith.constant 0 : i32
      %dma_wait3A_533 = tpu.memref_slice %arg7[%dma_wait3A_531, %dma_wait3A_532] : memref<512x128xf32, #tpu.memory_space<vmem>> -> memref<32x128xf32, #tpu.memory_space<vmem>>
      %dma_wait3A_534 = arith.constant 0 : i32
      %dma_wait3A_535 = arith.constant 0 : i32
      %dma_wait3A_536 = tpu.memref_slice %arg2[%dma_wait3A_534, %dma_wait3A_535] : memref<204800x128xf32, #tpu.memory_space<hbm>> -> memref<32x128xf32, #tpu.memory_space<hbm>>
      tpu.wait_dma2 semaphore(%arg11 : memref<!tpu.dma_semaphore, #tpu.memory_space<semaphore_mem>>) src(%dma_wait3A_536 : memref<32x128xf32, #tpu.memory_space<hbm>>) dst(%dma_wait3A_533 : memref<32x128xf32, #tpu.memory_space<vmem>>)
      %scan3A = arith.constant 0 : i32
      %scan3A_537 = arith.constant 0 : i32
      %scan3A_538 = arith.constant 32 : i32
      %scan3A_539 = arith.addi %scan3A_537, %scan3A_538 : i32
      %scan3A_540 = arith.constant 1 : i32
      %scan3A_541 = scf.for %scan3A_548 = %scan3A_537 to %scan3A_539 step %scan3A_540 iter_args(%scan3A_549 = %scan3A) -> (i32)  : i32 {
        %broadcast_in_dim3A = arith.constant 0 : i32
        %broadcast_in_dim3A_550 = vector.broadcast %broadcast_in_dim3A : i32 to vector<16xi32>
        %add3A_551 = arith.constant 0 : i32
        %add3A_552 = vector.broadcast %add3A_551 : i32 to vector<16xi32>
        %add3A_553 = arith.addi %broadcast_in_dim3A_550, %add3A_552 : vector<16xi32>
        %add3A_554 = vector.broadcast %scan3A_548 : i32 to vector<16xi32>
        %add3A_555 = arith.addi %add3A_553, %add3A_554 : vector<16xi32>
        %gather3A = tpu.vector_load_idx %arg10[%add3A_555] : memref<512xi32, #tpu.memory_space<vmem>>[vector<16xi32>], vector<16xi32>,
        %ne3A_556 = arith.constant 0 : i32
        %ne3A_557 = vector.broadcast %ne3A_556 : i32 to vector<16xi32>
        %ne3A_558 = arith.cmpi ne, %gather3A, %ne3A_557 : vector<16xi32>
        %add3A_559 = arith.constant 0 : i32
        %add3A_560 = arith.addi %add3A_559, %scan3A_548 : i32
        %get3A_561 = arith.index_cast %add3A_560 : i32 to index
        %get3A_562 = arith.constant 0 : index
        %get3A_563 = tpu.vector_load %arg7[%get3A_561, %get3A_562] {strides = array<i32>} : memref<512x128xf32, #tpu.memory_space<vmem>>, vector<16xf32>,
        %select_n3A_564 = arith.select %ne3A_558, %get3A_563, %get3A_1 : vector<16xi1>, vector<16xf32>
        %add3A_565 = arith.constant 0 : i32
        %add3A_566 = arith.addi %add3A_565, %scan3A_548 : i32
        %swap3A = arith.index_cast %add3A_566 : i32 to index
        %swap3A_567 = arith.constant 0 : index
        %swap3A_568 = tpu.vector_load %arg7[%swap3A, %swap3A_567] {strides = array<i32>} : memref<512x128xf32, #tpu.memory_space<vmem>>, vector<16xf32>,
        tpu.vector_store %arg7[%swap3A, %swap3A_567], %select_n3A_564 {strides = array<i32>} : memref<512x128xf32, #tpu.memory_space<vmem>>, vector<16xf32>,
        %add3A_569 = arith.constant 0 : i32
        %add3A_570 = arith.addi %add3A_569, %scan3A_548 : i32
        %get3A_571 = arith.index_cast %add3A_570 : i32 to index
        %get3A_572 = arith.constant 16 : index
        %get3A_573 = tpu.vector_load %arg7[%get3A_571, %get3A_572] {strides = array<i32>} : memref<512x128xf32, #tpu.memory_space<vmem>>, vector<16xf32>,
        %select_n3A_574 = arith.select %ne3A_558, %get3A_573, %get3A_3 : vector<16xi1>, vector<16xf32>
        %add3A_575 = arith.constant 0 : i32
        %add3A_576 = arith.addi %add3A_575, %scan3A_548 : i32
        %swap3A_577 = arith.index_cast %add3A_576 : i32 to index
        %swap3A_578 = arith.constant 16 : index
        %swap3A_579 = tpu.vector_load %arg7[%swap3A_577, %swap3A_578] {strides = array<i32>} : memref<512x128xf32, #tpu.memory_space<vmem>>, vector<16xf32>,
        tpu.vector_store %arg7[%swap3A_577, %swap3A_578], %select_n3A_574 {strides = array<i32>} : memref<512x128xf32, #tpu.memory_space<vmem>>, vector<16xf32>,
        %add3A_580 = arith.constant 0 : i32
        %add3A_581 = arith.addi %add3A_580, %scan3A_548 : i32
        %get3A_582 = arith.index_cast %add3A_581 : i32 to index
        %get3A_583 = arith.constant 32 : index
        %get3A_584 = tpu.vector_load %arg7[%get3A_582, %get3A_583] {strides = array<i32>} : memref<512x128xf32, #tpu.memory_space<vmem>>, vector<16xf32>,
        %select_n3A_585 = arith.select %ne3A_558, %get3A_584, %get3A_5 : vector<16xi1>, vector<16xf32>
        %add3A_586 = arith.constant 0 : i32
        %add3A_587 = arith.addi %add3A_586, %scan3A_548 : i32
        %swap3A_588 = arith.index_cast %add3A_587 : i32 to index
        %swap3A_589 = arith.constant 32 : index
        %swap3A_590 = tpu.vector_load %arg7[%swap3A_588, %swap3A_589] {strides = array<i32>} : memref<512x128xf32, #tpu.memory_space<vmem>>, vector<16xf32>,
        tpu.vector_store %arg7[%swap3A_588, %swap3A_589], %select_n3A_585 {strides = array<i32>} : memref<512x128xf32, #tpu.memory_space<vmem>>, vector<16xf32>,
        %add3A_591 = arith.constant 0 : i32
        %add3A_592 = arith.addi %add3A_591, %scan3A_548 : i32
        %get3A_593 = arith.index_cast %add3A_592 : i32 to index
        %get3A_594 = arith.constant 48 : index
        %get3A_595 = tpu.vector_load %arg7[%get3A_593, %get3A_594] {strides = array<i32>} : memref<512x128xf32, #tpu.memory_space<vmem>>, vector<16xf32>,
        %select_n3A_596 = arith.select %ne3A_558, %get3A_595, %get3A_7 : vector<16xi1>, vector<16xf32>
        %add3A_597 = arith.constant 0 : i32
        %add3A_598 = arith.addi %add3A_597, %scan3A_548 : i32
        %swap3A_599 = arith.index_cast %add3A_598 : i32 to index
        %swap3A_600 = arith.constant 48 : index
        %swap3A_601 = tpu.vector_load %arg7[%swap3A_599, %swap3A_600] {strides = array<i32>} : memref<512x128xf32, #tpu.memory_space<vmem>>, vector<16xf32>,
        tpu.vector_store %arg7[%swap3A_599, %swap3A_600], %select_n3A_596 {strides = array<i32>} : memref<512x128xf32, #tpu.memory_space<vmem>>, vector<16xf32>,
        %add3A_602 = arith.constant 0 : i32
        %add3A_603 = arith.addi %add3A_602, %scan3A_548 : i32
        %get3A_604 = arith.index_cast %add3A_603 : i32 to index
        %get3A_605 = arith.constant 64 : index
        %get3A_606 = tpu.vector_load %arg7[%get3A_604, %get3A_605] {strides = array<i32>} : memref<512x128xf32, #tpu.memory_space<vmem>>, vector<16xf32>,
        %select_n3A_607 = arith.select %ne3A_558, %get3A_606, %get3A_9 : vector<16xi1>, vector<16xf32>
        %add3A_608 = arith.constant 0 : i32
        %add3A_609 = arith.addi %add3A_608, %scan3A_548 : i32
        %swap3A_610 = arith.index_cast %add3A_609 : i32 to index
        %swap3A_611 = arith.constant 64 : index
        %swap3A_612 = tpu.vector_load %arg7[%swap3A_610, %swap3A_611] {strides = array<i32>} : memref<512x128xf32, #tpu.memory_space<vmem>>, vector<16xf32>,
        tpu.vector_store %arg7[%swap3A_610, %swap3A_611], %select_n3A_607 {strides = array<i32>} : memref<512x128xf32, #tpu.memory_space<vmem>>, vector<16xf32>,
        %add3A_613 = arith.constant 0 : i32
        %add3A_614 = arith.addi %add3A_613, %scan3A_548 : i32
        %get3A_615 = arith.index_cast %add3A_614 : i32 to index
        %get3A_616 = arith.constant 80 : index
        %get3A_617 = tpu.vector_load %arg7[%get3A_615, %get3A_616] {strides = array<i32>} : memref<512x128xf32, #tpu.memory_space<vmem>>, vector<16xf32>,
        %select_n3A_618 = arith.select %ne3A_558, %get3A_617, %get3A_11 : vector<16xi1>, vector<16xf32>
        %add3A_619 = arith.constant 0 : i32
        %add3A_620 = arith.addi %add3A_619, %scan3A_548 : i32
        %swap3A_621 = arith.index_cast %add3A_620 : i32 to index
        %swap3A_622 = arith.constant 80 : index
        %swap3A_623 = tpu.vector_load %arg7[%swap3A_621, %swap3A_622] {strides = array<i32>} : memref<512x128xf32, #tpu.memory_space<vmem>>, vector<16xf32>,
        tpu.vector_store %arg7[%swap3A_621, %swap3A_622], %select_n3A_618 {strides = array<i32>} : memref<512x128xf32, #tpu.memory_space<vmem>>, vector<16xf32>,
        %add3A_624 = arith.constant 0 : i32
        %add3A_625 = arith.addi %add3A_624, %scan3A_548 : i32
        %get3A_626 = arith.index_cast %add3A_625 : i32 to index
        %get3A_627 = arith.constant 96 : index
        %get3A_628 = tpu.vector_load %arg7[%get3A_626, %get3A_627] {strides = array<i32>} : memref<512x128xf32, #tpu.memory_space<vmem>>, vector<16xf32>,
        %select_n3A_629 = arith.select %ne3A_558, %get3A_628, %get3A_13 : vector<16xi1>, vector<16xf32>
        %add3A_630 = arith.constant 0 : i32
        %add3A_631 = arith.addi %add3A_630, %scan3A_548 : i32
        %swap3A_632 = arith.index_cast %add3A_631 : i32 to index
        %swap3A_633 = arith.constant 96 : index
        %swap3A_634 = tpu.vector_load %arg7[%swap3A_632, %swap3A_633] {strides = array<i32>} : memref<512x128xf32, #tpu.memory_space<vmem>>, vector<16xf32>,
        tpu.vector_store %arg7[%swap3A_632, %swap3A_633], %select_n3A_629 {strides = array<i32>} : memref<512x128xf32, #tpu.memory_space<vmem>>, vector<16xf32>,
        %add3A_635 = arith.constant 0 : i32
        %add3A_636 = arith.addi %add3A_635, %scan3A_548 : i32
        %get3A_637 = arith.index_cast %add3A_636 : i32 to index
        %get3A_638 = arith.constant 112 : index
        %get3A_639 = tpu.vector_load %arg7[%get3A_637, %get3A_638] {strides = array<i32>} : memref<512x128xf32, #tpu.memory_space<vmem>>, vector<16xf32>,
        %select_n3A_640 = arith.select %ne3A_558, %get3A_639, %get3A_15 : vector<16xi1>, vector<16xf32>
        %add3A_641 = arith.constant 0 : i32
        %add3A_642 = arith.addi %add3A_641, %scan3A_548 : i32
        %swap3A_643 = arith.index_cast %add3A_642 : i32 to index
        %swap3A_644 = arith.constant 112 : index
        %swap3A_645 = tpu.vector_load %arg7[%swap3A_643, %swap3A_644] {strides = array<i32>} : memref<512x128xf32, #tpu.memory_space<vmem>>, vector<16xf32>,
        tpu.vector_store %arg7[%swap3A_643, %swap3A_644], %select_n3A_640 {strides = array<i32>} : memref<512x128xf32, #tpu.memory_space<vmem>>, vector<16xf32>,
        %scan3A_646 = arith.constant 0 : i32
        scf.yield %scan3A_646 : i32
      }
      %scan3A_542 = arith.constant 32 : i32
      %mul3A_543 = arith.constant 20000 : i32
      %mul3A_544 = arith.muli %add3A, %mul3A_543 : i32
      %multiple_of3A_545 = tpu.assume_multiple %mul3A_544, 8 : i32
      %add3A_546 = arith.constant 19968 : i32
      %add3A_547 = arith.addi %multiple_of3A_545, %add3A_546 : i32
      "tpu.region"() ({
        %run_scoped3A_548 = tpu.sem_alloc : memref<!tpu.dma_semaphore, #tpu.memory_space<semaphore_mem>>
        %dma_start3A_549 = arith.constant 0 : i32
        %dma_start3A_550 = arith.constant 0 : i32
        %dma_start3A_551 = tpu.memref_slice %arg7[%dma_start3A_549, %dma_start3A_550] : memref<512x128xf32, #tpu.memory_space<vmem>> -> memref<32x128xf32, #tpu.memory_space<vmem>>
        %dma_start3A_552 = arith.constant 0 : i32
        %dma_start3A_553 = tpu.memref_slice %arg6[%add3A_547, %dma_start3A_552] : memref<40000x128xf32, #tpu.memory_space<hbm>> -> memref<32x128xf32, #tpu.memory_space<hbm>>
        %dma_start3A_554 = arith.constant 0 : i32
        %dma_start3A_555 = tpu.memref_slice %arg6[%add3A_547, %dma_start3A_554] : memref<40000x128xf32, #tpu.memory_space<hbm>> -> memref<32x128xf32, #tpu.memory_space<hbm>>
        %dma_start3A_556 = arith.constant 0 : i32
        %dma_start3A_557 = arith.constant 0 : i32
        %dma_start3A_558 = tpu.memref_slice %arg7[%dma_start3A_556, %dma_start3A_557] : memref<512x128xf32, #tpu.memory_space<vmem>> -> memref<32x128xf32, #tpu.memory_space<vmem>>
        tpu.enqueue_dma source(%dma_start3A_558 : memref<32x128xf32, #tpu.memory_space<vmem>>) target(%dma_start3A_555 : memref<32x128xf32, #tpu.memory_space<hbm>>) target_semaphore(%run_scoped3A_548 : memref<!tpu.dma_semaphore, #tpu.memory_space<semaphore_mem>>)
        %dma_wait3A_559 = arith.constant 0 : i32
        %dma_wait3A_560 = arith.constant 0 : i32
        %dma_wait3A_561 = tpu.memref_slice %arg7[%dma_wait3A_559, %dma_wait3A_560] : memref<512x128xf32, #tpu.memory_space<vmem>> -> memref<32x128xf32, #tpu.memory_space<vmem>>
        %dma_wait3A_562 = arith.constant 0 : i32
        %dma_wait3A_563 = tpu.memref_slice %arg6[%add3A_547, %dma_wait3A_562] : memref<40000x128xf32, #tpu.memory_space<hbm>> -> memref<32x128xf32, #tpu.memory_space<hbm>>
        %dma_wait3A_564 = arith.constant 0 : i32
        %dma_wait3A_565 = tpu.memref_slice %arg6[%add3A_547, %dma_wait3A_564] : memref<40000x128xf32, #tpu.memory_space<hbm>> -> memref<32x128xf32, #tpu.memory_space<hbm>>
        %dma_wait3A_566 = arith.constant 0 : i32
        %dma_wait3A_567 = arith.constant 0 : i32
        %dma_wait3A_568 = tpu.memref_slice %arg7[%dma_wait3A_566, %dma_wait3A_567] : memref<512x128xf32, #tpu.memory_space<vmem>> -> memref<32x128xf32, #tpu.memory_space<vmem>>
        tpu.wait_dma2 semaphore(%run_scoped3A_548 : memref<!tpu.dma_semaphore, #tpu.memory_space<semaphore_mem>>) src(%dma_wait3A_568 : memref<32x128xf32, #tpu.memory_space<vmem>>) dst(%dma_wait3A_565 : memref<32x128xf32, #tpu.memory_space<hbm>>)
        tpu.yield
      }) : () -> ()
    } else {
    }
    return
  }
}

module attributes {stable_mosaic.version = 14 : i64} {
  func.func @_prep_kernel(%arg0: i32, %arg1: memref<1x2x20480xf32, #tpu.memory_space<vmem>>, %arg2: memref<1x1x20480xi32, #tpu.memory_space<vmem>>, %arg3: memref<1x1x20480xi32, #tpu.memory_space<vmem>>) attributes {dimension_semantics = [#tpu.dimension_semantics<arbitrary>], iteration_bounds = array<i64: 2>, scalar_prefetch = 0 : i64, scratch_operands = 0 : i64, tpu.core_type = #tpu.core_type<tc>, window_params = [{transform_indices = @transform_0, window_bounds = array<i64: 1, 2, 20480>}, {transform_indices = @transform_1, window_bounds = array<i64: 1, 1, 20480>}, {transform_indices = @transform_2, window_bounds = array<i64: 1, 1, 20480>}]} {
    %get3A = arith.constant 0 : index
    %get3A_0 = arith.constant 0 : index
    %get3A_1 = arith.constant 0 : index
    %get3A_2 = vector.load %arg1[%get3A, %get3A_0, %get3A_1] : memref<1x2x20480xf32, #tpu.memory_space<vmem>>, vector<1x1x20480xf32>
    %get3A_3 = vector.shape_cast %get3A_2 : vector<1x1x20480xf32> to vector<20480xf32>
    %get3A_4 = arith.constant 0 : index
    %get3A_5 = arith.constant 1 : index
    %get3A_6 = arith.constant 0 : index
    %get3A_7 = vector.load %arg1[%get3A_4, %get3A_5, %get3A_6] : memref<1x2x20480xf32, #tpu.memory_space<vmem>>, vector<1x1x20480xf32>
    %get3A_8 = vector.shape_cast %get3A_7 : vector<1x1x20480xf32> to vector<20480xf32>
    %gt3A = arith.constant -1.000000e+00 : f32
    %gt3A_9 = vector.broadcast %gt3A : f32 to vector<20480xf32>
    %gt3A_10 = arith.cmpf ogt, %get3A_3, %gt3A_9 : vector<20480xf32>
    %lt3A = arith.constant 1.000000e+00 : f32
    %lt3A_11 = vector.broadcast %lt3A : f32 to vector<20480xf32>
    %lt3A_12 = arith.cmpf olt, %get3A_3, %lt3A_11 : vector<20480xf32>
    %and3A = arith.andi %gt3A_10, %lt3A_12 : vector<20480xi1>
    %gt3A_13 = arith.constant -1.000000e+00 : f32
    %gt3A_14 = vector.broadcast %gt3A_13 : f32 to vector<20480xf32>
    %gt3A_15 = arith.cmpf ogt, %get3A_8, %gt3A_14 : vector<20480xf32>
    %and3A_16 = arith.andi %and3A, %gt3A_15 : vector<20480xi1>
    %lt3A_17 = arith.constant 1.000000e+00 : f32
    %lt3A_18 = vector.broadcast %lt3A_17 : f32 to vector<20480xf32>
    %lt3A_19 = arith.cmpf olt, %get3A_8, %lt3A_18 : vector<20480xf32>
    %and3A_20 = arith.andi %and3A_16, %lt3A_19 : vector<20480xi1>
    %jit3A = arith.constant -9.990000e-01 : f32
    %jit3A_21 = arith.constant 9.990000e-01 : f32
    %max3A = vector.broadcast %jit3A : f32 to vector<20480xf32>
    %max3A_22 = arith.maximumf %max3A, %get3A_3 : vector<20480xf32>
    %min3A = vector.broadcast %jit3A_21 : f32 to vector<20480xf32>
    %min3A_23 = arith.minimumf %min3A, %max3A_22 : vector<20480xf32>
    %mul3A = arith.constant 4.000000e+01 : f32
    %mul3A_24 = vector.broadcast %mul3A : f32 to vector<20480xf32>
    %mul3A_25 = arith.mulf %min3A_23, %mul3A_24 : vector<20480xf32>
    %jit3A_26 = arith.constant -9.990000e-01 : f32
    %jit3A_27 = arith.constant 9.990000e-01 : f32
    %max3A_28 = vector.broadcast %jit3A_26 : f32 to vector<20480xf32>
    %max3A_29 = arith.maximumf %max3A_28, %get3A_8 : vector<20480xf32>
    %min3A_30 = vector.broadcast %jit3A_27 : f32 to vector<20480xf32>
    %min3A_31 = arith.minimumf %min3A_30, %max3A_29 : vector<20480xf32>
    %mul3A_32 = arith.constant 4.000000e+01 : f32
    %mul3A_33 = vector.broadcast %mul3A_32 : f32 to vector<20480xf32>
    %mul3A_34 = arith.mulf %min3A_31, %mul3A_33 : vector<20480xf32>
    %sub3A = arith.constant 4.000000e+01 : f32
    %sub3A_35 = vector.broadcast %sub3A : f32 to vector<20480xf32>
    %sub3A_36 = arith.subf %sub3A_35, %mul3A_34 : vector<20480xf32>
    %div3A = arith.constant 2.500000e-01 : f32
    %div3A_37 = vector.broadcast %div3A : f32 to vector<20480xf32>
    %div3A_38 = arith.divf %sub3A_36, %div3A_37 : vector<20480xf32>
    %convert_element_type3A = arith.fptosi %div3A_38 : vector<20480xf32> to vector<20480xi32>
    %add3A = arith.constant 4.000000e+01 : f32
    %add3A_39 = vector.broadcast %add3A : f32 to vector<20480xf32>
    %add3A_40 = arith.addf %add3A_39, %mul3A_25 : vector<20480xf32>
    %div3A_41 = arith.constant 2.500000e-01 : f32
    %div3A_42 = vector.broadcast %div3A_41 : f32 to vector<20480xf32>
    %div3A_43 = arith.divf %add3A_40, %div3A_42 : vector<20480xf32>
    %convert_element_type3A_44 = arith.fptosi %div3A_43 : vector<20480xf32> to vector<20480xi32>
    %mul3A_45 = arith.constant 102400 : i32
    %mul3A_46 = arith.muli %arg0, %mul3A_45 : i32
    %mul3A_47 = arith.constant 320 : i32
    %mul3A_48 = vector.broadcast %mul3A_47 : i32 to vector<20480xi32>
    %mul3A_49 = arith.muli %convert_element_type3A, %mul3A_48 : vector<20480xi32>
    %add3A_50 = vector.broadcast %mul3A_46 : i32 to vector<20480xi32>
    %add3A_51 = arith.addi %add3A_50, %mul3A_49 : vector<20480xi32>
    %add3A_52 = arith.addi %add3A_51, %convert_element_type3A_44 : vector<20480xi32>
    %jit3A_53 = arith.constant -1 : i32
    %broadcast_in_dim3A = vector.broadcast %jit3A_53 : i32 to vector<20480xi32>
    %select_n3A = arith.select %and3A_20, %add3A_52, %broadcast_in_dim3A : vector<20480xi1>, vector<20480xi32>
    %swap3A = arith.constant 0 : index
    %swap3A_54 = arith.constant 0 : index
    %swap3A_55 = arith.constant 0 : index
    %swap3A_56 = vector.load %arg2[%swap3A, %swap3A_54, %swap3A_55] : memref<1x1x20480xi32, #tpu.memory_space<vmem>>, vector<1x1x20480xi32>
    %swap3A_57 = vector.shape_cast %swap3A_56 : vector<1x1x20480xi32> to vector<20480xi32>
    %swap3A_58 = vector.shape_cast %select_n3A : vector<20480xi32> to vector<1x1x20480xi32>
    tpu.vector_store %arg2[%swap3A, %swap3A_54, %swap3A_55], %swap3A_58 {strides = array<i32>} : memref<1x1x20480xi32, #tpu.memory_space<vmem>>, vector<1x1x20480xi32>,
    %convert_element_type3A_59 = arith.extui %and3A_20 : vector<20480xi1> to vector<20480xi32>
    %swap3A_60 = arith.constant 0 : index
    %swap3A_61 = arith.constant 0 : index
    %swap3A_62 = arith.constant 0 : index
    %swap3A_63 = vector.load %arg3[%swap3A_60, %swap3A_61, %swap3A_62] : memref<1x1x20480xi32, #tpu.memory_space<vmem>>, vector<1x1x20480xi32>
    %swap3A_64 = vector.shape_cast %swap3A_63 : vector<1x1x20480xi32> to vector<20480xi32>
    %swap3A_65 = vector.shape_cast %convert_element_type3A_59 : vector<20480xi32> to vector<1x1x20480xi32>
    tpu.vector_store %arg3[%swap3A_60, %swap3A_61, %swap3A_62], %swap3A_65 {strides = array<i32>} : memref<1x1x20480xi32, #tpu.memory_space<vmem>>, vector<1x1x20480xi32>,
    return
  }
  func.func @transform_0(%arg0: i32) -> (i32, i32, i32) {
    %c0_i32 = arith.constant 0 : i32
    %c0_i32_0 = arith.constant 0 : i32
    %c0_i32_1 = arith.constant 0 : i32
    return %arg0, %c0_i32, %c0_i32_0 : i32, i32, i32
  }
  func.func @transform_1(%arg0: i32) -> (i32, i32, i32) {
    %c0_i32 = arith.constant 0 : i32
    %c0_i32_0 = arith.constant 0 : i32
    %c0_i32_1 = arith.constant 0 : i32
    return %arg0, %c0_i32, %c0_i32_0 : i32, i32, i32
  }
  func.func @transform_2(%arg0: i32) -> (i32, i32, i32) {
    %c0_i32 = arith.constant 0 : i32
    %c0_i32_0 = arith.constant 0 : i32
    %c0_i32_1 = arith.constant 0 : i32
    return %arg0, %c0_i32, %c0_i32_0 : i32, i32, i32
  }
}

</mosaic_0001>

<sc_bundles>
// kernel: kernel.4.cloned.1.call-start
scs
__scs_entry_jumppad:
0x0: {  	(pc) =	sbr.rel $0x88, $3  }
0x1: {  	(tag) =	ssettag $0x0;
	lr =	simm.s32 $0x1  }
0x2: {  	[smem:$0x3F9E] =	sst lr;
	_ =	strace $0xD0000000  }
0x3: {  	_ = 	snop  }
0x4: {  	_ = 	snop  }
0x5: {  	_ = 	snop  }
0x6: {  	_ = 	snop  }
0x7: {  	_ = 	snop  }
__scs_overlays_trampoline_lowered:
0x8: {  	[smem:$0x3FAD] =	sst s0  }
0x9: {  	[smem:$0x3FAE] =	sst s1  }
0xa: {  	[smem:$0x3FAF] =	sst s2  }
0xb: {  	[smem:$0x3FB0] =	sst s3  }
0xc: {  	[smem:$0x3FB1] =	sst s4  }
0xd: {  	[smem:$0x3FB2] =	sst s5  }
0xe: {  	[smem:$0x3FB3] =	sst s6  }
0xf: {  	[smem:$0x3FB4] =	sst s7  }
0x10: {  	[smem:$0x3FB5] =	sst s8  }
0x11: {  	[smem:$0x3FB6] =	sst s9;
	s0 =	simm.s32 @!p0 $0x0  }
0x12: {  	s1 =	sld [smem:$0x3F9C];
	s0 =	simm.s32 @p0 $0x1  }
0x13: {  	[smem:$0x3FB7] =	sst s0;
	s0 =	simm.s32 @!p1 $0x0  }
0x14: {  	s2 =	sld [smem:$0x3F9B];
	s0 =	simm.s32 @p1 $0x1  }
0x15: {  	[smem:$0x3FB8] =	sst s0;
	s0 =	simm.s32 @!p2 $0x0  }
0x16: {  	s3 =	sld [smem:$0x3FDB];
	s0 =	simm.s32 @p2 $0x1  }
0x17: {  	s4 =	simm.s32 $0x1BF5;
	[smem:$0x3FBA] =	sst s0  }
0x18: {  	s0 =	sld [smem:$0x3F9D];
	_ =	swait.ge [sflag:s4], $0x0  }
0x19: {  	s7 =	sld [smem:$0x3F9E]  }
0x1a: {  	s8 =	sadd.s32 $0xFFFFE003, lr  }
0x1b: {  	s9 =	sadd.s32 $0xFFFFFEF7, lr;
	s5 =	simm.s32 $0xFFFFFFFF;
	p2 =	slt.u32 s8, $0xFFFFF086  }
0x1c: {  	p1 =	slt.u32 s9, $0xF7A;
	s5 =	simm.s32 @!p2 $0x0  }
0x1d: {  	s5 =	simm.s32 @p1 $0x1;
	p0 =	seq.s32 s7, s2  }
0x1e: {  	s7 =	smul.u32 @!p0 $0xF7A, s2;
	p2 =	seq.s32 @!p0 s5, $0x0  }
0x1f: {  	s9 =	smul.u32 $0xF7A, s1;
	s8 =	simm.s32 @!p0 $0x1BF5;
	p2 =	por !p2, p0  }
0x20: {  	[sflag:s8] =	ssyncset.s32 @!p0 $0xFFFFF086;
	s6 =	sadd.s32 @!p0 s3, s7;
	s7 =	simm.s32 @!p0 $0x108  }
0x21: {  	s3 =	sadd.s32 s3, s9;
	s6 =	sadd.s32 @!p0 $0x88, s6;
	s7 =	simm.s32 @p2 $0x1082  }
0x22: {  	[simem:s7], [sflag:s8] =	dma.local @!p0 [hbm:s6], $0xF7A  }
0x23: {  	s9 =	sor.u32 $0xD0000000, s2;
	s6 =	simm.s32 $0x108;
	_ =	swait.ge @!p0 [sflag:s8], $0x0  }
0x24: {  	s3 =	sadd.s32 $0x88, s3;
	s6 =	simm.s32 @!p1 $0x1082;
	[sflag:s4] =	ssyncset.s32 $0xFFFFF086  }
0x25: {  	[simem:s6], [sflag:s4] =	dma.local [hbm:s3], $0xF7A  }
0x26: {  	[smem:$0x3F9E] =	sst s1;
	(tag) =	ssettag s2;
	_ =	strace s9  }
0x27: {  	s1 =	sld [smem:$0x3FAE]  }
0x28: {  	s2 =	sld [smem:$0x3FAF]  }
0x29: {  	s4 =	sld [smem:$0x3FB1]  }
0x2a: {  	p0 =	seq.s32 s5, $0x0;
	s5 =	sld [smem:$0x3FB2]  }
0x2b: {  	s6 =	sld [smem:$0x3FB3]  }
0x2c: {  	s7 =	sld [smem:$0x3FB4]  }
0x2d: {  	s3 =	simm.s32 $0x108;
	s8 =	sld [smem:$0x3FB5]  }
0x2e: {  	s3 =	simm.s32 @!p0 $0x1082;
	s9 =	sld [smem:$0x3FB6]  }
0x2f: {  	lr =	sadd.s32 s0, s3;
	s0 =	sld [smem:$0x3FAD]  }
0x30: {  	s3 =	sld [smem:$0x3FB0]  }
0x31: {  	[smem:$0x3FB9] =	sst s10  }
0x32: {  	s10 =	sld [smem:$0x3FB7];
	_ =	sdelay $0x3  }
0x33: {  	p0 =	seq.s32 s10, $0x1;
	s10 =	sld [smem:$0x3FB9];
	_ =	sdelay $0x3  }
0x34: {  	[smem:$0x3FB9] =	sst s10  }
0x35: {  	s10 =	sld [smem:$0x3FB8];
	_ =	sdelay $0x3  }
0x36: {  	p1 =	seq.s32 s10, $0x1;
	s10 =	sld [smem:$0x3FB9];
	_ =	sdelay $0x3  }
0x37: {  	[smem:$0x3FB9] =	sst s10  }
0x38: {  	s10 =	sld [smem:$0x3FBA]  }
0x39: {  	_ = 	snop;
	(pc) =	sbr.ind lr, $3  }
0x3a: {  	_ = 	snop  }
0x3b: {  	_ = 	snop  }
0x3c: {  	p2 =	seq.s32 s10, $0x1;
	s10 =	sld [smem:$0x3FB9]  }
0x3d: {  	_ =	shalt  }
0x3e: {  	_ =	shalt  }
0x3f: {  	_ =	shalt  }
0x40: {  	_ =	shalt  }
0x41: {  	_ =	shalt  }
0x42: {  	_ =	shalt  }
0x43: {  	_ =	shalt  }
0x44: {  	_ =	shalt  }
0x45: {  	_ =	shalt  }
0x46: {  	_ =	shalt  }
0x47: {  	_ =	shalt  }
0x48: {  	_ =	shalt  }
0x49: {  	_ =	shalt  }
0x4a: {  	_ =	shalt  }
0x4b: {  	_ =	shalt  }
0x4c: {  	_ =	shalt  }
0x4d: {  	_ =	shalt  }
0x4e: {  	_ =	shalt  }
0x4f: {  	_ =	shalt  }
0x50: {  	_ =	shalt  }
0x51: {  	_ =	shalt  }
0x52: {  	_ =	shalt  }
0x53: {  	_ =	shalt  }
0x54: {  	_ =	shalt  }
0x55: {  	_ =	shalt  }
0x56: {  	_ =	shalt  }
0x57: {  	_ =	shalt  }
0x58: {  	_ =	shalt  }
0x59: {  	_ =	shalt  }
0x5a: {  	_ =	shalt  }
0x5b: {  	_ =	shalt  }
0x5c: {  	_ =	shalt  }
0x5d: {  	_ =	shalt  }
0x5e: {  	_ =	shalt  }
0x5f: {  	_ =	shalt  }
0x60: {  	_ =	shalt  }
0x61: {  	_ =	shalt  }
0x62: {  	_ =	shalt  }
0x63: {  	_ =	shalt  }
0x64: {  	_ =	shalt  }
0x65: {  	_ =	shalt  }
0x66: {  	_ =	shalt  }
0x67: {  	_ =	shalt  }
0x68: {  	_ =	shalt  }
0x69: {  	_ =	shalt  }
0x6a: {  	_ =	shalt  }
0x6b: {  	_ =	shalt  }
0x6c: {  	_ =	shalt  }
0x6d: {  	_ =	shalt  }
0x6e: {  	_ =	shalt  }
0x6f: {  	_ =	shalt  }
0x70: {  	_ =	shalt  }
0x71: {  	_ =	shalt  }
0x72: {  	_ =	shalt  }
0x73: {  	_ =	shalt  }
0x74: {  	_ =	shalt  }
0x75: {  	_ =	shalt  }
0x76: {  	_ =	shalt  }
0x77: {  	_ =	shalt  }
0x78: {  	_ =	shalt  }
0x79: {  	_ =	shalt  }
0x7a: {  	_ =	shalt  }
0x7b: {  	_ =	shalt  }
0x7c: {  	_ =	shalt  }
0x7d: {  	_ =	shalt  }
0x7e: {  	_ =	shalt  }
0x7f: {  	_ =	shalt  }
0x80: {  	_ =	shalt  }
0x81: {  	_ =	shalt  }
0x82: {  	_ =	shalt  }
0x83: {  	_ =	shalt  }
0x84: {  	_ =	shalt  }
0x85: {  	_ =	shalt  }
0x86: {  	_ =	shalt  }
0x87: {  	_ =	shalt  }
.Lfunc_end0:
.L_simem_size_0:
called_computation_lowered:
.L_overlay_start_0:
0x88: {  	s2 =	sld [smem:$0x3FD9]  }
0x89: {  	s3 =	sld [smem:$0x3FFE];
	_ =	sdelay $0x1  }
0x8a: {  	s1 =	srdreg.scid  }
0x8b: {  	s0 =	sand.u32 $0x1, s1  }
0x8c: {  	s17 =	sshll.u32 s0, $0xA;
	s2 =	sadd.s32 s3, s2  }
0x8d: {  	s2 =	sadd.s32 s2, s17  }
0x8e: {  	[smem:$0x3FC5] =	sst s2  }
0x8f: {  	_ = 	snop  }
0x90: {  	s2 =	sld [smem:$0x3FC9]  }
0x91: {  	s18 =	sld [smem:$0x3FC7]  }
0x92: {  	s4 =	sld [smem:$0x3FD0];
	(tm) =	ssettm $0x1  }
0x93: {  	s5 =	sld [smem:$0x3FFB];
	_ =	sdelay $0x3  }
0x94: {  	_ =	strace s5  }
0x95: {  	s5 =	sld [smem:$0x3FFC];
	_ =	sdelay $0x3  }
0x96: {  	_ =	strace s5  }
0x97: {  	s5 =	sld [smem:$0x3FFD];
	_ =	sdelay $0x3  }
0x98: {  	_ =	strace s5  }
0x99: {  	_ =	strace $0x8FFFFFFF  }
0x9a: {  	s19 =	sld [smem:$0x3FDB];
	_ =	sdelay $0x1  }
0x9b: {  	s6 =	simm.s32 $_scs_section_size  }
0x9c: {  	s7 =	simm.s32 $_size__tile_overlayer_lowered;
	s8 =	simm.s32 $_tile_overlayer_lowered  }
0x9d: {  	s22 =	simm.s32 $0x1BFF;
	s21 =	sshll.u32 s8, $0x1;
	s5 =	sadd.s32 s6, s19  }
0x9e: {  	s9 =	simm.s32 $0x0;
	s20 =	sshll.u32 s7, $0x1;
	s7 =	sadd.s32 s21, s5  }
0x9f: {  	[timem:s9], [sflag:s22] =	dma.local [hbm:s7], s20  }
0xa0: {  	_ =	swait.ge [sflag:s22], s20  }
0xa1: {  	s6 =	ssub.s32 $0x0, s20;
	[sflag:s22] =	ssyncset.done $0x0  }
0xa2: {  	[sflag:s22] =	ssyncadd.s32 s6;
	_ =	sdelay $0x1  }
0xa3: {  	s23 =	simm.s32 $0x1B8B  }
0xa4: {  	_ =	swait.ge [sflag:s23], $0x1  }
0xa5: {  	[sflag:s23] =	ssyncset.done $0x0  }
0xa6: {  	s25 =	simm.s32 $0x1B8E;
	s24 =	sld [smem:$0x3FFE];
	[sflag:s23] =	ssyncadd.s32 $0xFFFFFFFF  }
0xa7: {  	s26 =	simm.s32 $execute0_lowered;
	[smem:$0x3FD2] =	sst s25  }
0xa8: {  	s7 =	sshll.u32 s26, $0x1;
	_ =	strace $0x80000046;
	[dreg:$0x1] =	wrdreg $0xFFFFFFFF  }
0xa9: {  	s28 =	simm.s32 $_size_execute0_lowered;
	s5 =	sadd.s32 s5, s7;
	[dreg:$0x0] =	wrdreg $0x0  }
0xaa: {  	s7 =	sshll.u32 s28, $0x1;
	[dreg:$0x2] =	wrdreg s5  }
0xab: {  	[dreg:$0x3] =	wrdreg s7  }
0xac: {  	[dreg:$0x4] =	wrdreg $0xC0  }
0xad: {  	_ =	task [dreg:s9], $0x5FFFF  }
0xae: {  	[dreg:$0x1] =	wrdreg $0xFFFFFFFF  }
0xaf: {  	[dreg:$0x0] =	wrdreg $0x60  }
0xb0: {  	[dreg:$0x2] =	wrdreg s2  }
0xb1: {  	[dreg:$0x3] =	wrdreg s24  }
0xb2: {  	[dreg:$0x4] =	wrdreg s18  }
0xb3: {  	[dreg:$0x5] =	wrdreg s4  }
0xb4: {  	[dreg:$0x6] =	wrdreg $0x9  }
0xb5: {  	_ =	task.clear_ibuf [dreg:s9], $0x7FFFF;
	_ =	strace $0x90000046  }
0xb6: {  	s29 =	simm.s32 $0x9;
	_ =	strace $0x80000048  }
0xb7: {  	_ =	swait.ge [sflag:s29], $0x1  }
0xb8: {  	[sflag:s29] =	ssyncadd.s32 $0xFFFFFFFF  }
0xb9: {  	_ =	strace $0x90000048  }
0xba: {  	_ =	sfence  }
0xbb: {  	s30 =	sld [smem:$0x0];
	_ =	sdelay $0x2  }
0xbc: {  	s31 =	sshll.u32 s1, $0xD;
	s1 =	sshrl.u32 s1, $0x2  }
0xbd: {  	s3 =	sand.u32 $0x4000, s31;
	s1 =	sadd.s32 s1, s30  }
0xbe: {  	s0 =	sor.u32 s3, s0;
	s1 =	sshll.u32 s1, $0x11  }
0xbf: {  	s0 =	sor.u32 s1, s0  }
0xc0: {  	s0 =	sadd.s32 $0x8F2B, s0  }
0xc1: {  	[sflag:s0] =	ssyncadd.remote.s32 $0x1  }
0xc2: {  	_ =	sfence.sel $0xFFFF  }
0xc3: {  	[dreg:$0x0] =	wrdreg $0xFFFFFFFF;
	(pc) =	sbr.abs _section_cstart, $3  }
0xc4: {  	[dreg:$0x1] =	wrdreg $0xFFFFFFFF  }
0xc5: {  	_ =	task.clear_ibuf [dreg:s9], $0x2FFFF;
	_ =	strace $0x9FFFFFFF  }
0xc6: {  	(tm) =	ssettm $0x7FFFFFFF  }
0xc7: {  	_ =	shalt  }
tec
execute0_lowered:
.L_overlay_start_1:
0x0: {  	(tag) =	ssettag $0x1  }
0x1: {  	s1 =	rddreg [dreg:$0x0]  }
0x2: {  	s5 =	rddreg [dreg:$0x1]  }
0x3: {  	s2 =	rddreg [dreg:$0x3];
	s3 =	simm.s32 $0x0;
	s4 =	srdreg.scid  }
0x4: {  	s0 =	stileid.u32;
	s14 =	simm.s32 $0x5000;
	s28 =	simm.s32 $0x10180  }
0x5: {  	s29 =	simm.s32 $0x800;
	s30 =	simm.s32 $0x1000;
	s31 =	simm.s32 $0x1800  }
0x6: {  	[smem:$0x7FF] =	sst s3;
	s7 =	sand.u32 $0x1, s4;
	s4 =	sadd.s32 $0xA00, s5  }
0x7: {  	s8 =	sshll.u32 s0, $0x1;
	s5 =	sadd.s32 $0x1E00, s5;
	s6 =	ssub.s32 $0x2, s7  }
0x8: {  	_ =	strace $0x80000047;
	s8 =	sor.u32 s7, s8;
	s9 =	sshrl.u32 s6, $0x1  }
0x9: {  	s26 =	sshll.u32 s8, $0xC;
	s10 =	sshll.u32 s8, $0x5;
	s16 =	sor.u32 $0x20, s8  }
0xa: {  	s12 =	sor.u32 $0x40, s8;
	s15 =	sor.u32 $0xFFFFFF80, s8;
	s8 =	sadd.s32 $0x12, s8  }
0xb: {  	s6 =	ssub.s32 s6, s9;
	s11 =	sadd.s32 s4, s10;
	s10 =	sadd.s32 s5, s10  }
0xc: {  	s17 =	sshll.u32 s16, $0xC;
	p0 =	sgt.u32 s12, $0x4D;
	p1 =	slt.u32 s12, $0x4E  }
0xd: {  	s12 =	sshll.u32 s12, $0x8;
	s18 =	sand.u32 $0xFE, s15;
	s9 =	sadd.s32 s2, s26  }
0xe: {  	s21 =	sshll.u32 s8, $0x5;
	s8 =	sshll.u32 s8, $0xC;
	[dreg:$0x5] =	wrdreg s11  }
0xf: {  	[dreg:$0x6] =	wrdreg s10;
	s10 =	sshll.u32 s16, $0x5;
	s13 =	sadd.s32 $0xFFFFB200, s12  }
0x10: {  	s14 =	simm.s32 @!p0 $0x0;
	[dreg:$0x9] =	wrdreg s9;
	s9 =	simm.s32 $0x5000  }
0x11: {  	s11 =	sadd.s32 s2, s17;
	s23 =	sadd.s32 $0xA00, s21;
	s8 =	sadd.s32 s8, s2  }
0x12: {  	s13 =	smov.u32 @p1 s12;
	s16 =	sadd.s32 s4, s10;
	s12 =	sshrl.u32 s18, $0x1  }
0x13: {  	s10 =	sadd.s32 s5, s10;
	[dreg:$0xc] =	wrdreg s11;
	s11 =	sadd.s32 s5, s23  }
0x14: {  	s8 =	sadd.s32 $0x4E200, s8;
	p1 =	sgt.u32 s0, $0xD;
	[dreg:$0x7] =	wrdreg s16  }
0x15: {  	s14 =	sadd.s32 s13, s14;
	[dreg:$0x8] =	wrdreg s10;
	s12 =	smul.u32 $0xD3, s12  }
0x16: {  	s16 =	sadd.s32 s4, s23;
	[dreg:$0xe] =	wrdreg s11;
	s19 =	sshrl.u32 s14, $0x3  }
0x17: {  	s14 =	sadd.s32 s4, s19;
	s10 =	sadd.s32 s5, s19;
	s19 =	smul.u32 $0x5000, s7  }
0x18: {  	[dreg:$0x13] =	wrdreg s8;
	s20 =	sshrl.u32 s12, $0xD;
	s7 =	smul.u32 $0x271000, s7  }
0x19: {  	[dreg:$0xd] =	wrdreg s16;
	s16 =	simm.s32 $0x5800;
	s22 =	smul.u32 $0x4E, s20  }
0x1a: {  	s12 =	simm.s32 $0xF000;
	[dreg:$0xa] =	wrdreg s14;
	s26 =	smul.u32 $0x5000, s20  }
0x1b: {  	[dreg:$0xb] =	wrdreg s10;
	s14 =	simm.s32 $0x4E20;
	s10 =	smul.u32 $0x4E20, s20  }
0x1c: {  	s14 =	simm.s32 @!p0 $0x0;
	s21 =	sshrl.u32 s19, $0x3;
	s7 =	sshrl.u32 s7, $0x3  }
0x1d: {  	p0 =	sne.s32 s0, $0x0;
	s0 =	simm.s32 $0x2000;
	s24 =	sadd.s32 s13, s14  }
0x1e: {  	s25 =	ssub.s32 s15, s22;
	s23 =	sadd.s32 $0x9C0, s21;
	s21 =	simm.s32 $0x3000  }
0x1f: {  	s14 =	simm.s32 $0x1;
	s15 =	simm.s32 $0x0;
	s13 =	sand.u32 $0xFF, s25  }
0x20: {  	s17 =	sshll.u32 s24, $0x4;
	s25 =	sadd.s32 s5, s23;
	s18 =	sshll.u32 s13, $0x8  }
0x21: {  	s11 =	sadd.s32 s2, s17;
	[dreg:$0x15] =	wrdreg s25;
	s25 =	simm.s32 $0x2  }
0x22: {  	s17 =	simm.s32 $0x6000;
	s13 =	sadd.s32 s18, s26;
	s10 =	sadd.s32 s18, s10  }
0x23: {  	[dreg:$0xf] =	wrdreg s11;
	s26 =	smax.u32 s6, $0x1;
	s18 =	simm.s32 $0x6800  }
0x24: {  	s20 =	sshrl.u32 s13, $0x3;
	s10 =	sshll.u32 s10, $0x4;
	[dreg:$0x17] =	wrdreg s26  }
0x25: {  	s26 =	simm.s32 $0x10000;
	s13 =	simm.s32 $0xF800;
	s10 =	sadd.s32 s2, s10  }
0x26: {  	s2 =	sadd.s32 s2, s7;
	s22 =	sadd.s32 s4, s20;
	[dreg:$0x10] =	wrdreg s10  }
.Ltmp0:
0x27: {  	s24 =	sadd.s32 s5, s20;
	[dreg:$0x11] =	wrdreg s22;
	(pc) =	sbr.rel .LBB2_1-.Ltmp0, $4  }
0x28: {  	s4 =	sadd.s32 s4, s23;
	s20 =	simm.s32 $0x2800;
	[dreg:$0x12] =	wrdreg s24  }
0x29: {  	s5 =	simm.s32 $0x7800;
	s7 =	simm.s32 $0x8000;
	[dreg:$0x14] =	wrdreg s4  }
0x2a: {  	s2 =	sadd.s32 $0x4E000, s2;
	s22 =	simm.s32 $0x3800;
	s24 =	simm.s32 $0x4800  }
0x2b: {  	vm0 =	vmmov $0xffff;
	s4 =	simm.s32 $0x7000;
	[dreg:$0x16] =	wrdreg s2;
	s2 =	simm.s32 $0x4000  }
.LBB2_17:
0x2c: {  	[tilespmem:s19+$0xFFFFFFC0] =	vst v15  }
0x2d: {  	[tilespmem:s19+$0x30] =	vst v14  }
0x2e: {  	v3 =	vsel vm1, v6, v9;
	[tilespmem:s19+$0xFFFFFFD0] =	vst v13  }
0x2f: {  	v4 =	vsel vm1, v4, v11;
	[tilespmem:s19+$0x10] =	vst v3  }
0x30: {  	v2 =	vsel vm1, v2, v12;
	[tilespmem:s19+$0x20] =	vst v4  }
0x31: {  	v1 =	vsel vm1, v1, v8;
	[tilespmem:s19+$0xFFFFFFE0] =	vst v2  }
0x32: {  	v0 =	vsel vm1, v0, v10;
	[tilespmem:s19+$0xFFFFFFF0] =	vst v1  }
0x33: {  	s6 =	rddreg [dreg:$0x16];
	[tilespmem:s19+$0x0] =	vst v0  }
0x34: {  	[hbm4b:s6+s3] =	stream.linear.scatter [tilespmem:s3], [sflag:$0x2], $0x1000, $0x38;
	[tilespmem:$0x10380] =	vst v63  }
0x35: {  	_ =	swait.ge [sflag:s25], $0x1000  }
0x36: {  	[sflag:s25] =	ssyncset.done $0x0  }
0x37: {  	[sflag:s25] =	ssyncadd.s32 $0xFFFFF000  }
.LBB2_18:
0x38: {  	s15 =	sadd.s32 $0x1, s15;
	s6 =	rddreg [dreg:$0x17]  }
0x39: {  	p2 =	sne.s32 s15, s6  }
.Ltmp1:
0x3a: {  	_ = 	snop;
	(pc) =	sbr.rel @!p2 .LBB2_19-.Ltmp1, $1  }
0x3b: {  	_ =	sdelay $0x3  }
.LBB2_1:
0x3c: {  	s6 =	rddreg [dreg:$0x2];
	s8 =	simm.s32 $0x10100  }
0x3d: {  	[tilespmem:s8], [sflag:$0x2] =	stream.linear.gather [hbm4b:s6+s3], $0x80, $0x38;
	[tilespmem:$0x10380] =	vst v63  }
0x3e: {  	_ =	swait.ge [sflag:s25], $0x80  }
0x3f: {  	[sflag:s25] =	ssyncset.done $0x0  }
0x40: {  	[sflag:s25] =	ssyncadd.s32 $0xFFFFFF80  }
0x41: {  	v3 =	vld [tilespmem:$0x10100]  }
0x42: {  	v5 =	vld [tilespmem:$0x10110]  }
0x43: {  	v2 =	vld [tilespmem:$0x10120]  }
0x44: {  	v1 =	vld [tilespmem:$0x10130]  }
0x45: {  	v0 =	vld [tilespmem:$0x10140]  }
0x46: {  	v6 =	vld [tilespmem:$0x10150]  }
0x47: {  	s11 =	rddreg [dreg:$0x5];
	v4 =	vld [tilespmem:$0x10160]  }
0x48: {  	v7 =	vld [tilespmem:$0x10170];
	[tilespmem:s26], [sflag:$0x2] =	stream.linear.gather [hbm4b:s11+s3], $0x100, $0x38  }
0x49: {  	_ =	swait.ge [sflag:s25], $0x100  }
0x4a: {  	[sflag:s25] =	ssyncset.done $0x0  }
0x4b: {  	s19 =	rddreg [dreg:$0x6];
	[sflag:s25] =	ssyncadd.s32 $0xFFFFFF00  }
0x4c: {  	[tilespmem:s28], [sflag:$0x2] =	stream.linear.gather [hbm4b:s19+s3], $0x100, $0x38;
	[tilespmem:$0x10380] =	vst v63  }
0x4d: {  	_ =	swait.ge [sflag:s25], $0x100  }
0x4e: {  	[sflag:s25] =	ssyncset.done $0x0  }
0x4f: {  	[sflag:s25] =	ssyncadd.s32 $0xFFFFFF00  }
0x50: {  	v8 =	vld [tilespmem:$0x10000];
	_ =	sdelay $0x5  }
0x51: {  	(ifvalue) =	ssetifvalue $0xFFFFFFFF  }
0x52: {  	(ifvalue) =	ssetifvalue $0xFFFFFFFF  }
0x53: {  	[tilespmem:s3], [sflag:$0x1] =	stream.indirect_vreg.gather [hbm4b:s1+s3], $0x80, v8, vm0, $0x40b8;
	[tilespmem:$0x10380] =	vst v63  }
0x54: {  	v8 =	vld [tilespmem:$0x10010];
	_ =	sdelay $0x5  }
0x55: {  	(ifvalue) =	ssetifvalue $0xFFFFFFFF  }
0x56: {  	(ifvalue) =	ssetifvalue $0xFFFFFFFF  }
0x57: {  	[tilespmem:s29], [sflag:$0x1] =	stream.indirect_vreg.gather [hbm4b:s1+s3], $0x80, v8, vm0, $0x40b8;
	[tilespmem:$0x10380] =	vst v63  }
0x58: {  	v8 =	vld [tilespmem:$0x10020];
	_ =	sdelay $0x5  }
0x59: {  	(ifvalue) =	ssetifvalue $0xFFFFFFFF  }
0x5a: {  	(ifvalue) =	ssetifvalue $0xFFFFFFFF  }
0x5b: {  	[tilespmem:s30], [sflag:$0x1] =	stream.indirect_vreg.gather [hbm4b:s1+s3], $0x80, v8, vm0, $0x40b8;
	[tilespmem:$0x10380] =	vst v63  }
0x5c: {  	v8 =	vld [tilespmem:$0x10030];
	_ =	sdelay $0x5  }
0x5d: {  	(ifvalue) =	ssetifvalue $0xFFFFFFFF  }
0x5e: {  	(ifvalue) =	ssetifvalue $0xFFFFFFFF  }
0x5f: {  	[tilespmem:s31], [sflag:$0x1] =	stream.indirect_vreg.gather [hbm4b:s1+s3], $0x80, v8, vm0, $0x40b8;
	[tilespmem:$0x10380] =	vst v63  }
0x60: {  	v8 =	vld [tilespmem:$0x10040];
	_ =	sdelay $0x5  }
0x61: {  	(ifvalue) =	ssetifvalue $0xFFFFFFFF  }
0x62: {  	(ifvalue) =	ssetifvalue $0xFFFFFFFF  }
0x63: {  	[tilespmem:s0], [sflag:$0x1] =	stream.indirect_vreg.gather [hbm4b:s1+s3], $0x80, v8, vm0, $0x40b8;
	[tilespmem:$0x10380] =	vst v63  }
0x64: {  	v8 =	vld [tilespmem:$0x10050];
	_ =	sdelay $0x5  }
0x65: {  	(ifvalue) =	ssetifvalue $0xFFFFFFFF  }
0x66: {  	(ifvalue) =	ssetifvalue $0xFFFFFFFF  }
0x67: {  	[tilespmem:s20], [sflag:$0x1] =	stream.indirect_vreg.gather [hbm4b:s1+s3], $0x80, v8, vm0, $0x40b8;
	[tilespmem:$0x10380] =	vst v63  }
0x68: {  	v8 =	vld [tilespmem:$0x10060];
	_ =	sdelay $0x5  }
0x69: {  	(ifvalue) =	ssetifvalue $0xFFFFFFFF  }
0x6a: {  	(ifvalue) =	ssetifvalue $0xFFFFFFFF  }
0x6b: {  	[tilespmem:s21], [sflag:$0x1] =	stream.indirect_vreg.gather [hbm4b:s1+s3], $0x80, v8, vm0, $0x40b8;
	[tilespmem:$0x10380] =	vst v63  }
0x6c: {  	v8 =	vld [tilespmem:$0x10070];
	_ =	sdelay $0x5  }
0x6d: {  	(ifvalue) =	ssetifvalue $0xFFFFFFFF  }
0x6e: {  	(ifvalue) =	ssetifvalue $0xFFFFFFFF  }
0x6f: {  	[tilespmem:s22], [sflag:$0x1] =	stream.indirect_vreg.gather [hbm4b:s1+s3], $0x80, v8, vm0, $0x40b8;
	[tilespmem:$0x10380] =	vst v63  }
0x70: {  	v8 =	vld [tilespmem:$0x10080];
	_ =	sdelay $0x5  }
0x71: {  	(ifvalue) =	ssetifvalue $0xFFFFFFFF  }
0x72: {  	(ifvalue) =	ssetifvalue $0xFFFFFFFF  }
0x73: {  	[tilespmem:s2], [sflag:$0x1] =	stream.indirect_vreg.gather [hbm4b:s1+s3], $0x80, v8, vm0, $0x40b8;
	[tilespmem:$0x10380] =	vst v63  }
0x74: {  	v8 =	vld [tilespmem:$0x10090];
	_ =	sdelay $0x5  }
0x75: {  	(ifvalue) =	ssetifvalue $0xFFFFFFFF  }
0x76: {  	(ifvalue) =	ssetifvalue $0xFFFFFFFF  }
0x77: {  	[tilespmem:s24], [sflag:$0x1] =	stream.indirect_vreg.gather [hbm4b:s1+s3], $0x80, v8, vm0, $0x40b8;
	[tilespmem:$0x10380] =	vst v63  }
0x78: {  	v8 =	vld [tilespmem:$0x100A0];
	_ =	sdelay $0x5  }
0x79: {  	(ifvalue) =	ssetifvalue $0xFFFFFFFF  }
0x7a: {  	(ifvalue) =	ssetifvalue $0xFFFFFFFF  }
0x7b: {  	[tilespmem:s9], [sflag:$0x1] =	stream.indirect_vreg.gather [hbm4b:s1+s3], $0x80, v8, vm0, $0x40b8;
	[tilespmem:$0x10380] =	vst v63  }
0x7c: {  	v8 =	vld [tilespmem:$0x100B0];
	_ =	sdelay $0x5  }
0x7d: {  	(ifvalue) =	ssetifvalue $0xFFFFFFFF  }
0x7e: {  	(ifvalue) =	ssetifvalue $0xFFFFFFFF  }
0x7f: {  	[tilespmem:s16], [sflag:$0x1] =	stream.indirect_vreg.gather [hbm4b:s1+s3], $0x80, v8, vm0, $0x40b8;
	[tilespmem:$0x10380] =	vst v63  }
0x80: {  	v8 =	vld [tilespmem:$0x100C0];
	_ =	sdelay $0x5  }
0x81: {  	(ifvalue) =	ssetifvalue $0xFFFFFFFF  }
0x82: {  	(ifvalue) =	ssetifvalue $0xFFFFFFFF  }
0x83: {  	[tilespmem:s17], [sflag:$0x1] =	stream.indirect_vreg.gather [hbm4b:s1+s3], $0x80, v8, vm0, $0x40b8;
	[tilespmem:$0x10380] =	vst v63  }
0x84: {  	v8 =	vld [tilespmem:$0x100D0];
	_ =	sdelay $0x5  }
0x85: {  	(ifvalue) =	ssetifvalue $0xFFFFFFFF  }
0x86: {  	(ifvalue) =	ssetifvalue $0xFFFFFFFF  }
0x87: {  	[tilespmem:s18], [sflag:$0x1] =	stream.indirect_vreg.gather [hbm4b:s1+s3], $0x80, v8, vm0, $0x40b8;
	[tilespmem:$0x10380] =	vst v63  }
0x88: {  	v8 =	vld [tilespmem:$0x100E0];
	_ =	sdelay $0x5  }
0x89: {  	(ifvalue) =	ssetifvalue $0xFFFFFFFF  }
0x8a: {  	(ifvalue) =	ssetifvalue $0xFFFFFFFF  }
0x8b: {  	[tilespmem:s4], [sflag:$0x1] =	stream.indirect_vreg.gather [hbm4b:s1+s3], $0x80, v8, vm0, $0x40b8;
	[tilespmem:$0x10380] =	vst v63  }
0x8c: {  	v8 =	vld [tilespmem:$0x100F0];
	_ =	sdelay $0x5  }
0x8d: {  	(ifvalue) =	ssetifvalue $0xFFFFFFFF  }
0x8e: {  	(ifvalue) =	ssetifvalue $0xFFFFFFFF  }
0x8f: {  	[tilespmem:s5], [sflag:$0x1] =	stream.indirect_vreg.gather [hbm4b:s1+s3], $0x80, v8, vm0, $0x40b8;
	[tilespmem:$0x10380] =	vst v63  }
0x90: {  	s23 =	rddreg [dreg:$0x7]  }
0x91: {  	[tilespmem:s26], [sflag:$0x2] =	stream.linear.gather [hbm4b:s23+s3], $0x100, $0x38;
	[tilespmem:$0x10380] =	vst v63  }
0x92: {  	_ =	swait.ge [sflag:s25], $0x100  }
0x93: {  	[sflag:s25] =	ssyncset.done $0x0  }
0x94: {  	s10 =	simm.s32 $0x10280;
	s8 =	rddreg [dreg:$0x8];
	[sflag:s25] =	ssyncadd.s32 $0xFFFFFF00  }
0x95: {  	[tilespmem:s10], [sflag:$0x2] =	stream.linear.gather [hbm4b:s8+s3], $0x100, $0x38;
	[tilespmem:$0x10380] =	vst v63  }
0x96: {  	_ =	swait.ge [sflag:s25], $0x100  }
0x97: {  	[sflag:s25] =	ssyncset.done $0x0  }
0x98: {  	[sflag:s25] =	ssyncadd.s32 $0xFFFFFF00  }
0x99: {  	v8 =	vld [tilespmem:$0x10000];
	_ =	sdelay $0x5  }
0x9a: {  	(ifvalue) =	ssetifvalue $0xFFFFFFFF  }
0x9b: {  	(ifvalue) =	ssetifvalue $0xFFFFFFFF  }
0x9c: {  	[tilespmem:s7], [sflag:$0x1] =	stream.indirect_vreg.gather [hbm4b:s1+s3], $0x80, v8, vm0, $0x40b8;
	[tilespmem:$0x10380] =	vst v63  }
0x9d: {  	v8 =	vld [tilespmem:$0x10010];
	_ =	sdelay $0x5  }
0x9e: {  	(ifvalue) =	ssetifvalue $0xFFFFFFFF  }
0x9f: {  	s11 =	simm.s32 $0x8800;
	(ifvalue) =	ssetifvalue $0xFFFFFFFF  }
0xa0: {  	[tilespmem:s11], [sflag:$0x1] =	stream.indirect_vreg.gather [hbm4b:s1+s3], $0x80, v8, vm0, $0x40b8;
	[tilespmem:$0x10380] =	vst v63  }
0xa1: {  	v8 =	vld [tilespmem:$0x10020];
	_ =	sdelay $0x5  }
0xa2: {  	(ifvalue) =	ssetifvalue $0xFFFFFFFF  }
0xa3: {  	s19 =	simm.s32 $0x9000;
	(ifvalue) =	ssetifvalue $0xFFFFFFFF  }
0xa4: {  	[tilespmem:s19], [sflag:$0x1] =	stream.indirect_vreg.gather [hbm4b:s1+s3], $0x80, v8, vm0, $0x40b8;
	[tilespmem:$0x10380] =	vst v63  }
0xa5: {  	v8 =	vld [tilespmem:$0x10030];
	_ =	sdelay $0x5  }
0xa6: {  	(ifvalue) =	ssetifvalue $0xFFFFFFFF  }
0xa7: {  	s23 =	simm.s32 $0x9800;
	(ifvalue) =	ssetifvalue $0xFFFFFFFF  }
0xa8: {  	[tilespmem:s23], [sflag:$0x1] =	stream.indirect_vreg.gather [hbm4b:s1+s3], $0x80, v8, vm0, $0x40b8;
	[tilespmem:$0x10380] =	vst v63  }
0xa9: {  	v8 =	vld [tilespmem:$0x10040];
	_ =	sdelay $0x5  }
0xaa: {  	(ifvalue) =	ssetifvalue $0xFFFFFFFF  }
0xab: {  	s8 =	simm.s32 $0xA000;
	(ifvalue) =	ssetifvalue $0xFFFFFFFF  }
0xac: {  	[tilespmem:s8], [sflag:$0x1] =	stream.indirect_vreg.gather [hbm4b:s1+s3], $0x80, v8, vm0, $0x40b8;
	[tilespmem:$0x10380] =	vst v63  }
0xad: {  	v8 =	vld [tilespmem:$0x10050];
	_ =	sdelay $0x5  }
0xae: {  	(ifvalue) =	ssetifvalue $0xFFFFFFFF  }
0xaf: {  	s10 =	simm.s32 $0xA800;
	(ifvalue) =	ssetifvalue $0xFFFFFFFF  }
0xb0: {  	[tilespmem:s10], [sflag:$0x1] =	stream.indirect_vreg.gather [hbm4b:s1+s3], $0x80, v8, vm0, $0x40b8;
	[tilespmem:$0x10380] =	vst v63  }
0xb1: {  	v8 =	vld [tilespmem:$0x10060];
	_ =	sdelay $0x5  }
0xb2: {  	(ifvalue) =	ssetifvalue $0xFFFFFFFF  }
0xb3: {  	s11 =	simm.s32 $0xB000;
	(ifvalue) =	ssetifvalue $0xFFFFFFFF  }
0xb4: {  	[tilespmem:s11], [sflag:$0x1] =	stream.indirect_vreg.gather [hbm4b:s1+s3], $0x80, v8, vm0, $0x40b8;
	[tilespmem:$0x10380] =	vst v63  }
0xb5: {  	v8 =	vld [tilespmem:$0x10070];
	_ =	sdelay $0x5  }
0xb6: {  	(ifvalue) =	ssetifvalue $0xFFFFFFFF  }
0xb7: {  	s19 =	simm.s32 $0xB800;
	(ifvalue) =	ssetifvalue $0xFFFFFFFF  }
0xb8: {  	[tilespmem:s19], [sflag:$0x1] =	stream.indirect_vreg.gather [hbm4b:s1+s3], $0x80, v8, vm0, $0x40b8;
	[tilespmem:$0x10380] =	vst v63  }
0xb9: {  	v8 =	vld [tilespmem:$0x10080];
	_ =	sdelay $0x5  }
0xba: {  	(ifvalue) =	ssetifvalue $0xFFFFFFFF  }
0xbb: {  	s23 =	simm.s32 $0xC000;
	(ifvalue) =	ssetifvalue $0xFFFFFFFF  }
0xbc: {  	[tilespmem:s23], [sflag:$0x1] =	stream.indirect_vreg.gather [hbm4b:s1+s3], $0x80, v8, vm0, $0x40b8;
	[tilespmem:$0x10380] =	vst v63  }
0xbd: {  	v8 =	vld [tilespmem:$0x10090];
	_ =	sdelay $0x5  }
0xbe: {  	(ifvalue) =	ssetifvalue $0xFFFFFFFF  }
0xbf: {  	s8 =	simm.s32 $0xC800;
	(ifvalue) =	ssetifvalue $0xFFFFFFFF  }
0xc0: {  	[tilespmem:s8], [sflag:$0x1] =	stream.indirect_vreg.gather [hbm4b:s1+s3], $0x80, v8, vm0, $0x40b8;
	[tilespmem:$0x10380] =	vst v63  }
0xc1: {  	v8 =	vld [tilespmem:$0x100A0];
	_ =	sdelay $0x5  }
0xc2: {  	(ifvalue) =	ssetifvalue $0xFFFFFFFF  }
0xc3: {  	s10 =	simm.s32 $0xD000;
	(ifvalue) =	ssetifvalue $0xFFFFFFFF  }
0xc4: {  	[tilespmem:s10], [sflag:$0x1] =	stream.indirect_vreg.gather [hbm4b:s1+s3], $0x80, v8, vm0, $0x40b8;
	[tilespmem:$0x10380] =	vst v63  }
0xc5: {  	v8 =	vld [tilespmem:$0x100B0];
	_ =	sdelay $0x5  }
0xc6: {  	(ifvalue) =	ssetifvalue $0xFFFFFFFF  }
0xc7: {  	s11 =	simm.s32 $0xD800;
	(ifvalue) =	ssetifvalue $0xFFFFFFFF  }
0xc8: {  	[tilespmem:s11], [sflag:$0x1] =	stream.indirect_vreg.gather [hbm4b:s1+s3], $0x80, v8, vm0, $0x40b8;
	[tilespmem:$0x10380] =	vst v63  }
0xc9: {  	v8 =	vld [tilespmem:$0x100C0];
	_ =	sdelay $0x5  }
0xca: {  	(ifvalue) =	ssetifvalue $0xFFFFFFFF  }
0xcb: {  	s19 =	simm.s32 $0xE000;
	(ifvalue) =	ssetifvalue $0xFFFFFFFF  }
0xcc: {  	[tilespmem:s19], [sflag:$0x1] =	stream.indirect_vreg.gather [hbm4b:s1+s3], $0x80, v8, vm0, $0x40b8;
	[tilespmem:$0x10380] =	vst v63  }
0xcd: {  	v8 =	vld [tilespmem:$0x100D0];
	_ =	sdelay $0x5  }
0xce: {  	(ifvalue) =	ssetifvalue $0xFFFFFFFF  }
0xcf: {  	s23 =	simm.s32 $0xE800;
	(ifvalue) =	ssetifvalue $0xFFFFFFFF  }
0xd0: {  	[tilespmem:s23], [sflag:$0x1] =	stream.indirect_vreg.gather [hbm4b:s1+s3], $0x80, v8, vm0, $0x40b8;
	[tilespmem:$0x10380] =	vst v63  }
0xd1: {  	v8 =	vld [tilespmem:$0x100E0];
	_ =	sdelay $0x5  }
0xd2: {  	(ifvalue) =	ssetifvalue $0xFFFFFFFF  }
0xd3: {  	(ifvalue) =	ssetifvalue $0xFFFFFFFF  }
0xd4: {  	[tilespmem:s12], [sflag:$0x1] =	stream.indirect_vreg.gather [hbm4b:s1+s3], $0x80, v8, vm0, $0x40b8;
	[tilespmem:$0x10380] =	vst v63  }
0xd5: {  	v8 =	vld [tilespmem:$0x100F0];
	_ =	sdelay $0x5  }
0xd6: {  	(ifvalue) =	ssetifvalue $0xFFFFFFFF  }
0xd7: {  	(ifvalue) =	ssetifvalue $0xFFFFFFFF  }
0xd8: {  	[tilespmem:s13], [sflag:$0x1] =	stream.indirect_vreg.gather [hbm4b:s1+s3], $0x80, v8, vm0, $0x40b8;
	[tilespmem:$0x10380] =	vst v63  }
0xd9: {  	_ =	swait.ge [sflag:s14], $0x8000  }
0xda: {  	v8 =	vmov s3;
	[sflag:s14] =	ssyncset.done $0x0  }
0xdb: {  	s19 =	simm.s32 $0x40;
	[sflag:s14] =	ssyncadd.s32 $0xFFFF8000  }
0xdc: {  	v13 =	vld [tilespmem:s19+$0xFFFFFFC0]  }
0xdd: {  	v14 =	vld [tilespmem:s19+$0x30]  }
0xde: {  	v16 =	vld [tilespmem:s19+$0xFFFFFFD0]  }
0xdf: {  	v10 =	vld.idx.msk [tilespmem:v8+s28+$0x0], $0xffff  }
0xe0: {  	v9 =	vld [tilespmem:s19+$0x10]  }
0xe1: {  	v11 =	vld [tilespmem:s19+$0x20]  }
0xe2: {  	v12 =	vld [tilespmem:s19+$0xFFFFFFE0]  }
0xe3: {  	v8 =	vld [tilespmem:s19+$0xFFFFFFF0]  }
0xe4: {  	vm1 =	veq.s32 v10, $0x0;
	v10 =	vld [tilespmem:s19+$0x0];
	_ =	sdelay $0x1  }
0xe5: {  	s6 =	simm.s32 $0x1;
	s8 =	simm.s32 $0x40;
	v15 =	vsel vm1, v3, v13;
	v13 =	vsel vm1, v5, v16;
	v14 =	vsel vm1, v7, v14  }
.LBB2_2:
0xe6: {  	p2 =	sne.s32 s6, $0xFF  }
0xe7: {  	[tilespmem:s19+$0xFFFFFFC0] =	vst v15;
	v12 =	vsel vm1, v2, v12;
	v15 =	vsel vm1, v1, v8;
	v11 =	vsel vm1, v4, v11;
	s8 =	sadd.s32 $0x80, s8;
	s23 =	smov.u32 s6;
	s6 =	sadd.s32 $0x1, s6  }
0xe8: {  	v8 =	vsel vm1, v6, v9;
	v10 =	vsel vm1, v0, v10;
	[tilespmem:s19+$0x30] =	vst v14  }
0xe9: {  	[tilespmem:s19+$0xFFFFFFD0] =	vst v13  }
0xea: {  	v13 =	vmov s23;
	[tilespmem:s19+$0x10] =	vst v8  }
0xeb: {  	v8 =	vld [tilespmem:s8+$0xFFFFFFF0];
	[tilespmem:s19+$0x20] =	vst v11  }
0xec: {  	v14 =	vld [tilespmem:s8+$0xFFFFFFC0];
	[tilespmem:s19+$0xFFFFFFE0] =	vst v12  }
0xed: {  	v9 =	vld [tilespmem:s8+$0x10];
	[tilespmem:s19+$0xFFFFFFF0] =	vst v15  }
0xee: {  	v16 =	vld [tilespmem:s8+$0x30];
	[tilespmem:s19+$0x0] =	vst v10;
	s19 =	smov.u32 s8  }
0xef: {  	v13 =	vld.idx.msk [tilespmem:v13+s28+$0x0], $0xffff  }
0xf0: {  	v17 =	vld [tilespmem:s8+$0xFFFFFFD0]  }
0xf1: {  	v11 =	vld [tilespmem:s8+$0x20]  }
.Ltmp2:
0xf2: {  	v12 =	vld [tilespmem:s8+$0xFFFFFFE0];
	(pc) =	sbr.rel @p2 .LBB2_2-.Ltmp2, $3  }
0xf3: {  	v10 =	vld [tilespmem:s8+$0x0];
	_ =	sdelay $0x1  }
0xf4: {  	vm1 =	veq.s32 v13, $0x0  }
0xf5: {  	v15 =	vsel vm1, v3, v14;
	v13 =	vsel vm1, v5, v17;
	v14 =	vsel vm1, v7, v16  }
0xf6: {  	[tilespmem:s19+$0xFFFFFFC0] =	vst v15  }
0xf7: {  	[tilespmem:s19+$0x30] =	vst v14  }
0xf8: {  	v9 =	vsel vm1, v6, v9;
	[tilespmem:s19+$0xFFFFFFD0] =	vst v13  }
0xf9: {  	v11 =	vsel vm1, v4, v11;
	[tilespmem:s19+$0x10] =	vst v9  }
0xfa: {  	v8 =	vsel vm1, v1, v8;
	[tilespmem:s19+$0x20] =	vst v11  }
0xfb: {  	v9 =	vsel vm1, v2, v12;
	[tilespmem:s19+$0xFFFFFFF0] =	vst v8  }
0xfc: {  	[tilespmem:s19+$0xFFFFFFE0] =	vst v9;
	v9 =	vsel vm1, v0, v10  }
0xfd: {  	s10 =	simm.s32 $0x0;
	s6 =	rddreg [dreg:$0x9];
	[tilespmem:s19+$0x0] =	vst v9  }
0xfe: {  	[hbm4b:s6+s10] =	stream.linear.scatter [tilespmem:s10], [sflag:$0x2], $0x8000, $0x38;
	[tilespmem:$0x10380] =	vst v63  }
0xff: {  	_ =	swait.ge [sflag:s25], $0x8000  }
0x100: {  	[sflag:s25] =	ssyncset.done $0x0  }
0x101: {  	s11 =	rddreg [dreg:$0xa];
	[sflag:s25] =	ssyncadd.s32 $0xFFFF8000  }
0x102: {  	[tilespmem:s26], [sflag:$0x2] =	stream.linear.gather [hbm4b:s11+s10], $0x100, $0x38;
	[tilespmem:$0x10380] =	vst v63  }
0x103: {  	_ =	swait.ge [sflag:s25], $0x100  }
0x104: {  	[sflag:s25] =	ssyncset.done $0x0  }
0x105: {  	s23 =	rddreg [dreg:$0xb];
	[sflag:s25] =	ssyncadd.s32 $0xFFFFFF00  }
0x106: {  	[tilespmem:s28], [sflag:$0x2] =	stream.linear.gather [hbm4b:s23+s10], $0x100, $0x38;
	[tilespmem:$0x10380] =	vst v63  }
0x107: {  	_ =	swait.ge [sflag:s25], $0x100  }
0x108: {  	[sflag:s25] =	ssyncset.done $0x0  }
0x109: {  	[sflag:s25] =	ssyncadd.s32 $0xFFFFFF00  }
0x10a: {  	v8 =	vld [tilespmem:$0x10000];
	_ =	sdelay $0x5  }
0x10b: {  	(ifvalue) =	ssetifvalue $0xFFFFFFFF  }
0x10c: {  	(ifvalue) =	ssetifvalue $0xFFFFFFFF  }
0x10d: {  	[tilespmem:s10], [sflag:$0x1] =	stream.indirect_vreg.gather [hbm4b:s1+s10], $0x80, v8, vm0, $0x40b8;
	[tilespmem:$0x10380] =	vst v63  }
0x10e: {  	v8 =	vld [tilespmem:$0x10010];
	_ =	sdelay $0x5  }
0x10f: {  	(ifvalue) =	ssetifvalue $0xFFFFFFFF  }
0x110: {  	(ifvalue) =	ssetifvalue $0xFFFFFFFF  }
0x111: {  	[tilespmem:s29], [sflag:$0x1] =	stream.indirect_vreg.gather [hbm4b:s1+s10], $0x80, v8, vm0, $0x40b8;
	[tilespmem:$0x10380] =	vst v63  }
0x112: {  	v8 =	vld [tilespmem:$0x10020];
	_ =	sdelay $0x5  }
0x113: {  	(ifvalue) =	ssetifvalue $0xFFFFFFFF  }
0x114: {  	(ifvalue) =	ssetifvalue $0xFFFFFFFF  }
0x115: {  	[tilespmem:s30], [sflag:$0x1] =	stream.indirect_vreg.gather [hbm4b:s1+s10], $0x80, v8, vm0, $0x40b8;
	[tilespmem:$0x10380] =	vst v63  }
0x116: {  	v8 =	vld [tilespmem:$0x10030];
	_ =	sdelay $0x5  }
0x117: {  	(ifvalue) =	ssetifvalue $0xFFFFFFFF  }
0x118: {  	(ifvalue) =	ssetifvalue $0xFFFFFFFF  }
0x119: {  	[tilespmem:s31], [sflag:$0x1] =	stream.indirect_vreg.gather [hbm4b:s1+s10], $0x80, v8, vm0, $0x40b8;
	[tilespmem:$0x10380] =	vst v63  }
0x11a: {  	v8 =	vld [tilespmem:$0x10040];
	_ =	sdelay $0x5  }
0x11b: {  	(ifvalue) =	ssetifvalue $0xFFFFFFFF  }
0x11c: {  	(ifvalue) =	ssetifvalue $0xFFFFFFFF  }
0x11d: {  	[tilespmem:s0], [sflag:$0x1] =	stream.indirect_vreg.gather [hbm4b:s1+s10], $0x80, v8, vm0, $0x40b8;
	[tilespmem:$0x10380] =	vst v63  }
0x11e: {  	v8 =	vld [tilespmem:$0x10050];
	_ =	sdelay $0x5  }
0x11f: {  	(ifvalue) =	ssetifvalue $0xFFFFFFFF  }
0x120: {  	(ifvalue) =	ssetifvalue $0xFFFFFFFF  }
0x121: {  	[tilespmem:s20], [sflag:$0x1] =	stream.indirect_vreg.gather [hbm4b:s1+s10], $0x80, v8, vm0, $0x40b8;
	[tilespmem:$0x10380] =	vst v63  }
0x122: {  	v8 =	vld [tilespmem:$0x10060];
	_ =	sdelay $0x5  }
0x123: {  	(ifvalue) =	ssetifvalue $0xFFFFFFFF  }
0x124: {  	(ifvalue) =	ssetifvalue $0xFFFFFFFF  }
0x125: {  	[tilespmem:s21], [sflag:$0x1] =	stream.indirect_vreg.gather [hbm4b:s1+s10], $0x80, v8, vm0, $0x40b8;
	[tilespmem:$0x10380] =	vst v63  }
0x126: {  	v8 =	vld [tilespmem:$0x10070];
	_ =	sdelay $0x5  }
0x127: {  	(ifvalue) =	ssetifvalue $0xFFFFFFFF  }
0x128: {  	(ifvalue) =	ssetifvalue $0xFFFFFFFF  }
0x129: {  	[tilespmem:s22], [sflag:$0x1] =	stream.indirect_vreg.gather [hbm4b:s1+s10], $0x80, v8, vm0, $0x40b8;
	[tilespmem:$0x10380] =	vst v63  }
0x12a: {  	v8 =	vld [tilespmem:$0x10080];
	_ =	sdelay $0x5  }
0x12b: {  	(ifvalue) =	ssetifvalue $0xFFFFFFFF  }
0x12c: {  	(ifvalue) =	ssetifvalue $0xFFFFFFFF  }
0x12d: {  	[tilespmem:s2], [sflag:$0x1] =	stream.indirect_vreg.gather [hbm4b:s1+s10], $0x80, v8, vm0, $0x40b8;
	[tilespmem:$0x10380] =	vst v63  }
0x12e: {  	v8 =	vld [tilespmem:$0x10090];
	_ =	sdelay $0x5  }
0x12f: {  	(ifvalue) =	ssetifvalue $0xFFFFFFFF  }
0x130: {  	(ifvalue) =	ssetifvalue $0xFFFFFFFF  }
0x131: {  	[tilespmem:s24], [sflag:$0x1] =	stream.indirect_vreg.gather [hbm4b:s1+s10], $0x80, v8, vm0, $0x40b8;
	[tilespmem:$0x10380] =	vst v63  }
0x132: {  	v8 =	vld [tilespmem:$0x100A0];
	_ =	sdelay $0x5  }
0x133: {  	(ifvalue) =	ssetifvalue $0xFFFFFFFF  }
0x134: {  	(ifvalue) =	ssetifvalue $0xFFFFFFFF  }
0x135: {  	[tilespmem:s9], [sflag:$0x1] =	stream.indirect_vreg.gather [hbm4b:s1+s10], $0x80, v8, vm0, $0x40b8;
	[tilespmem:$0x10380] =	vst v63  }
0x136: {  	v8 =	vld [tilespmem:$0x100B0];
	_ =	sdelay $0x5  }
0x137: {  	(ifvalue) =	ssetifvalue $0xFFFFFFFF  }
0x138: {  	(ifvalue) =	ssetifvalue $0xFFFFFFFF  }
0x139: {  	[tilespmem:s16], [sflag:$0x1] =	stream.indirect_vreg.gather [hbm4b:s1+s10], $0x80, v8, vm0, $0x40b8;
	[tilespmem:$0x10380] =	vst v63  }
0x13a: {  	v8 =	vld [tilespmem:$0x100C0];
	_ =	sdelay $0x5  }
0x13b: {  	(ifvalue) =	ssetifvalue $0xFFFFFFFF  }
0x13c: {  	(ifvalue) =	ssetifvalue $0xFFFFFFFF  }
0x13d: {  	[tilespmem:s17], [sflag:$0x1] =	stream.indirect_vreg.gather [hbm4b:s1+s10], $0x80, v8, vm0, $0x40b8;
	[tilespmem:$0x10380] =	vst v63  }
0x13e: {  	v8 =	vld [tilespmem:$0x100D0];
	_ =	sdelay $0x5  }
0x13f: {  	(ifvalue) =	ssetifvalue $0xFFFFFFFF  }
0x140: {  	(ifvalue) =	ssetifvalue $0xFFFFFFFF  }
0x141: {  	[tilespmem:s18], [sflag:$0x1] =	stream.indirect_vreg.gather [hbm4b:s1+s10], $0x80, v8, vm0, $0x40b8;
	[tilespmem:$0x10380] =	vst v63  }
0x142: {  	v8 =	vld [tilespmem:$0x100E0];
	_ =	sdelay $0x5  }
0x143: {  	(ifvalue) =	ssetifvalue $0xFFFFFFFF  }
0x144: {  	(ifvalue) =	ssetifvalue $0xFFFFFFFF  }
0x145: {  	[tilespmem:s4], [sflag:$0x1] =	stream.indirect_vreg.gather [hbm4b:s1+s10], $0x80, v8, vm0, $0x40b8;
	[tilespmem:$0x10380] =	vst v63  }
0x146: {  	v8 =	vld [tilespmem:$0x100F0];
	_ =	sdelay $0x5  }
0x147: {  	(ifvalue) =	ssetifvalue $0xFFFFFFFF  }
0x148: {  	v9 =	vmov s10;
	(ifvalue) =	ssetifvalue $0xFFFFFFFF  }
0x149: {  	v9 =	vadd.s32 $0x100, v9;
	[tilespmem:s5], [sflag:$0x1] =	stream.indirect_vreg.gather [hbm4b:s1+s10], $0x80, v8, vm0, $0x40b8;
	[tilespmem:$0x10380] =	vst v63  }
0x14a: {  	v8 =	vbroadcast v9, $0x0;
	_ =	swait.ge [sflag:s14], $0x8000  }
0x14b: {  	[sflag:s14] =	ssyncset.done $0x0  }
0x14c: {  	s19 =	simm.s32 $0x0;
	[sflag:s14] =	ssyncadd.s32 $0xFFFF8000  }
0x14d: {  	v13 =	vld [tilespmem:s19+$0x8000]  }
0x14e: {  	v14 =	vld [tilespmem:s19+$0x8070]  }
0x14f: {  	v16 =	vld [tilespmem:s19+$0x8010]  }
0x150: {  	v11 =	vld.idx.msk [tilespmem:v8+s28+$0x0], $0xffff  }
0x151: {  	v12 =	vld [tilespmem:s19+$0x8060]  }
0x152: {  	v10 =	vld [tilespmem:s19+$0x8030]  }
0x153: {  	v9 =	vld [tilespmem:s19+$0x8020]  }
0x154: {  	v8 =	vld [tilespmem:s19+$0x8040]  }
0x155: {  	vm1 =	veq.s32 v11, $0x0;
	v11 =	vld [tilespmem:s19+$0x8050];
	_ =	sdelay $0x1  }
0x156: {  	s8 =	simm.s32 $0x400;
	s6 =	simm.s32 $0x1;
	s23 =	simm.s32 $0x200;
	v15 =	vsel vm1, v3, v13;
	v13 =	vsel vm1, v5, v16;
	v14 =	vsel vm1, v7, v14  }
.LBB2_4:
0x157: {  	p2 =	sne.s32 s8, $0x1FE00;
	v16 =	vmov s6;
	[tilespmem:s19+$0x8000] =	vst v15;
	v10 =	vsel vm1, v1, v10;
	v12 =	vsel vm1, v4, v12;
	s10 =	smov.u32 s8;
	s8 =	sadd.s32 $0x200, s8  }
0x158: {  	v8 =	vsel vm1, v0, v8;
	v15 =	vadd.s32 $0x100, v16;
	v9 =	vsel vm1, v2, v9;
	[tilespmem:s19+$0x8070] =	vst v14  }
0x159: {  	v14 =	vbroadcast v15, $0x0;
	[tilespmem:s19+$0x8010] =	vst v13;
	v11 =	vsel vm1, v6, v11  }
0x15a: {  	[tilespmem:s19+$0x8040] =	vst v8  }
0x15b: {  	s11 =	sshra.s32 s23, $0x2;
	s23 =	smov.u32 s10;
	[tilespmem:s19+$0x8060] =	vst v12  }
0x15c: {  	v13 =	vld [tilespmem:s11+$0x8000];
	[tilespmem:s19+$0x8050] =	vst v11  }
0x15d: {  	v8 =	vld [tilespmem:s11+$0x8040];
	[tilespmem:s19+$0x8030] =	vst v10  }
0x15e: {  	v16 =	vld [tilespmem:s11+$0x8070];
	[tilespmem:s19+$0x8020] =	vst v9;
	s19 =	smov.u32 s11  }
0x15f: {  	v14 =	vld.idx.msk [tilespmem:v14+s28+$0x0], $0xffff  }
0x160: {  	v17 =	vld [tilespmem:s19+$0x8010]  }
0x161: {  	v12 =	vld [tilespmem:s19+$0x8060]  }
.Ltmp3:
0x162: {  	v10 =	vld [tilespmem:s19+$0x8030];
	(pc) =	sbr.rel @p2 .LBB2_4-.Ltmp3, $4  }
0x163: {  	v9 =	vld [tilespmem:s19+$0x8020]  }
0x164: {  	v11 =	vld [tilespmem:s19+$0x8050]  }
0x165: {  	vm1 =	veq.s32 v14, $0x0  }
0x166: {  	s6 =	sadd.s32 $0x1, s6;
	v15 =	vsel vm1, v3, v13;
	v13 =	vsel vm1, v5, v17;
	v14 =	vsel vm1, v7, v16  }
0x167: {  	v8 =	vsel vm1, v0, v8;
	[tilespmem:s19+$0x8010] =	vst v13;
	v13 =	vmov s6  }
0x168: {  	[tilespmem:s19+$0x8040] =	vst v8;
	v8 =	vadd.s32 $0x100, v13  }
0x169: {  	[tilespmem:s19+$0x8000] =	vst v15;
	v8 =	vbroadcast v8, $0x0  }
0x16a: {  	[tilespmem:s19+$0x8070] =	vst v14;
	v12 =	vsel vm1, v4, v12  }
0x16b: {  	s23 =	sshra.s32 s23, $0x2;
	[tilespmem:s19+$0x8060] =	vst v12;
	v11 =	vsel vm1, v6, v11  }
0x16c: {  	v10 =	vsel vm1, v1, v10;
	v12 =	vld [tilespmem:s23+$0x8000];
	[tilespmem:s19+$0x8050] =	vst v11  }
0x16d: {  	v9 =	vsel vm1, v2, v9;
	v11 =	vld [tilespmem:s23+$0x8040];
	[tilespmem:s19+$0x8030] =	vst v10  }
0x16e: {  	v10 =	vld [tilespmem:s23+$0x8070];
	[tilespmem:s19+$0x8020] =	vst v9  }
0x16f: {  	v8 =	vld.idx.msk [tilespmem:v8+s28+$0x0], $0xffff;
	_ =	sdelay $0x2  }
0x170: {  	v9 =	vld [tilespmem:s23+$0x8010];
	_ =	sdelay $0x1  }
0x171: {  	v13 =	vld [tilespmem:s23+$0x8060];
	vm1 =	veq.s32 v8, $0x0  }
0x172: {  	v14 =	vld [tilespmem:s23+$0x8030];
	v12 =	vsel vm1, v3, v12  }
0x173: {  	v8 =	vld [tilespmem:s23+$0x8050];
	v10 =	vsel vm1, v7, v10;
	[tilespmem:s23+$0x8000] =	vst v12  }
0x174: {  	v9 =	vsel vm1, v5, v9;
	v12 =	vld [tilespmem:s23+$0x8020];
	[tilespmem:s23+$0x8070] =	vst v10  }
0x175: {  	v10 =	vsel vm1, v0, v11;
	[tilespmem:s23+$0x8010] =	vst v9  }
0x176: {  	v9 =	vsel vm1, v4, v13;
	[tilespmem:s23+$0x8040] =	vst v10  }
0x177: {  	[tilespmem:s23+$0x8060] =	vst v9;
	v9 =	vsel vm1, v1, v14  }
0x178: {  	[tilespmem:s23+$0x8030] =	vst v9;
	v8 =	vsel vm1, v6, v8  }
0x179: {  	[tilespmem:s23+$0x8050] =	vst v8;
	v8 =	vsel vm1, v2, v12  }
0x17a: {  	s8 =	rddreg [dreg:$0xc];
	s19 =	simm.s32 $0x0;
	[tilespmem:s23+$0x8020] =	vst v8  }
0x17b: {  	[hbm4b:s8+s19] =	stream.linear.scatter [tilespmem:s7], [sflag:$0x2], $0x8000, $0x38;
	[tilespmem:$0x10380] =	vst v63  }
0x17c: {  	_ =	swait.ge [sflag:s25], $0x8000  }
0x17d: {  	[sflag:s25] =	ssyncset.done $0x0  }
0x17e: {  	s10 =	rddreg [dreg:$0xd];
	[sflag:s25] =	ssyncadd.s32 $0xFFFF8000  }
0x17f: {  	[tilespmem:s26], [sflag:$0x2] =	stream.linear.gather [hbm4b:s10+s19], $0x100, $0x38;
	[tilespmem:$0x10380] =	vst v63  }
0x180: {  	_ =	swait.ge [sflag:s25], $0x100  }
0x181: {  	[sflag:s25] =	ssyncset.done $0x0  }
0x182: {  	s8 =	simm.s32 $0x10280;
	s11 =	rddreg [dreg:$0xe];
	[sflag:s25] =	ssyncadd.s32 $0xFFFFFF00  }
0x183: {  	[tilespmem:s8], [sflag:$0x2] =	stream.linear.gather [hbm4b:s11+s19], $0x100, $0x38;
	[tilespmem:$0x10380] =	vst v63  }
0x184: {  	_ =	swait.ge [sflag:s25], $0x100  }
0x185: {  	[sflag:s25] =	ssyncset.done $0x0  }
0x186: {  	[sflag:s25] =	ssyncadd.s32 $0xFFFFFF00  }
0x187: {  	v8 =	vld [tilespmem:$0x10000];
	_ =	sdelay $0x5  }
0x188: {  	(ifvalue) =	ssetifvalue $0xFFFFFFFF  }
0x189: {  	(ifvalue) =	ssetifvalue $0xFFFFFFFF  }
0x18a: {  	[tilespmem:s7], [sflag:$0x1] =	stream.indirect_vreg.gather [hbm4b:s1+s19], $0x80, v8, vm0, $0x40b8;
	[tilespmem:$0x10380] =	vst v63  }
0x18b: {  	v8 =	vld [tilespmem:$0x10010];
	_ =	sdelay $0x5  }
0x18c: {  	(ifvalue) =	ssetifvalue $0xFFFFFFFF  }
0x18d: {  	s23 =	simm.s32 $0x8800;
	(ifvalue) =	ssetifvalue $0xFFFFFFFF  }
0x18e: {  	[tilespmem:s23], [sflag:$0x1] =	stream.indirect_vreg.gather [hbm4b:s1+s19], $0x80, v8, vm0, $0x40b8;
	[tilespmem:$0x10380] =	vst v63  }
0x18f: {  	v8 =	vld [tilespmem:$0x10020];
	_ =	sdelay $0x5  }
0x190: {  	(ifvalue) =	ssetifvalue $0xFFFFFFFF  }
0x191: {  	s8 =	simm.s32 $0x9000;
	(ifvalue) =	ssetifvalue $0xFFFFFFFF  }
0x192: {  	[tilespmem:s8], [sflag:$0x1] =	stream.indirect_vreg.gather [hbm4b:s1+s19], $0x80, v8, vm0, $0x40b8;
	[tilespmem:$0x10380] =	vst v63  }
0x193: {  	v8 =	vld [tilespmem:$0x10030];
	_ =	sdelay $0x5  }
0x194: {  	(ifvalue) =	ssetifvalue $0xFFFFFFFF  }
0x195: {  	s10 =	simm.s32 $0x9800;
	(ifvalue) =	ssetifvalue $0xFFFFFFFF  }
0x196: {  	[tilespmem:s10], [sflag:$0x1] =	stream.indirect_vreg.gather [hbm4b:s1+s19], $0x80, v8, vm0, $0x40b8;
	[tilespmem:$0x10380] =	vst v63  }
0x197: {  	v8 =	vld [tilespmem:$0x10040];
	_ =	sdelay $0x5  }
0x198: {  	(ifvalue) =	ssetifvalue $0xFFFFFFFF  }
0x199: {  	s11 =	simm.s32 $0xA000;
	(ifvalue) =	ssetifvalue $0xFFFFFFFF  }
0x19a: {  	[tilespmem:s11], [sflag:$0x1] =	stream.indirect_vreg.gather [hbm4b:s1+s19], $0x80, v8, vm0, $0x40b8;
	[tilespmem:$0x10380] =	vst v63  }
0x19b: {  	v8 =	vld [tilespmem:$0x10050];
	_ =	sdelay $0x5  }
0x19c: {  	(ifvalue) =	ssetifvalue $0xFFFFFFFF  }
0x19d: {  	s23 =	simm.s32 $0xA800;
	(ifvalue) =	ssetifvalue $0xFFFFFFFF  }
0x19e: {  	[tilespmem:s23], [sflag:$0x1] =	stream.indirect_vreg.gather [hbm4b:s1+s19], $0x80, v8, vm0, $0x40b8;
	[tilespmem:$0x10380] =	vst v63  }
0x19f: {  	v8 =	vld [tilespmem:$0x10060];
	_ =	sdelay $0x5  }
0x1a0: {  	(ifvalue) =	ssetifvalue $0xFFFFFFFF  }
0x1a1: {  	s8 =	simm.s32 $0xB000;
	(ifvalue) =	ssetifvalue $0xFFFFFFFF  }
0x1a2: {  	[tilespmem:s8], [sflag:$0x1] =	stream.indirect_vreg.gather [hbm4b:s1+s19], $0x80, v8, vm0, $0x40b8;
	[tilespmem:$0x10380] =	vst v63  }
0x1a3: {  	v8 =	vld [tilespmem:$0x10070];
	_ =	sdelay $0x5  }
0x1a4: {  	(ifvalue) =	ssetifvalue $0xFFFFFFFF  }
0x1a5: {  	s10 =	simm.s32 $0xB800;
	(ifvalue) =	ssetifvalue $0xFFFFFFFF  }
0x1a6: {  	[tilespmem:s10], [sflag:$0x1] =	stream.indirect_vreg.gather [hbm4b:s1+s19], $0x80, v8, vm0, $0x40b8;
	[tilespmem:$0x10380] =	vst v63  }
0x1a7: {  	v8 =	vld [tilespmem:$0x10080];
	_ =	sdelay $0x5  }
0x1a8: {  	(ifvalue) =	ssetifvalue $0xFFFFFFFF  }
0x1a9: {  	s11 =	simm.s32 $0xC000;
	(ifvalue) =	ssetifvalue $0xFFFFFFFF  }
0x1aa: {  	[tilespmem:s11], [sflag:$0x1] =	stream.indirect_vreg.gather [hbm4b:s1+s19], $0x80, v8, vm0, $0x40b8;
	[tilespmem:$0x10380] =	vst v63  }
0x1ab: {  	v8 =	vld [tilespmem:$0x10090];
	_ =	sdelay $0x5  }
0x1ac: {  	(ifvalue) =	ssetifvalue $0xFFFFFFFF  }
0x1ad: {  	s23 =	simm.s32 $0xC800;
	(ifvalue) =	ssetifvalue $0xFFFFFFFF  }
0x1ae: {  	[tilespmem:s23], [sflag:$0x1] =	stream.indirect_vreg.gather [hbm4b:s1+s19], $0x80, v8, vm0, $0x40b8;
	[tilespmem:$0x10380] =	vst v63  }
0x1af: {  	v8 =	vld [tilespmem:$0x100A0];
	_ =	sdelay $0x5  }
0x1b0: {  	(ifvalue) =	ssetifvalue $0xFFFFFFFF  }
0x1b1: {  	s8 =	simm.s32 $0xD000;
	(ifvalue) =	ssetifvalue $0xFFFFFFFF  }
0x1b2: {  	[tilespmem:s8], [sflag:$0x1] =	stream.indirect_vreg.gather [hbm4b:s1+s19], $0x80, v8, vm0, $0x40b8;
	[tilespmem:$0x10380] =	vst v63  }
0x1b3: {  	v8 =	vld [tilespmem:$0x100B0];
	_ =	sdelay $0x5  }
0x1b4: {  	(ifvalue) =	ssetifvalue $0xFFFFFFFF  }
0x1b5: {  	s10 =	simm.s32 $0xD800;
	(ifvalue) =	ssetifvalue $0xFFFFFFFF  }
0x1b6: {  	[tilespmem:s10], [sflag:$0x1] =	stream.indirect_vreg.gather [hbm4b:s1+s19], $0x80, v8, vm0, $0x40b8;
	[tilespmem:$0x10380] =	vst v63  }
0x1b7: {  	v8 =	vld [tilespmem:$0x100C0];
	_ =	sdelay $0x5  }
0x1b8: {  	(ifvalue) =	ssetifvalue $0xFFFFFFFF  }
0x1b9: {  	s11 =	simm.s32 $0xE000;
	(ifvalue) =	ssetifvalue $0xFFFFFFFF  }
0x1ba: {  	[tilespmem:s11], [sflag:$0x1] =	stream.indirect_vreg.gather [hbm4b:s1+s19], $0x80, v8, vm0, $0x40b8;
	[tilespmem:$0x10380] =	vst v63  }
0x1bb: {  	v8 =	vld [tilespmem:$0x100D0];
	_ =	sdelay $0x5  }
0x1bc: {  	(ifvalue) =	ssetifvalue $0xFFFFFFFF  }
0x1bd: {  	s23 =	simm.s32 $0xE800;
	(ifvalue) =	ssetifvalue $0xFFFFFFFF  }
0x1be: {  	[tilespmem:s23], [sflag:$0x1] =	stream.indirect_vreg.gather [hbm4b:s1+s19], $0x80, v8, vm0, $0x40b8;
	[tilespmem:$0x10380] =	vst v63  }
0x1bf: {  	v8 =	vld [tilespmem:$0x100E0];
	_ =	sdelay $0x5  }
0x1c0: {  	(ifvalue) =	ssetifvalue $0xFFFFFFFF  }
0x1c1: {  	(ifvalue) =	ssetifvalue $0xFFFFFFFF  }
0x1c2: {  	[tilespmem:s12], [sflag:$0x1] =	stream.indirect_vreg.gather [hbm4b:s1+s19], $0x80, v8, vm0, $0x40b8;
	[tilespmem:$0x10380] =	vst v63  }
0x1c3: {  	v8 =	vld [tilespmem:$0x100F0];
	_ =	sdelay $0x5  }
0x1c4: {  	(ifvalue) =	ssetifvalue $0xFFFFFFFF  }
0x1c5: {  	(ifvalue) =	ssetifvalue $0xFFFFFFFF  }
0x1c6: {  	[tilespmem:s13], [sflag:$0x1] =	stream.indirect_vreg.gather [hbm4b:s1+s19], $0x80, v8, vm0, $0x40b8;
	[tilespmem:$0x10380] =	vst v63  }
0x1c7: {  	_ =	swait.ge [sflag:s14], $0x8000  }
0x1c8: {  	v8 =	vmov s19;
	[sflag:s14] =	ssyncset.done $0x0  }
0x1c9: {  	s19 =	simm.s32 $0x40;
	[sflag:s14] =	ssyncadd.s32 $0xFFFF8000  }
0x1ca: {  	v13 =	vld [tilespmem:s19+$0xFFFFFFC0]  }
0x1cb: {  	v14 =	vld [tilespmem:s19+$0x30]  }
0x1cc: {  	v16 =	vld [tilespmem:s19+$0xFFFFFFD0]  }
0x1cd: {  	v10 =	vld.idx.msk [tilespmem:v8+s28+$0x0], $0xffff  }
0x1ce: {  	v9 =	vld [tilespmem:s19+$0x10]  }
0x1cf: {  	v11 =	vld [tilespmem:s19+$0x20]  }
0x1d0: {  	v12 =	vld [tilespmem:s19+$0xFFFFFFE0]  }
0x1d1: {  	v8 =	vld [tilespmem:s19+$0xFFFFFFF0]  }
0x1d2: {  	vm1 =	veq.s32 v10, $0x0;
	v10 =	vld [tilespmem:s19+$0x0];
	_ =	sdelay $0x1  }
0x1d3: {  	s6 =	simm.s32 $0x1;
	s8 =	simm.s32 $0x40;
	v15 =	vsel vm1, v3, v13;
	v13 =	vsel vm1, v5, v16;
	v14 =	vsel vm1, v7, v14  }
.LBB2_6:
0x1d4: {  	p2 =	sne.s32 s6, $0xFF  }
0x1d5: {  	[tilespmem:s19+$0xFFFFFFC0] =	vst v15;
	v12 =	vsel vm1, v2, v12;
	v15 =	vsel vm1, v1, v8;
	v11 =	vsel vm1, v4, v11;
	s8 =	sadd.s32 $0x80, s8;
	s10 =	smov.u32 s6;
	s6 =	sadd.s32 $0x1, s6  }
0x1d6: {  	v8 =	vsel vm1, v6, v9;
	v10 =	vsel vm1, v0, v10;
	[tilespmem:s19+$0x30] =	vst v14  }
0x1d7: {  	[tilespmem:s19+$0xFFFFFFD0] =	vst v13  }
0x1d8: {  	v13 =	vmov s10;
	[tilespmem:s19+$0x10] =	vst v8  }
0x1d9: {  	v8 =	vld [tilespmem:s8+$0xFFFFFFF0];
	[tilespmem:s19+$0x20] =	vst v11  }
0x1da: {  	v14 =	vld [tilespmem:s8+$0xFFFFFFC0];
	[tilespmem:s19+$0xFFFFFFE0] =	vst v12  }
0x1db: {  	v9 =	vld [tilespmem:s8+$0x10];
	[tilespmem:s19+$0xFFFFFFF0] =	vst v15  }
0x1dc: {  	v16 =	vld [tilespmem:s8+$0x30];
	[tilespmem:s19+$0x0] =	vst v10;
	s19 =	smov.u32 s8  }
0x1dd: {  	v13 =	vld.idx.msk [tilespmem:v13+s28+$0x0], $0xffff  }
0x1de: {  	v17 =	vld [tilespmem:s8+$0xFFFFFFD0]  }
0x1df: {  	v11 =	vld [tilespmem:s8+$0x20]  }
.Ltmp4:
0x1e0: {  	v12 =	vld [tilespmem:s8+$0xFFFFFFE0];
	(pc) =	sbr.rel @p2 .LBB2_6-.Ltmp4, $3  }
0x1e1: {  	v10 =	vld [tilespmem:s8+$0x0];
	_ =	sdelay $0x1  }
0x1e2: {  	vm1 =	veq.s32 v13, $0x0  }
0x1e3: {  	v15 =	vsel vm1, v3, v14;
	v13 =	vsel vm1, v5, v17;
	v14 =	vsel vm1, v7, v16  }
0x1e4: {  	[tilespmem:s19+$0xFFFFFFC0] =	vst v15  }
0x1e5: {  	[tilespmem:s19+$0x30] =	vst v14  }
0x1e6: {  	v9 =	vsel vm1, v6, v9;
	[tilespmem:s19+$0xFFFFFFD0] =	vst v13  }
0x1e7: {  	v11 =	vsel vm1, v4, v11;
	[tilespmem:s19+$0x10] =	vst v9  }
0x1e8: {  	v62 =	vsel vm1, v2, v12;
	[tilespmem:s19+$0x20] =	vst v11  }
0x1e9: {  	v8 =	vsel vm1, v1, v8;
	[tilespmem:s19+$0xFFFFFFE0] =	vst v62  }
0x1ea: {  	v63 =	vsel vm1, v0, v10;
	[tilespmem:s19+$0xFFFFFFF0] =	vst v8  }
.Ltmp5:
0x1eb: {  	s6 =	rddreg [dreg:$0xf];
	[tilespmem:s19+$0x0] =	vst v63;
	(pc) =	sbr.rel @p1 .LBB2_9-.Ltmp5, $4  }
0x1ec: {  	[hbm4b:s6+s3] =	stream.linear.scatter [tilespmem:s3], [sflag:$0x2], $0x8000, $0x38;
	[tilespmem:$0x10380] =	vst v63  }
0x1ed: {  	_ =	swait.ge [sflag:s25], $0x8000  }
0x1ee: {  	[sflag:s25] =	ssyncset.done $0x0  }
0x1ef: {  	[sflag:s25] =	ssyncadd.s32 $0xFFFF8000  }
0x1f0: {  	s6 =	rddreg [dreg:$0x11]  }
0x1f1: {  	[tilespmem:s26], [sflag:$0x2] =	stream.linear.gather [hbm4b:s6+s3], $0x100, $0x38;
	[tilespmem:$0x10380] =	vst v63  }
0x1f2: {  	_ =	swait.ge [sflag:s25], $0x100  }
0x1f3: {  	[sflag:s25] =	ssyncset.done $0x0  }
0x1f4: {  	s23 =	rddreg [dreg:$0x12];
	[sflag:s25] =	ssyncadd.s32 $0xFFFFFF00  }
0x1f5: {  	[tilespmem:s28], [sflag:$0x2] =	stream.linear.gather [hbm4b:s23+s3], $0x100, $0x38;
	[tilespmem:$0x10380] =	vst v63  }
0x1f6: {  	_ =	swait.ge [sflag:s25], $0x100  }
0x1f7: {  	[sflag:s25] =	ssyncset.done $0x0  }
0x1f8: {  	[sflag:s25] =	ssyncadd.s32 $0xFFFFFF00  }
0x1f9: {  	v8 =	vld [tilespmem:$0x10000];
	_ =	sdelay $0x5  }
0x1fa: {  	(ifvalue) =	ssetifvalue $0xFFFFFFFF  }
0x1fb: {  	(ifvalue) =	ssetifvalue $0xFFFFFFFF  }
0x1fc: {  	[tilespmem:s3], [sflag:$0x1] =	stream.indirect_vreg.gather [hbm4b:s1+s3], $0x80, v8, vm0, $0x40b8;
	[tilespmem:$0x10380] =	vst v63  }
0x1fd: {  	v8 =	vld [tilespmem:$0x10010];
	_ =	sdelay $0x5  }
0x1fe: {  	(ifvalue) =	ssetifvalue $0xFFFFFFFF  }
0x1ff: {  	(ifvalue) =	ssetifvalue $0xFFFFFFFF  }
0x200: {  	[tilespmem:s29], [sflag:$0x1] =	stream.indirect_vreg.gather [hbm4b:s1+s3], $0x80, v8, vm0, $0x40b8;
	[tilespmem:$0x10380] =	vst v63  }
0x201: {  	v8 =	vld [tilespmem:$0x10020];
	_ =	sdelay $0x5  }
0x202: {  	(ifvalue) =	ssetifvalue $0xFFFFFFFF  }
0x203: {  	(ifvalue) =	ssetifvalue $0xFFFFFFFF  }
0x204: {  	[tilespmem:s30], [sflag:$0x1] =	stream.indirect_vreg.gather [hbm4b:s1+s3], $0x80, v8, vm0, $0x40b8;
	[tilespmem:$0x10380] =	vst v63  }
0x205: {  	v8 =	vld [tilespmem:$0x10030];
	_ =	sdelay $0x5  }
0x206: {  	(ifvalue) =	ssetifvalue $0xFFFFFFFF  }
0x207: {  	(ifvalue) =	ssetifvalue $0xFFFFFFFF  }
0x208: {  	[tilespmem:s31], [sflag:$0x1] =	stream.indirect_vreg.gather [hbm4b:s1+s3], $0x80, v8, vm0, $0x40b8;
	[tilespmem:$0x10380] =	vst v63  }
0x209: {  	v8 =	vld [tilespmem:$0x10040];
	_ =	sdelay $0x5  }
0x20a: {  	(ifvalue) =	ssetifvalue $0xFFFFFFFF  }
0x20b: {  	(ifvalue) =	ssetifvalue $0xFFFFFFFF  }
0x20c: {  	[tilespmem:s0], [sflag:$0x1] =	stream.indirect_vreg.gather [hbm4b:s1+s3], $0x80, v8, vm0, $0x40b8;
	[tilespmem:$0x10380] =	vst v63  }
0x20d: {  	v8 =	vld [tilespmem:$0x10050];
	_ =	sdelay $0x5  }
0x20e: {  	(ifvalue) =	ssetifvalue $0xFFFFFFFF  }
0x20f: {  	(ifvalue) =	ssetifvalue $0xFFFFFFFF  }
0x210: {  	[tilespmem:s20], [sflag:$0x1] =	stream.indirect_vreg.gather [hbm4b:s1+s3], $0x80, v8, vm0, $0x40b8;
	[tilespmem:$0x10380] =	vst v63  }
0x211: {  	v8 =	vld [tilespmem:$0x10060];
	_ =	sdelay $0x5  }
0x212: {  	(ifvalue) =	ssetifvalue $0xFFFFFFFF  }
0x213: {  	(ifvalue) =	ssetifvalue $0xFFFFFFFF  }
0x214: {  	[tilespmem:s21], [sflag:$0x1] =	stream.indirect_vreg.gather [hbm4b:s1+s3], $0x80, v8, vm0, $0x40b8;
	[tilespmem:$0x10380] =	vst v63  }
0x215: {  	v8 =	vld [tilespmem:$0x10070];
	_ =	sdelay $0x5  }
0x216: {  	(ifvalue) =	ssetifvalue $0xFFFFFFFF  }
0x217: {  	(ifvalue) =	ssetifvalue $0xFFFFFFFF  }
0x218: {  	[tilespmem:s22], [sflag:$0x1] =	stream.indirect_vreg.gather [hbm4b:s1+s3], $0x80, v8, vm0, $0x40b8;
	[tilespmem:$0x10380] =	vst v63  }
0x219: {  	v8 =	vld [tilespmem:$0x10080];
	_ =	sdelay $0x5  }
0x21a: {  	(ifvalue) =	ssetifvalue $0xFFFFFFFF  }
0x21b: {  	(ifvalue) =	ssetifvalue $0xFFFFFFFF  }
0x21c: {  	[tilespmem:s2], [sflag:$0x1] =	stream.indirect_vreg.gather [hbm4b:s1+s3], $0x80, v8, vm0, $0x40b8;
	[tilespmem:$0x10380] =	vst v63  }
0x21d: {  	v8 =	vld [tilespmem:$0x10090];
	_ =	sdelay $0x5  }
0x21e: {  	(ifvalue) =	ssetifvalue $0xFFFFFFFF  }
0x21f: {  	(ifvalue) =	ssetifvalue $0xFFFFFFFF  }
0x220: {  	[tilespmem:s24], [sflag:$0x1] =	stream.indirect_vreg.gather [hbm4b:s1+s3], $0x80, v8, vm0, $0x40b8;
	[tilespmem:$0x10380] =	vst v63  }
0x221: {  	v8 =	vld [tilespmem:$0x100A0];
	_ =	sdelay $0x5  }
0x222: {  	(ifvalue) =	ssetifvalue $0xFFFFFFFF  }
0x223: {  	(ifvalue) =	ssetifvalue $0xFFFFFFFF  }
0x224: {  	[tilespmem:s9], [sflag:$0x1] =	stream.indirect_vreg.gather [hbm4b:s1+s3], $0x80, v8, vm0, $0x40b8;
	[tilespmem:$0x10380] =	vst v63  }
0x225: {  	v8 =	vld [tilespmem:$0x100B0];
	_ =	sdelay $0x5  }
0x226: {  	(ifvalue) =	ssetifvalue $0xFFFFFFFF  }
0x227: {  	(ifvalue) =	ssetifvalue $0xFFFFFFFF  }
0x228: {  	[tilespmem:s16], [sflag:$0x1] =	stream.indirect_vreg.gather [hbm4b:s1+s3], $0x80, v8, vm0, $0x40b8;
	[tilespmem:$0x10380] =	vst v63  }
0x229: {  	v8 =	vld [tilespmem:$0x100C0];
	_ =	sdelay $0x5  }
0x22a: {  	(ifvalue) =	ssetifvalue $0xFFFFFFFF  }
0x22b: {  	(ifvalue) =	ssetifvalue $0xFFFFFFFF  }
0x22c: {  	[tilespmem:s17], [sflag:$0x1] =	stream.indirect_vreg.gather [hbm4b:s1+s3], $0x80, v8, vm0, $0x40b8;
	[tilespmem:$0x10380] =	vst v63  }
0x22d: {  	v8 =	vld [tilespmem:$0x100D0];
	_ =	sdelay $0x5  }
0x22e: {  	(ifvalue) =	ssetifvalue $0xFFFFFFFF  }
0x22f: {  	(ifvalue) =	ssetifvalue $0xFFFFFFFF  }
0x230: {  	[tilespmem:s18], [sflag:$0x1] =	stream.indirect_vreg.gather [hbm4b:s1+s3], $0x80, v8, vm0, $0x40b8;
	[tilespmem:$0x10380] =	vst v63  }
0x231: {  	v8 =	vld [tilespmem:$0x100E0];
	_ =	sdelay $0x5  }
0x232: {  	(ifvalue) =	ssetifvalue $0xFFFFFFFF  }
0x233: {  	(ifvalue) =	ssetifvalue $0xFFFFFFFF  }
0x234: {  	[tilespmem:s4], [sflag:$0x1] =	stream.indirect_vreg.gather [hbm4b:s1+s3], $0x80, v8, vm0, $0x40b8;
	[tilespmem:$0x10380] =	vst v63  }
0x235: {  	v8 =	vld [tilespmem:$0x100F0];
	_ =	sdelay $0x5  }
0x236: {  	(ifvalue) =	ssetifvalue $0xFFFFFFFF  }
0x237: {  	(ifvalue) =	ssetifvalue $0xFFFFFFFF  }
0x238: {  	[tilespmem:s5], [sflag:$0x1] =	stream.indirect_vreg.gather [hbm4b:s1+s3], $0x80, v8, vm0, $0x40b8;
	[tilespmem:$0x10380] =	vst v63  }
.LBB2_9:
0x239: {  	s6 =	simm.s32 $0x0  }
0x23a: {  	v8 =	vmov s6  }
0x23b: {  	v8 =	vadd.s32 $0x100, v8  }
0x23c: {  	_ =	swait.ge [sflag:s14], $0x8000;
	v8 =	vbroadcast v8, $0x0  }
0x23d: {  	[sflag:s14] =	ssyncset.done $0x0  }
0x23e: {  	s19 =	simm.s32 $0x0;
	[sflag:s14] =	ssyncadd.s32 $0xFFFF8000  }
0x23f: {  	v13 =	vld [tilespmem:s19+$0x8000]  }
0x240: {  	v14 =	vld [tilespmem:s19+$0x8070]  }
0x241: {  	v16 =	vld [tilespmem:s19+$0x8010]  }
0x242: {  	v11 =	vld.idx.msk [tilespmem:v8+s28+$0x0], $0xffff  }
0x243: {  	v12 =	vld [tilespmem:s19+$0x8060]  }
0x244: {  	v10 =	vld [tilespmem:s19+$0x8030]  }
0x245: {  	v9 =	vld [tilespmem:s19+$0x8020]  }
0x246: {  	v8 =	vld [tilespmem:s19+$0x8040]  }
0x247: {  	vm1 =	veq.s32 v11, $0x0;
	v11 =	vld [tilespmem:s19+$0x8050];
	_ =	sdelay $0x1  }
0x248: {  	s23 =	simm.s32 $0x200;
	s8 =	simm.s32 $0x400;
	s6 =	simm.s32 $0x1;
	v15 =	vsel vm1, v3, v13;
	v13 =	vsel vm1, v5, v16;
	v14 =	vsel vm1, v7, v14  }
.LBB2_10:
0x249: {  	p2 =	sne.s32 s8, $0x1FE00;
	v16 =	vmov s6;
	[tilespmem:s19+$0x8000] =	vst v15;
	v10 =	vsel vm1, v1, v10;
	v12 =	vsel vm1, v4, v12;
	s10 =	smov.u32 s8;
	s8 =	sadd.s32 $0x200, s8  }
0x24a: {  	v8 =	vsel vm1, v0, v8;
	v15 =	vadd.s32 $0x100, v16;
	v9 =	vsel vm1, v2, v9;
	[tilespmem:s19+$0x8070] =	vst v14  }
0x24b: {  	v14 =	vbroadcast v15, $0x0;
	[tilespmem:s19+$0x8010] =	vst v13;
	v11 =	vsel vm1, v6, v11  }
0x24c: {  	[tilespmem:s19+$0x8040] =	vst v8  }
0x24d: {  	s11 =	sshra.s32 s23, $0x2;
	s23 =	smov.u32 s10;
	[tilespmem:s19+$0x8060] =	vst v12  }
0x24e: {  	v13 =	vld [tilespmem:s11+$0x8000];
	[tilespmem:s19+$0x8050] =	vst v11  }
0x24f: {  	v8 =	vld [tilespmem:s11+$0x8040];
	[tilespmem:s19+$0x8030] =	vst v10  }
0x250: {  	v16 =	vld [tilespmem:s11+$0x8070];
	[tilespmem:s19+$0x8020] =	vst v9;
	s19 =	smov.u32 s11  }
0x251: {  	v14 =	vld.idx.msk [tilespmem:v14+s28+$0x0], $0xffff  }
0x252: {  	v17 =	vld [tilespmem:s19+$0x8010]  }
0x253: {  	v12 =	vld [tilespmem:s19+$0x8060]  }
.Ltmp6:
0x254: {  	v10 =	vld [tilespmem:s19+$0x8030];
	(pc) =	sbr.rel @p2 .LBB2_10-.Ltmp6, $4  }
0x255: {  	v9 =	vld [tilespmem:s19+$0x8020]  }
0x256: {  	v11 =	vld [tilespmem:s19+$0x8050]  }
0x257: {  	vm1 =	veq.s32 v14, $0x0  }
0x258: {  	s6 =	sadd.s32 $0x1, s6;
	v15 =	vsel vm1, v3, v13;
	v13 =	vsel vm1, v5, v17;
	v14 =	vsel vm1, v7, v16  }
0x259: {  	[tilespmem:s19+$0x8000] =	vst v15;
	v8 =	vsel vm1, v0, v8;
	v58 =	vmov s6  }
0x25a: {  	[tilespmem:s19+$0x8040] =	vst v8;
	v8 =	vadd.s32 $0x100, v58  }
0x25b: {  	[tilespmem:s19+$0x8070] =	vst v14;
	v8 =	vbroadcast v8, $0x0  }
0x25c: {  	[tilespmem:s19+$0x8010] =	vst v13;
	v12 =	vsel vm1, v4, v12  }
0x25d: {  	s11 =	sshra.s32 s23, $0x2;
	[tilespmem:s19+$0x8060] =	vst v12;
	v11 =	vsel vm1, v6, v11  }
0x25e: {  	v10 =	vsel vm1, v1, v10;
	v12 =	vld [tilespmem:s11+$0x8000];
	[tilespmem:s19+$0x8050] =	vst v11  }
0x25f: {  	v9 =	vsel vm1, v2, v9;
	v11 =	vld [tilespmem:s11+$0x8040];
	[tilespmem:s19+$0x8030] =	vst v10  }
0x260: {  	v10 =	vld [tilespmem:s11+$0x8070];
	[tilespmem:s19+$0x8020] =	vst v9  }
0x261: {  	v8 =	vld.idx.msk [tilespmem:v8+s28+$0x0], $0xffff;
	_ =	sdelay $0x2  }
0x262: {  	v9 =	vld [tilespmem:s11+$0x8010];
	_ =	sdelay $0x1  }
0x263: {  	v59 =	vld [tilespmem:s11+$0x8060];
	vm1 =	veq.s32 v8, $0x0  }
0x264: {  	v14 =	vld [tilespmem:s11+$0x8030];
	v12 =	vsel vm1, v3, v12  }
0x265: {  	v8 =	vld [tilespmem:s11+$0x8050];
	v10 =	vsel vm1, v7, v10;
	[tilespmem:s11+$0x8000] =	vst v12  }
0x266: {  	v60 =	vld [tilespmem:s11+$0x8020];
	v9 =	vsel vm1, v5, v9;
	[tilespmem:s11+$0x8070] =	vst v10  }
0x267: {  	v61 =	vsel vm1, v0, v11;
	[tilespmem:s11+$0x8010] =	vst v9  }
0x268: {  	v62 =	vsel vm1, v4, v59;
	[tilespmem:s11+$0x8040] =	vst v61  }
0x269: {  	v63 =	vsel vm1, v1, v14;
	[tilespmem:s11+$0x8060] =	vst v62  }
0x26a: {  	[tilespmem:s11+$0x8030] =	vst v63;
	v8 =	vsel vm1, v6, v8  }
0x26b: {  	[tilespmem:s11+$0x8050] =	vst v8;
	v8 =	vsel vm1, v2, v60  }
.Ltmp7:
0x26c: {  	s23 =	rddreg [dreg:$0x13];
	[tilespmem:s11+$0x8020] =	vst v8;
	(pc) =	sbr.rel @p1 .LBB2_18-.Ltmp7, $4  }
0x26d: {  	[hbm4b:s23+s3] =	stream.linear.scatter [tilespmem:s7], [sflag:$0x2], $0x8000, $0x38;
	[tilespmem:$0x10380] =	vst v63  }
0x26e: {  	_ =	swait.ge [sflag:s25], $0x8000  }
0x26f: {  	[sflag:s25] =	ssyncset.done $0x0  }
0x270: {  	[sflag:s25] =	ssyncadd.s32 $0xFFFF8000  }
0x271: {  	s6 =	simm.s32 $0x0;
	_ =	swait.ge [sflag:s14], $0x8000  }
0x272: {  	v8 =	vmov s6;
	[sflag:s14] =	ssyncset.done $0x0  }
0x273: {  	s19 =	simm.s32 $0x40;
	[sflag:s14] =	ssyncadd.s32 $0xFFFF8000  }
0x274: {  	v13 =	vld [tilespmem:s19+$0xFFFFFFC0]  }
0x275: {  	v14 =	vld [tilespmem:s19+$0x30]  }
0x276: {  	v16 =	vld [tilespmem:s19+$0xFFFFFFD0]  }
0x277: {  	v10 =	vld.idx.msk [tilespmem:v8+s28+$0x0], $0xffff  }
0x278: {  	v9 =	vld [tilespmem:s19+$0x10]  }
0x279: {  	v11 =	vld [tilespmem:s19+$0x20]  }
0x27a: {  	v12 =	vld [tilespmem:s19+$0xFFFFFFE0]  }
0x27b: {  	v8 =	vld [tilespmem:s19+$0xFFFFFFF0]  }
0x27c: {  	vm1 =	veq.s32 v10, $0x0;
	v10 =	vld [tilespmem:s19+$0x0];
	_ =	sdelay $0x1  }
0x27d: {  	s8 =	simm.s32 $0x40;
	s6 =	simm.s32 $0x1;
	v15 =	vsel vm1, v3, v13;
	v13 =	vsel vm1, v5, v16;
	v14 =	vsel vm1, v7, v14  }
.LBB2_13:
0x27e: {  	p2 =	sne.s32 s6, $0xFF  }
0x27f: {  	[tilespmem:s19+$0xFFFFFFC0] =	vst v15;
	v12 =	vsel vm1, v2, v12;
	v15 =	vsel vm1, v1, v8;
	v11 =	vsel vm1, v4, v11;
	s8 =	sadd.s32 $0x80, s8;
	s10 =	smov.u32 s6;
	s6 =	sadd.s32 $0x1, s6  }
0x280: {  	v8 =	vsel vm1, v6, v9;
	v10 =	vsel vm1, v0, v10;
	[tilespmem:s19+$0x30] =	vst v14  }
0x281: {  	[tilespmem:s19+$0xFFFFFFD0] =	vst v13  }
0x282: {  	v13 =	vmov s10;
	[tilespmem:s19+$0x10] =	vst v8  }
0x283: {  	v8 =	vld [tilespmem:s8+$0xFFFFFFF0];
	[tilespmem:s19+$0x20] =	vst v11  }
0x284: {  	v14 =	vld [tilespmem:s8+$0xFFFFFFC0];
	[tilespmem:s19+$0xFFFFFFE0] =	vst v12  }
0x285: {  	v9 =	vld [tilespmem:s8+$0x10];
	[tilespmem:s19+$0xFFFFFFF0] =	vst v15  }
0x286: {  	v16 =	vld [tilespmem:s8+$0x30];
	[tilespmem:s19+$0x0] =	vst v10;
	s19 =	smov.u32 s8  }
0x287: {  	v13 =	vld.idx.msk [tilespmem:v13+s28+$0x0], $0xffff  }
0x288: {  	v17 =	vld [tilespmem:s8+$0xFFFFFFD0]  }
0x289: {  	v11 =	vld [tilespmem:s8+$0x20]  }
.Ltmp8:
0x28a: {  	v12 =	vld [tilespmem:s8+$0xFFFFFFE0];
	(pc) =	sbr.rel @p2 .LBB2_13-.Ltmp8, $3  }
0x28b: {  	v10 =	vld [tilespmem:s8+$0x0];
	_ =	sdelay $0x1  }
0x28c: {  	vm1 =	veq.s32 v13, $0x0  }
0x28d: {  	v15 =	vsel vm1, v3, v14;
	v13 =	vsel vm1, v5, v17;
	v14 =	vsel vm1, v7, v16  }
0x28e: {  	[tilespmem:s19+$0xFFFFFFC0] =	vst v15  }
0x28f: {  	[tilespmem:s19+$0x30] =	vst v14  }
0x290: {  	v9 =	vsel vm1, v6, v9;
	[tilespmem:s19+$0xFFFFFFD0] =	vst v13  }
0x291: {  	v11 =	vsel vm1, v4, v11;
	[tilespmem:s19+$0x10] =	vst v9  }
0x292: {  	v62 =	vsel vm1, v2, v12;
	[tilespmem:s19+$0x20] =	vst v11  }
0x293: {  	v8 =	vsel vm1, v1, v8;
	[tilespmem:s19+$0xFFFFFFE0] =	vst v62  }
0x294: {  	v63 =	vsel vm1, v0, v10;
	[tilespmem:s19+$0xFFFFFFF0] =	vst v8  }
.Ltmp9:
0x295: {  	s6 =	rddreg [dreg:$0x10];
	[tilespmem:s19+$0x0] =	vst v63;
	(pc) =	sbr.rel @p0 .LBB2_18-.Ltmp9, $4  }
0x296: {  	[hbm4b:s6+s3] =	stream.linear.scatter [tilespmem:s3], [sflag:$0x2], $0x8000, $0x38;
	[tilespmem:$0x10380] =	vst v63  }
0x297: {  	_ =	swait.ge [sflag:s25], $0x8000  }
0x298: {  	[sflag:s25] =	ssyncset.done $0x0  }
0x299: {  	[sflag:s25] =	ssyncadd.s32 $0xFFFF8000  }
0x29a: {  	s6 =	simm.s32 $0x0;
	s8 =	rddreg [dreg:$0x14]  }
0x29b: {  	[tilespmem:s26], [sflag:$0x2] =	stream.linear.gather [hbm4b:s8+s6], $0x20, $0x38;
	[tilespmem:$0x10380] =	vst v63  }
0x29c: {  	_ =	swait.ge [sflag:s25], $0x20  }
0x29d: {  	[sflag:s25] =	ssyncset.done $0x0  }
0x29e: {  	s23 =	rddreg [dreg:$0x15];
	[sflag:s25] =	ssyncadd.s32 $0xFFFFFFE0  }
0x29f: {  	[tilespmem:s28], [sflag:$0x2] =	stream.linear.gather [hbm4b:s23+s6], $0x20, $0x38;
	[tilespmem:$0x10380] =	vst v63  }
0x2a0: {  	_ =	swait.ge [sflag:s25], $0x20  }
0x2a1: {  	[sflag:s25] =	ssyncset.done $0x0  }
0x2a2: {  	[sflag:s25] =	ssyncadd.s32 $0xFFFFFFE0  }
0x2a3: {  	v8 =	vld [tilespmem:$0x10000];
	_ =	sdelay $0x5  }
0x2a4: {  	(ifvalue) =	ssetifvalue $0xFFFFFFFF  }
0x2a5: {  	(ifvalue) =	ssetifvalue $0xFFFFFFFF  }
0x2a6: {  	[tilespmem:s6], [sflag:$0x1] =	stream.indirect_vreg.gather [hbm4b:s1+s6], $0x80, v8, vm0, $0x40b8;
	[tilespmem:$0x10380] =	vst v63  }
0x2a7: {  	v8 =	vld [tilespmem:$0x10010];
	_ =	sdelay $0x5  }
0x2a8: {  	(ifvalue) =	ssetifvalue $0xFFFFFFFF  }
0x2a9: {  	(ifvalue) =	ssetifvalue $0xFFFFFFFF  }
0x2aa: {  	[tilespmem:s29], [sflag:$0x1] =	stream.indirect_vreg.gather [hbm4b:s1+s6], $0x80, v8, vm0, $0x40b8;
	[tilespmem:$0x10380] =	vst v63  }
0x2ab: {  	_ =	swait.ge [sflag:s14], $0x1000  }
0x2ac: {  	v8 =	vmov s6;
	[sflag:s14] =	ssyncset.done $0x0  }
0x2ad: {  	s19 =	simm.s32 $0x40;
	[sflag:s14] =	ssyncadd.s32 $0xFFFFF000  }
0x2ae: {  	v13 =	vld [tilespmem:s19+$0xFFFFFFC0]  }
0x2af: {  	v14 =	vld [tilespmem:s19+$0x30]  }
0x2b0: {  	v16 =	vld [tilespmem:s19+$0xFFFFFFD0]  }
0x2b1: {  	v10 =	vld.idx.msk [tilespmem:v8+s28+$0x0], $0xffff  }
0x2b2: {  	v9 =	vld [tilespmem:s19+$0x10]  }
0x2b3: {  	v11 =	vld [tilespmem:s19+$0x20]  }
0x2b4: {  	v12 =	vld [tilespmem:s19+$0xFFFFFFE0]  }
0x2b5: {  	v8 =	vld [tilespmem:s19+$0xFFFFFFF0]  }
0x2b6: {  	vm1 =	veq.s32 v10, $0x0;
	v10 =	vld [tilespmem:s19+$0x0];
	_ =	sdelay $0x1  }
0x2b7: {  	s8 =	simm.s32 $0x40;
	s6 =	simm.s32 $0x1;
	v15 =	vsel vm1, v3, v13;
	v13 =	vsel vm1, v5, v16;
	v14 =	vsel vm1, v7, v14  }
.LBB2_16:
0x2b8: {  	p2 =	sne.s32 s6, $0x1F  }
0x2b9: {  	[tilespmem:s19+$0xFFFFFFC0] =	vst v15;
	v12 =	vsel vm1, v2, v12;
	v15 =	vsel vm1, v1, v8;
	v11 =	vsel vm1, v4, v11;
	s8 =	sadd.s32 $0x80, s8;
	s10 =	smov.u32 s6;
	s6 =	sadd.s32 $0x1, s6  }
0x2ba: {  	v10 =	vsel vm1, v0, v10;
	v8 =	vsel vm1, v6, v9;
	[tilespmem:s19+$0x30] =	vst v14  }
0x2bb: {  	[tilespmem:s19+$0xFFFFFFD0] =	vst v13  }
0x2bc: {  	v13 =	vmov s10;
	[tilespmem:s19+$0x10] =	vst v8  }
0x2bd: {  	v8 =	vld [tilespmem:s8+$0xFFFFFFF0];
	[tilespmem:s19+$0x20] =	vst v11  }
0x2be: {  	v14 =	vld [tilespmem:s8+$0xFFFFFFC0];
	[tilespmem:s19+$0xFFFFFFE0] =	vst v12  }
0x2bf: {  	v9 =	vld [tilespmem:s8+$0x10];
	[tilespmem:s19+$0xFFFFFFF0] =	vst v15  }
0x2c0: {  	v16 =	vld [tilespmem:s8+$0x30];
	[tilespmem:s19+$0x0] =	vst v10;
	s19 =	smov.u32 s8  }
0x2c1: {  	v13 =	vld.idx.msk [tilespmem:v13+s28+$0x0], $0xffff  }
0x2c2: {  	v17 =	vld [tilespmem:s8+$0xFFFFFFD0]  }
0x2c3: {  	v11 =	vld [tilespmem:s8+$0x20]  }
.Ltmp10:
0x2c4: {  	v12 =	vld [tilespmem:s8+$0xFFFFFFE0];
	(pc) =	sbr.rel @p2 .LBB2_16-.Ltmp10, $3  }
0x2c5: {  	v10 =	vld [tilespmem:s8+$0x0];
	_ =	sdelay $0x1  }
0x2c6: {  	vm1 =	veq.s32 v13, $0x0  }
0x2c7: {  	v15 =	vsel vm1, v3, v14;
	v13 =	vsel vm1, v5, v17;
	v14 =	vsel vm1, v7, v16  }
.Ltmp11:
0x2c8: {  	_ = 	snop;
	(pc) =	sbr.rel .LBB2_17-.Ltmp11, $1  }
0x2c9: {  	_ =	sdelay $0x3  }
.LBB2_19:
0x2ca: {  	_ =	sfence.sel $0x180000  }
0x2cb: {  	[bflag:$0x0] =	sbarrier.arrive $0xFFFF  }
0x2cc: {  	_ =	strace $0x90000047  }
0x2cd: {  	[bflag:$0x2] =	sbarrier.arrive $0xFFFF  }
0x2ce: {  	s0 =	rddreg [dreg:$0x4]  }
0x2cf: {  	s0 =	sadd.s32 @!p0 $0x100000, s0  }
0x2d0: {  	[sflag:s0] =	ssyncadd.tile.s32 @!p0 $0x1;
	_ =	shalt  }
.Lfunc_end2:
_tile_overlayer_lowered:
.L_overlay_start_2:
0x2d1: {  	(tag) =	ssettag $0x2  }
0x2d2: {  	s0 =	rddreg [dreg:$0x0];
	s2 =	stileid.u32  }
0x2d3: {  	s1 =	rddreg [dreg:$0x1];
	p0 =	sne.s32 s2, $0x0  }
0x2d4: {  	s3 =	rddreg [dreg:$0x2];
	[bflag:$0x3] =	sbarrier.arrive $0xFFFF;
	s2 =	simm.s32 @!p0 $0x1C02  }
0x2d5: {  	[timem:s3], [sflag:s2] =	dma.local @!p0 [hbm:s0], s1  }
0x2d6: {  	s0 =	simm.s32 @!p0 $0x2  }
0x2d7: {  	_ =	swait.ge @!p0 [sflag:s0], s1  }
0x2d8: {  	s1 =	ssub.s32 @!p0 $0x0, s1;
	[sflag:s0] =	ssyncset.done @!p0 $0x0  }
0x2d9: {  	[sflag:s0] =	ssyncadd.s32 @!p0 s1  }
0x2da: {  	[bflag:$0x3] =	sbarrier.arrive $0xFFFF  }
0x2db: {  	_ =	shalt  }

</sc_bundles>
